<compile_context>
chip_gen: v7x
topology: tpu7x:2x2x1
jax: 0.10.2.dev20260603
libtpu: 0.0.44.dev20260713+nightly
codegen_flags: <defaults>
</compile_context>

<pallas_src>
import functools

import jax
import jax.numpy as jnp
from jax import lax
from jax.experimental import pallas as pl
from jax.experimental.pallas import tpu as pltpu
from jax.experimental.pallas import tpu_sc as plsc

B, L, V = 4096, 200, 1000000
VT = 1 << 20
VC = 1000064
N = B * L
NC, NS, LANES = 2, 16, 16
NW = NC * NS
PER_W = N // NW

PROD_PER_S = 62496
PROD_CHUNK = 10416
PROD_NCHUNK = 6
PROD_TAIL_OFF = NS * PROD_PER_S
PROD_TAIL = VC - PROD_TAIL_OFF


def _body(idx_hbm, tf_hbm, idf_hbm, out_hbm,
          idx_v, val_v, comb_sh, sem, sem_idx):
    c = lax.axis_index("c")
    s = lax.axis_index("s")
    wid = s * NC + c
    gbase = wid * PER_W

    cp_idx = pltpu.async_copy(idx_hbm.at[pl.ds(gbase, PER_W)], idx_v,
                              sem_idx)

    tf_c = val_v.at[pl.ds(0, PROD_CHUNK)]
    idf_c = val_v.at[pl.ds(12800, PROD_CHUNK)]
    pbase = s * PROD_PER_S

    def mul_chunk(n_vec, tf_ref, idf_ref):
        def step(i, _):
            sl = pl.ds(i * LANES, LANES)
            tf_ref[sl] = tf_ref[sl] * idf_ref[sl]
            return 0
        lax.fori_loop(0, n_vec, step, 0, unroll=8)

    for k in range(PROD_NCHUNK):
        off = pbase + k * PROD_CHUNK
        pltpu.sync_copy(tf_hbm.at[pl.ds(off, PROD_CHUNK)], tf_c)
        pltpu.sync_copy(idf_hbm.at[pl.ds(off, PROD_CHUNK)], idf_c)
        mul_chunk(PROD_CHUNK // LANES, tf_c, idf_c)
        pltpu.sync_copy(tf_c, comb_sh.at[pl.ds(off, PROD_CHUNK)])

    @pl.when(s == NS - 1)
    def _tail():
        tf_t = tf_c.at[pl.ds(0, PROD_TAIL)]
        idf_t = idf_c.at[pl.ds(0, PROD_TAIL)]
        pltpu.sync_copy(tf_hbm.at[pl.ds(PROD_TAIL_OFF, PROD_TAIL)], tf_t)
        pltpu.sync_copy(idf_hbm.at[pl.ds(PROD_TAIL_OFF, PROD_TAIL)], idf_t)
        mul_chunk(PROD_TAIL // LANES, tf_t, idf_t)
        pltpu.sync_copy(tf_t, comb_sh.at[pl.ds(PROD_TAIL_OFF, PROD_TAIL)])

    plsc.subcore_barrier()

    cp_idx.wait()
    pltpu.async_copy(comb_sh.at[idx_v], val_v, sem).wait()
    pltpu.sync_copy(val_v, out_hbm.at[pl.ds(gbase, PER_W)])


@jax.jit
def _tfidf(idx_flat, tf_lin, idf_lin):
    mesh = plsc.VectorSubcoreMesh(core_axis_name="c", subcore_axis_name="s")
    fn = pl.kernel(
        _body,
        out_type=jax.ShapeDtypeStruct((N,), jnp.float32),
        mesh=mesh,
        scratch_types=[
            pltpu.VMEM((PER_W,), jnp.int32),
            pltpu.VMEM((PER_W,), jnp.float32),
            pltpu.VMEM_SHARED((VC,), jnp.float32),
            pltpu.SemaphoreType.DMA,
            pltpu.SemaphoreType.DMA,
        ],
    )
    return fn(idx_flat, tf_lin, idf_lin)


def kernel(indices, w_es, instance, tf_table, idf_table):
    idx_flat = indices.reshape(N).astype(jnp.int32)
    tf_lin = jnp.pad(tf_table, ((0, VT - V), (0, 0))).reshape(VT)
    idf_lin = jnp.pad(idf_table, ((0, VT - V), (0, 0))).reshape(VT)
    out = _tfidf(idx_flat, tf_lin, idf_lin)
    return out.reshape(B, L)

# --- scband reference (transcript-rebuilt; emitter-appended) ---
"""Pipeline reference for scband-tfidf-weights-63694365000149 (READ-ONLY COPY).

The authoritative reference and input builder live on the scoring server;
editing this copy changes nothing except your own understanding.
"""

import jax, jax.numpy as jnp
import numpy as np

B, L, V, D = 4096, 200, 1000000, 32

def setup_inputs(seed: int = 0) -> dict:
    key = jax.random.key(seed)
    k1, k2, k3, k4, k5 = jax.random.split(key, 5)
    indices = jax.random.randint(k1, (B, L), 0, V)
    w_es = jax.random.normal(k2, (B, L, D), dtype=jnp.float32)
    instance = jax.random.uniform(k3, (B, L), dtype=jnp.float32)
    tf_table = jax.random.normal(k4, (V, 1), dtype=jnp.float32)
    idf_table = jax.random.normal(k5, (V, 1), dtype=jnp.float32)
    return {"indices": indices, "w_es": w_es, "instance": instance, "tf_table": tf_table, "idf_table": idf_table}

def reference(indices, w_es, instance, tf_table, idf_table):
    # tf_weights module: learned per-token tf weight table, gathered by indices -> [B, L]
    weights = jnp.take(tf_table, indices, axis=0)[..., 0]
    # self.idf_emb(indices).squeeze(2): embedding gather [B, L, 1] -> squeeze axis 2 -> [B, L]
    idf_batch = jnp.take(idf_table, indices, axis=0)[..., 0]
    tfidf_weights = weights * idf_batch
    return tfidf_weights

if __name__ == "__main__":
    import jax
    _d = setup_inputs()
    print(jax.jit(kernel)(*tuple(_d.values())))

</pallas_src>

<mosaic_0001>
#map = affine_map<(d0, d1) -> (0)>
module attributes {stable_mosaic.version = 14 : i64} {
  func.func @_body(%arg0: i32, %arg1: i32, %arg2: memref<819200xi32, #tpu.memory_space<hbm>>, %arg3: memref<1048576xf32, #tpu.memory_space<hbm>>, %arg4: memref<1048576xf32, #tpu.memory_space<hbm>>, %arg5: memref<819200xf32, #tpu.memory_space<hbm>>, %arg6: memref<25600xi32, #tpu.memory_space<vmem>>, %arg7: memref<25600xf32, #tpu.memory_space<vmem>>, %arg8: memref<1000064xf32, #tpu.memory_space<vmem_shared>>, %arg9: memref<!tpu.dma_semaphore, #tpu.memory_space<semaphore_mem>>, %arg10: memref<!tpu.dma_semaphore, #tpu.memory_space<semaphore_mem>>) attributes {dimension_semantics = [#tpu.dimension_semantics<core_parallel>, #tpu.dimension_semantics<subcore_parallel>], iteration_bounds = array<i64: 2, 16>, scalar_prefetch = 0 : i64, scratch_operands = 5 : i64, tpu.core_type = #tpu.core_type<sc_vector_subcore>, window_params = [{transform_indices = #map}, {transform_indices = #map}, {transform_indices = #map}, {transform_indices = #map}]} {
    %mul3A = arith.constant 2 : i32
    %mul3A_0 = arith.muli %arg1, %mul3A : i32
    %add3A = arith.addi %mul3A_0, %arg0 : i32
    %mul3A_1 = arith.constant 25600 : i32
    %mul3A_2 = arith.muli %add3A, %mul3A_1 : i32
    %dma_start3A = tpu.memref_slice %arg2[%mul3A_2] : memref<819200xi32, #tpu.memory_space<hbm>> -> memref<25600xi32, #tpu.memory_space<hbm>>
    %dma_start3A_3 = tpu.memref_slice %arg2[%mul3A_2] : memref<819200xi32, #tpu.memory_space<hbm>> -> memref<25600xi32, #tpu.memory_space<hbm>>
    tpu.enqueue_dma source(%dma_start3A_3 : memref<25600xi32, #tpu.memory_space<hbm>>) target(%arg6 : memref<25600xi32, #tpu.memory_space<vmem>>) target_semaphore(%arg10 : memref<!tpu.dma_semaphore, #tpu.memory_space<semaphore_mem>>)
    %mul3A_4 = arith.constant 62496 : i32
    %mul3A_5 = arith.muli %arg1, %mul3A_4 : i32
    %add3A_6 = arith.constant 0 : i32
    %add3A_7 = arith.addi %mul3A_5, %add3A_6 : i32
    "tpu.region"() ({
      %run_scoped3A = tpu.sem_alloc : memref<!tpu.dma_semaphore, #tpu.memory_space<semaphore_mem>>
      %dma_start3A_460 = arith.constant 0 : i32
      %dma_start3A_461 = tpu.memref_slice %arg7[%dma_start3A_460] : memref<25600xf32, #tpu.memory_space<vmem>> -> memref<10416xf32, #tpu.memory_space<vmem>>
      %dma_start3A_462 = tpu.memref_slice %arg3[%add3A_7] : memref<1048576xf32, #tpu.memory_space<hbm>> -> memref<10416xf32, #tpu.memory_space<hbm>>
      %dma_start3A_463 = arith.constant 0 : i32
      %dma_start3A_464 = tpu.memref_slice %arg7[%dma_start3A_463] : memref<25600xf32, #tpu.memory_space<vmem>> -> memref<10416xf32, #tpu.memory_space<vmem>>
      %dma_start3A_465 = tpu.memref_slice %arg3[%add3A_7] : memref<1048576xf32, #tpu.memory_space<hbm>> -> memref<10416xf32, #tpu.memory_space<hbm>>
      tpu.enqueue_dma source(%dma_start3A_465 : memref<10416xf32, #tpu.memory_space<hbm>>) target(%dma_start3A_464 : memref<10416xf32, #tpu.memory_space<vmem>>) target_semaphore(%run_scoped3A : memref<!tpu.dma_semaphore, #tpu.memory_space<semaphore_mem>>)
      %dma_wait3A_466 = arith.constant 0 : i32
      %dma_wait3A_467 = tpu.memref_slice %arg7[%dma_wait3A_466] : memref<25600xf32, #tpu.memory_space<vmem>> -> memref<10416xf32, #tpu.memory_space<vmem>>
      %dma_wait3A_468 = tpu.memref_slice %arg3[%add3A_7] : memref<1048576xf32, #tpu.memory_space<hbm>> -> memref<10416xf32, #tpu.memory_space<hbm>>
      %dma_wait3A_469 = arith.constant 0 : i32
      %dma_wait3A_470 = tpu.memref_slice %arg7[%dma_wait3A_469] : memref<25600xf32, #tpu.memory_space<vmem>> -> memref<10416xf32, #tpu.memory_space<vmem>>
      %dma_wait3A_471 = tpu.memref_slice %arg3[%add3A_7] : memref<1048576xf32, #tpu.memory_space<hbm>> -> memref<10416xf32, #tpu.memory_space<hbm>>
      tpu.wait_dma2 semaphore(%run_scoped3A : memref<!tpu.dma_semaphore, #tpu.memory_space<semaphore_mem>>) src(%dma_wait3A_471 : memref<10416xf32, #tpu.memory_space<hbm>>) dst(%dma_wait3A_470 : memref<10416xf32, #tpu.memory_space<vmem>>)
      tpu.yield
    }) : () -> ()
    "tpu.region"() ({
      %run_scoped3A = tpu.sem_alloc : memref<!tpu.dma_semaphore, #tpu.memory_space<semaphore_mem>>
      %dma_start3A_460 = arith.constant 12800 : i32
      %dma_start3A_461 = tpu.memref_slice %arg7[%dma_start3A_460] : memref<25600xf32, #tpu.memory_space<vmem>> -> memref<10416xf32, #tpu.memory_space<vmem>>
      %dma_start3A_462 = tpu.memref_slice %arg4[%add3A_7] : memref<1048576xf32, #tpu.memory_space<hbm>> -> memref<10416xf32, #tpu.memory_space<hbm>>
      %dma_start3A_463 = arith.constant 12800 : i32
      %dma_start3A_464 = tpu.memref_slice %arg7[%dma_start3A_463] : memref<25600xf32, #tpu.memory_space<vmem>> -> memref<10416xf32, #tpu.memory_space<vmem>>
      %dma_start3A_465 = tpu.memref_slice %arg4[%add3A_7] : memref<1048576xf32, #tpu.memory_space<hbm>> -> memref<10416xf32, #tpu.memory_space<hbm>>
      tpu.enqueue_dma source(%dma_start3A_465 : memref<10416xf32, #tpu.memory_space<hbm>>) target(%dma_start3A_464 : memref<10416xf32, #tpu.memory_space<vmem>>) target_semaphore(%run_scoped3A : memref<!tpu.dma_semaphore, #tpu.memory_space<semaphore_mem>>)
      %dma_wait3A_466 = arith.constant 12800 : i32
      %dma_wait3A_467 = tpu.memref_slice %arg7[%dma_wait3A_466] : memref<25600xf32, #tpu.memory_space<vmem>> -> memref<10416xf32, #tpu.memory_space<vmem>>
      %dma_wait3A_468 = tpu.memref_slice %arg4[%add3A_7] : memref<1048576xf32, #tpu.memory_space<hbm>> -> memref<10416xf32, #tpu.memory_space<hbm>>
      %dma_wait3A_469 = arith.constant 12800 : i32
      %dma_wait3A_470 = tpu.memref_slice %arg7[%dma_wait3A_469] : memref<25600xf32, #tpu.memory_space<vmem>> -> memref<10416xf32, #tpu.memory_space<vmem>>
      %dma_wait3A_471 = tpu.memref_slice %arg4[%add3A_7] : memref<1048576xf32, #tpu.memory_space<hbm>> -> memref<10416xf32, #tpu.memory_space<hbm>>
      tpu.wait_dma2 semaphore(%run_scoped3A : memref<!tpu.dma_semaphore, #tpu.memory_space<semaphore_mem>>) src(%dma_wait3A_471 : memref<10416xf32, #tpu.memory_space<hbm>>) dst(%dma_wait3A_470 : memref<10416xf32, #tpu.memory_space<vmem>>)
      tpu.yield
    }) : () -> ()
    %scan3A = arith.constant 0 : i32
    %scan3A_8 = arith.constant 0 : i32
    %scan3A_9 = arith.constant 648 : i32
    %scan3A_10 = arith.addi %scan3A_8, %scan3A_9 : i32
    %scan3A_11 = arith.constant 8 : i32
    %scan3A_12 = scf.for %scan3A_460 = %scan3A_8 to %scan3A_10 step %scan3A_11 iter_args(%scan3A_461 = %scan3A) -> (i32)  : i32 {
      %mul3A_462 = arith.constant 16 : i32
      %mul3A_463 = arith.muli %scan3A_460, %mul3A_462 : i32
      %get3A_464 = arith.constant 0 : i32
      %get3A_465 = tpu.memref_slice %arg7[%get3A_464] : memref<25600xf32, #tpu.memory_space<vmem>> -> memref<10416xf32, #tpu.memory_space<vmem>>
      %get3A_466 = arith.index_cast %mul3A_463 : i32 to index
      %get3A_467 = tpu.vector_load %get3A_465[%get3A_466] {strides = array<i32>} : memref<10416xf32, #tpu.memory_space<vmem>>, vector<16xf32>,
      %get3A_468 = vector.shape_cast %get3A_467 : vector<16xf32> to vector<16xf32>
      %get3A_469 = arith.constant 12800 : i32
      %get3A_470 = tpu.memref_slice %arg7[%get3A_469] : memref<25600xf32, #tpu.memory_space<vmem>> -> memref<10416xf32, #tpu.memory_space<vmem>>
      %get3A_471 = arith.index_cast %mul3A_463 : i32 to index
      %get3A_472 = tpu.vector_load %get3A_470[%get3A_471] {strides = array<i32>} : memref<10416xf32, #tpu.memory_space<vmem>>, vector<16xf32>,
      %get3A_473 = vector.shape_cast %get3A_472 : vector<16xf32> to vector<16xf32>
      %mul3A_474 = arith.mulf %get3A_468, %get3A_473 : vector<16xf32>
      %swap3A_475 = arith.constant 0 : i32
      %swap3A_476 = tpu.memref_slice %arg7[%swap3A_475] : memref<25600xf32, #tpu.memory_space<vmem>> -> memref<10416xf32, #tpu.memory_space<vmem>>
      %swap3A_477 = arith.index_cast %mul3A_463 : i32 to index
      %swap3A_478 = tpu.vector_load %swap3A_476[%swap3A_477] {strides = array<i32>} : memref<10416xf32, #tpu.memory_space<vmem>>, vector<16xf32>,
      %swap3A_479 = vector.shape_cast %swap3A_478 : vector<16xf32> to vector<16xf32>
      %swap3A_480 = vector.shape_cast %mul3A_474 : vector<16xf32> to vector<16xf32>
      tpu.vector_store %swap3A_476[%swap3A_477], %swap3A_480 {strides = array<i32>} : memref<10416xf32, #tpu.memory_space<vmem>>, vector<16xf32>,
      %scan3A_481 = arith.constant 0 : i32
      %scan3A_482 = arith.constant 1 : i32
      %scan3A_483 = arith.addi %scan3A_460, %scan3A_482 : i32
      %mul3A_484 = arith.constant 16 : i32
      %mul3A_485 = arith.muli %scan3A_483, %mul3A_484 : i32
      %get3A_486 = arith.constant 0 : i32
      %get3A_487 = tpu.memref_slice %arg7[%get3A_486] : memref<25600xf32, #tpu.memory_space<vmem>> -> memref<10416xf32, #tpu.memory_space<vmem>>
      %get3A_488 = arith.index_cast %mul3A_485 : i32 to index
      %get3A_489 = tpu.vector_load %get3A_487[%get3A_488] {strides = array<i32>} : memref<10416xf32, #tpu.memory_space<vmem>>, vector<16xf32>,
      %get3A_490 = vector.shape_cast %get3A_489 : vector<16xf32> to vector<16xf32>
      %get3A_491 = arith.constant 12800 : i32
      %get3A_492 = tpu.memref_slice %arg7[%get3A_491] : memref<25600xf32, #tpu.memory_space<vmem>> -> memref<10416xf32, #tpu.memory_space<vmem>>
      %get3A_493 = arith.index_cast %mul3A_485 : i32 to index
      %get3A_494 = tpu.vector_load %get3A_492[%get3A_493] {strides = array<i32>} : memref<10416xf32, #tpu.memory_space<vmem>>, vector<16xf32>,
      %get3A_495 = vector.shape_cast %get3A_494 : vector<16xf32> to vector<16xf32>
      %mul3A_496 = arith.mulf %get3A_490, %get3A_495 : vector<16xf32>
      %swap3A_497 = arith.constant 0 : i32
      %swap3A_498 = tpu.memref_slice %arg7[%swap3A_497] : memref<25600xf32, #tpu.memory_space<vmem>> -> memref<10416xf32, #tpu.memory_space<vmem>>
      %swap3A_499 = arith.index_cast %mul3A_485 : i32 to index
      %swap3A_500 = tpu.vector_load %swap3A_498[%swap3A_499] {strides = array<i32>} : memref<10416xf32, #tpu.memory_space<vmem>>, vector<16xf32>,
      %swap3A_501 = vector.shape_cast %swap3A_500 : vector<16xf32> to vector<16xf32>
      %swap3A_502 = vector.shape_cast %mul3A_496 : vector<16xf32> to vector<16xf32>
      tpu.vector_store %swap3A_498[%swap3A_499], %swap3A_502 {strides = array<i32>} : memref<10416xf32, #tpu.memory_space<vmem>>, vector<16xf32>,
      %scan3A_503 = arith.constant 0 : i32
      %scan3A_504 = arith.constant 2 : i32
      %scan3A_505 = arith.addi %scan3A_460, %scan3A_504 : i32
      %mul3A_506 = arith.constant 16 : i32
      %mul3A_507 = arith.muli %scan3A_505, %mul3A_506 : i32
      %get3A_508 = arith.constant 0 : i32
      %get3A_509 = tpu.memref_slice %arg7[%get3A_508] : memref<25600xf32, #tpu.memory_space<vmem>> -> memref<10416xf32, #tpu.memory_space<vmem>>
      %get3A_510 = arith.index_cast %mul3A_507 : i32 to index
      %get3A_511 = tpu.vector_load %get3A_509[%get3A_510] {strides = array<i32>} : memref<10416xf32, #tpu.memory_space<vmem>>, vector<16xf32>,
      %get3A_512 = vector.shape_cast %get3A_511 : vector<16xf32> to vector<16xf32>
      %get3A_513 = arith.constant 12800 : i32
      %get3A_514 = tpu.memref_slice %arg7[%get3A_513] : memref<25600xf32, #tpu.memory_space<vmem>> -> memref<10416xf32, #tpu.memory_space<vmem>>
      %get3A_515 = arith.index_cast %mul3A_507 : i32 to index
      %get3A_516 = tpu.vector_load %get3A_514[%get3A_515] {strides = array<i32>} : memref<10416xf32, #tpu.memory_space<vmem>>, vector<16xf32>,
      %get3A_517 = vector.shape_cast %get3A_516 : vector<16xf32> to vector<16xf32>
      %mul3A_518 = arith.mulf %get3A_512, %get3A_517 : vector<16xf32>
      %swap3A_519 = arith.constant 0 : i32
      %swap3A_520 = tpu.memref_slice %arg7[%swap3A_519] : memref<25600xf32, #tpu.memory_space<vmem>> -> memref<10416xf32, #tpu.memory_space<vmem>>
      %swap3A_521 = arith.index_cast %mul3A_507 : i32 to index
      %swap3A_522 = tpu.vector_load %swap3A_520[%swap3A_521] {strides = array<i32>} : memref<10416xf32, #tpu.memory_space<vmem>>, vector<16xf32>,
      %swap3A_523 = vector.shape_cast %swap3A_522 : vector<16xf32> to vector<16xf32>
      %swap3A_524 = vector.shape_cast %mul3A_518 : vector<16xf32> to vector<16xf32>
      tpu.vector_store %swap3A_520[%swap3A_521], %swap3A_524 {strides = array<i32>} : memref<10416xf32, #tpu.memory_space<vmem>>, vector<16xf32>,
      %scan3A_525 = arith.constant 0 : i32
      %scan3A_526 = arith.constant 3 : i32
      %scan3A_527 = arith.addi %scan3A_460, %scan3A_526 : i32
      %mul3A_528 = arith.constant 16 : i32
      %mul3A_529 = arith.muli %scan3A_527, %mul3A_528 : i32
      %get3A_530 = arith.constant 0 : i32
      %get3A_531 = tpu.memref_slice %arg7[%get3A_530] : memref<25600xf32, #tpu.memory_space<vmem>> -> memref<10416xf32, #tpu.memory_space<vmem>>
      %get3A_532 = arith.index_cast %mul3A_529 : i32 to index
      %get3A_533 = tpu.vector_load %get3A_531[%get3A_532] {strides = array<i32>} : memref<10416xf32, #tpu.memory_space<vmem>>, vector<16xf32>,
      %get3A_534 = vector.shape_cast %get3A_533 : vector<16xf32> to vector<16xf32>
      %get3A_535 = arith.constant 12800 : i32
      %get3A_536 = tpu.memref_slice %arg7[%get3A_535] : memref<25600xf32, #tpu.memory_space<vmem>> -> memref<10416xf32, #tpu.memory_space<vmem>>
      %get3A_537 = arith.index_cast %mul3A_529 : i32 to index
      %get3A_538 = tpu.vector_load %get3A_536[%get3A_537] {strides = array<i32>} : memref<10416xf32, #tpu.memory_space<vmem>>, vector<16xf32>,
      %get3A_539 = vector.shape_cast %get3A_538 : vector<16xf32> to vector<16xf32>
      %mul3A_540 = arith.mulf %get3A_534, %get3A_539 : vector<16xf32>
      %swap3A_541 = arith.constant 0 : i32
      %swap3A_542 = tpu.memref_slice %arg7[%swap3A_541] : memref<25600xf32, #tpu.memory_space<vmem>> -> memref<10416xf32, #tpu.memory_space<vmem>>
      %swap3A_543 = arith.index_cast %mul3A_529 : i32 to index
      %swap3A_544 = tpu.vector_load %swap3A_542[%swap3A_543] {strides = array<i32>} : memref<10416xf32, #tpu.memory_space<vmem>>, vector<16xf32>,
      %swap3A_545 = vector.shape_cast %swap3A_544 : vector<16xf32> to vector<16xf32>
      %swap3A_546 = vector.shape_cast %mul3A_540 : vector<16xf32> to vector<16xf32>
      tpu.vector_store %swap3A_542[%swap3A_543], %swap3A_546 {strides = array<i32>} : memref<10416xf32, #tpu.memory_space<vmem>>, vector<16xf32>,
      %scan3A_547 = arith.constant 0 : i32
      %scan3A_548 = arith.constant 4 : i32
      %scan3A_549 = arith.addi %scan3A_460, %scan3A_548 : i32
      %mul3A_550 = arith.constant 16 : i32
      %mul3A_551 = arith.muli %scan3A_549, %mul3A_550 : i32
      %get3A_552 = arith.constant 0 : i32
      %get3A_553 = tpu.memref_slice %arg7[%get3A_552] : memref<25600xf32, #tpu.memory_space<vmem>> -> memref<10416xf32, #tpu.memory_space<vmem>>
      %get3A_554 = arith.index_cast %mul3A_551 : i32 to index
      %get3A_555 = tpu.vector_load %get3A_553[%get3A_554] {strides = array<i32>} : memref<10416xf32, #tpu.memory_space<vmem>>, vector<16xf32>,
      %get3A_556 = vector.shape_cast %get3A_555 : vector<16xf32> to vector<16xf32>
      %get3A_557 = arith.constant 12800 : i32
      %get3A_558 = tpu.memref_slice %arg7[%get3A_557] : memref<25600xf32, #tpu.memory_space<vmem>> -> memref<10416xf32, #tpu.memory_space<vmem>>
      %get3A_559 = arith.index_cast %mul3A_551 : i32 to index
      %get3A_560 = tpu.vector_load %get3A_558[%get3A_559] {strides = array<i32>} : memref<10416xf32, #tpu.memory_space<vmem>>, vector<16xf32>,
      %get3A_561 = vector.shape_cast %get3A_560 : vector<16xf32> to vector<16xf32>
      %mul3A_562 = arith.mulf %get3A_556, %get3A_561 : vector<16xf32>
      %swap3A_563 = arith.constant 0 : i32
      %swap3A_564 = tpu.memref_slice %arg7[%swap3A_563] : memref<25600xf32, #tpu.memory_space<vmem>> -> memref<10416xf32, #tpu.memory_space<vmem>>
      %swap3A_565 = arith.index_cast %mul3A_551 : i32 to index
      %swap3A_566 = tpu.vector_load %swap3A_564[%swap3A_565] {strides = array<i32>} : memref<10416xf32, #tpu.memory_space<vmem>>, vector<16xf32>,
      %swap3A_567 = vector.shape_cast %swap3A_566 : vector<16xf32> to vector<16xf32>
      %swap3A_568 = vector.shape_cast %mul3A_562 : vector<16xf32> to vector<16xf32>
      tpu.vector_store %swap3A_564[%swap3A_565], %swap3A_568 {strides = array<i32>} : memref<10416xf32, #tpu.memory_space<vmem>>, vector<16xf32>,
      %scan3A_569 = arith.constant 0 : i32
      %scan3A_570 = arith.constant 5 : i32
      %scan3A_571 = arith.addi %scan3A_460, %scan3A_570 : i32
      %mul3A_572 = arith.constant 16 : i32
      %mul3A_573 = arith.muli %scan3A_571, %mul3A_572 : i32
      %get3A_574 = arith.constant 0 : i32
      %get3A_575 = tpu.memref_slice %arg7[%get3A_574] : memref<25600xf32, #tpu.memory_space<vmem>> -> memref<10416xf32, #tpu.memory_space<vmem>>
      %get3A_576 = arith.index_cast %mul3A_573 : i32 to index
      %get3A_577 = tpu.vector_load %get3A_575[%get3A_576] {strides = array<i32>} : memref<10416xf32, #tpu.memory_space<vmem>>, vector<16xf32>,
      %get3A_578 = vector.shape_cast %get3A_577 : vector<16xf32> to vector<16xf32>
      %get3A_579 = arith.constant 12800 : i32
      %get3A_580 = tpu.memref_slice %arg7[%get3A_579] : memref<25600xf32, #tpu.memory_space<vmem>> -> memref<10416xf32, #tpu.memory_space<vmem>>
      %get3A_581 = arith.index_cast %mul3A_573 : i32 to index
      %get3A_582 = tpu.vector_load %get3A_580[%get3A_581] {strides = array<i32>} : memref<10416xf32, #tpu.memory_space<vmem>>, vector<16xf32>,
      %get3A_583 = vector.shape_cast %get3A_582 : vector<16xf32> to vector<16xf32>
      %mul3A_584 = arith.mulf %get3A_578, %get3A_583 : vector<16xf32>
      %swap3A_585 = arith.constant 0 : i32
      %swap3A_586 = tpu.memref_slice %arg7[%swap3A_585] : memref<25600xf32, #tpu.memory_space<vmem>> -> memref<10416xf32, #tpu.memory_space<vmem>>
      %swap3A_587 = arith.index_cast %mul3A_573 : i32 to index
      %swap3A_588 = tpu.vector_load %swap3A_586[%swap3A_587] {strides = array<i32>} : memref<10416xf32, #tpu.memory_space<vmem>>, vector<16xf32>,
      %swap3A_589 = vector.shape_cast %swap3A_588 : vector<16xf32> to vector<16xf32>
      %swap3A_590 = vector.shape_cast %mul3A_584 : vector<16xf32> to vector<16xf32>
      tpu.vector_store %swap3A_586[%swap3A_587], %swap3A_590 {strides = array<i32>} : memref<10416xf32, #tpu.memory_space<vmem>>, vector<16xf32>,
      %scan3A_591 = arith.constant 0 : i32
      %scan3A_592 = arith.constant 6 : i32
      %scan3A_593 = arith.addi %scan3A_460, %scan3A_592 : i32
      %mul3A_594 = arith.constant 16 : i32
      %mul3A_595 = arith.muli %scan3A_593, %mul3A_594 : i32
      %get3A_596 = arith.constant 0 : i32
      %get3A_597 = tpu.memref_slice %arg7[%get3A_596] : memref<25600xf32, #tpu.memory_space<vmem>> -> memref<10416xf32, #tpu.memory_space<vmem>>
      %get3A_598 = arith.index_cast %mul3A_595 : i32 to index
      %get3A_599 = tpu.vector_load %get3A_597[%get3A_598] {strides = array<i32>} : memref<10416xf32, #tpu.memory_space<vmem>>, vector<16xf32>,
      %get3A_600 = vector.shape_cast %get3A_599 : vector<16xf32> to vector<16xf32>
      %get3A_601 = arith.constant 12800 : i32
      %get3A_602 = tpu.memref_slice %arg7[%get3A_601] : memref<25600xf32, #tpu.memory_space<vmem>> -> memref<10416xf32, #tpu.memory_space<vmem>>
      %get3A_603 = arith.index_cast %mul3A_595 : i32 to index
      %get3A_604 = tpu.vector_load %get3A_602[%get3A_603] {strides = array<i32>} : memref<10416xf32, #tpu.memory_space<vmem>>, vector<16xf32>,
      %get3A_605 = vector.shape_cast %get3A_604 : vector<16xf32> to vector<16xf32>
      %mul3A_606 = arith.mulf %get3A_600, %get3A_605 : vector<16xf32>
      %swap3A_607 = arith.constant 0 : i32
      %swap3A_608 = tpu.memref_slice %arg7[%swap3A_607] : memref<25600xf32, #tpu.memory_space<vmem>> -> memref<10416xf32, #tpu.memory_space<vmem>>
      %swap3A_609 = arith.index_cast %mul3A_595 : i32 to index
      %swap3A_610 = tpu.vector_load %swap3A_608[%swap3A_609] {strides = array<i32>} : memref<10416xf32, #tpu.memory_space<vmem>>, vector<16xf32>,
      %swap3A_611 = vector.shape_cast %swap3A_610 : vector<16xf32> to vector<16xf32>
      %swap3A_612 = vector.shape_cast %mul3A_606 : vector<16xf32> to vector<16xf32>
      tpu.vector_store %swap3A_608[%swap3A_609], %swap3A_612 {strides = array<i32>} : memref<10416xf32, #tpu.memory_space<vmem>>, vector<16xf32>,
      %scan3A_613 = arith.constant 0 : i32
      %scan3A_614 = arith.constant 7 : i32
      %scan3A_615 = arith.addi %scan3A_460, %scan3A_614 : i32
      %mul3A_616 = arith.constant 16 : i32
      %mul3A_617 = arith.muli %scan3A_615, %mul3A_616 : i32
      %get3A_618 = arith.constant 0 : i32
      %get3A_619 = tpu.memref_slice %arg7[%get3A_618] : memref<25600xf32, #tpu.memory_space<vmem>> -> memref<10416xf32, #tpu.memory_space<vmem>>
      %get3A_620 = arith.index_cast %mul3A_617 : i32 to index
      %get3A_621 = tpu.vector_load %get3A_619[%get3A_620] {strides = array<i32>} : memref<10416xf32, #tpu.memory_space<vmem>>, vector<16xf32>,
      %get3A_622 = vector.shape_cast %get3A_621 : vector<16xf32> to vector<16xf32>
      %get3A_623 = arith.constant 12800 : i32
      %get3A_624 = tpu.memref_slice %arg7[%get3A_623] : memref<25600xf32, #tpu.memory_space<vmem>> -> memref<10416xf32, #tpu.memory_space<vmem>>
      %get3A_625 = arith.index_cast %mul3A_617 : i32 to index
      %get3A_626 = tpu.vector_load %get3A_624[%get3A_625] {strides = array<i32>} : memref<10416xf32, #tpu.memory_space<vmem>>, vector<16xf32>,
      %get3A_627 = vector.shape_cast %get3A_626 : vector<16xf32> to vector<16xf32>
      %mul3A_628 = arith.mulf %get3A_622, %get3A_627 : vector<16xf32>
      %swap3A_629 = arith.constant 0 : i32
      %swap3A_630 = tpu.memref_slice %arg7[%swap3A_629] : memref<25600xf32, #tpu.memory_space<vmem>> -> memref<10416xf32, #tpu.memory_space<vmem>>
      %swap3A_631 = arith.index_cast %mul3A_617 : i32 to index
      %swap3A_632 = tpu.vector_load %swap3A_630[%swap3A_631] {strides = array<i32>} : memref<10416xf32, #tpu.memory_space<vmem>>, vector<16xf32>,
      %swap3A_633 = vector.shape_cast %swap3A_632 : vector<16xf32> to vector<16xf32>
      %swap3A_634 = vector.shape_cast %mul3A_628 : vector<16xf32> to vector<16xf32>
      tpu.vector_store %swap3A_630[%swap3A_631], %swap3A_634 {strides = array<i32>} : memref<10416xf32, #tpu.memory_space<vmem>>, vector<16xf32>,
      %scan3A_635 = arith.constant 0 : i32
      scf.yield %scan3A_635 : i32
    }
    %scan3A_13 = arith.constant 648 : i32
    %scan3A_14 = arith.addi %scan3A_8, %scan3A_13 : i32
    %mul3A_15 = arith.constant 16 : i32
    %mul3A_16 = arith.muli %scan3A_14, %mul3A_15 : i32
    %get3A = arith.constant 0 : i32
    %get3A_17 = tpu.memref_slice %arg7[%get3A] : memref<25600xf32, #tpu.memory_space<vmem>> -> memref<10416xf32, #tpu.memory_space<vmem>>
    %get3A_18 = arith.index_cast %mul3A_16 : i32 to index
    %get3A_19 = tpu.vector_load %get3A_17[%get3A_18] {strides = array<i32>} : memref<10416xf32, #tpu.memory_space<vmem>>, vector<16xf32>,
    %get3A_20 = vector.shape_cast %get3A_19 : vector<16xf32> to vector<16xf32>
    %get3A_21 = arith.constant 12800 : i32
    %get3A_22 = tpu.memref_slice %arg7[%get3A_21] : memref<25600xf32, #tpu.memory_space<vmem>> -> memref<10416xf32, #tpu.memory_space<vmem>>
    %get3A_23 = arith.index_cast %mul3A_16 : i32 to index
    %get3A_24 = tpu.vector_load %get3A_22[%get3A_23] {strides = array<i32>} : memref<10416xf32, #tpu.memory_space<vmem>>, vector<16xf32>,
    %get3A_25 = vector.shape_cast %get3A_24 : vector<16xf32> to vector<16xf32>
    %mul3A_26 = arith.mulf %get3A_20, %get3A_25 : vector<16xf32>
    %swap3A = arith.constant 0 : i32
    %swap3A_27 = tpu.memref_slice %arg7[%swap3A] : memref<25600xf32, #tpu.memory_space<vmem>> -> memref<10416xf32, #tpu.memory_space<vmem>>
    %swap3A_28 = arith.index_cast %mul3A_16 : i32 to index
    %swap3A_29 = tpu.vector_load %swap3A_27[%swap3A_28] {strides = array<i32>} : memref<10416xf32, #tpu.memory_space<vmem>>, vector<16xf32>,
    %swap3A_30 = vector.shape_cast %swap3A_29 : vector<16xf32> to vector<16xf32>
    %swap3A_31 = vector.shape_cast %mul3A_26 : vector<16xf32> to vector<16xf32>
    tpu.vector_store %swap3A_27[%swap3A_28], %swap3A_31 {strides = array<i32>} : memref<10416xf32, #tpu.memory_space<vmem>>, vector<16xf32>,
    %scan3A_32 = arith.constant 0 : i32
    %scan3A_33 = arith.constant 649 : i32
    %scan3A_34 = arith.addi %scan3A_8, %scan3A_33 : i32
    %mul3A_35 = arith.constant 16 : i32
    %mul3A_36 = arith.muli %scan3A_34, %mul3A_35 : i32
    %get3A_37 = arith.constant 0 : i32
    %get3A_38 = tpu.memref_slice %arg7[%get3A_37] : memref<25600xf32, #tpu.memory_space<vmem>> -> memref<10416xf32, #tpu.memory_space<vmem>>
    %get3A_39 = arith.index_cast %mul3A_36 : i32 to index
    %get3A_40 = tpu.vector_load %get3A_38[%get3A_39] {strides = array<i32>} : memref<10416xf32, #tpu.memory_space<vmem>>, vector<16xf32>,
    %get3A_41 = vector.shape_cast %get3A_40 : vector<16xf32> to vector<16xf32>
    %get3A_42 = arith.constant 12800 : i32
    %get3A_43 = tpu.memref_slice %arg7[%get3A_42] : memref<25600xf32, #tpu.memory_space<vmem>> -> memref<10416xf32, #tpu.memory_space<vmem>>
    %get3A_44 = arith.index_cast %mul3A_36 : i32 to index
    %get3A_45 = tpu.vector_load %get3A_43[%get3A_44] {strides = array<i32>} : memref<10416xf32, #tpu.memory_space<vmem>>, vector<16xf32>,
    %get3A_46 = vector.shape_cast %get3A_45 : vector<16xf32> to vector<16xf32>
    %mul3A_47 = arith.mulf %get3A_41, %get3A_46 : vector<16xf32>
    %swap3A_48 = arith.constant 0 : i32
    %swap3A_49 = tpu.memref_slice %arg7[%swap3A_48] : memref<25600xf32, #tpu.memory_space<vmem>> -> memref<10416xf32, #tpu.memory_space<vmem>>
    %swap3A_50 = arith.index_cast %mul3A_36 : i32 to index
    %swap3A_51 = tpu.vector_load %swap3A_49[%swap3A_50] {strides = array<i32>} : memref<10416xf32, #tpu.memory_space<vmem>>, vector<16xf32>,
    %swap3A_52 = vector.shape_cast %swap3A_51 : vector<16xf32> to vector<16xf32>
    %swap3A_53 = vector.shape_cast %mul3A_47 : vector<16xf32> to vector<16xf32>
    tpu.vector_store %swap3A_49[%swap3A_50], %swap3A_53 {strides = array<i32>} : memref<10416xf32, #tpu.memory_space<vmem>>, vector<16xf32>,
    %scan3A_54 = arith.constant 0 : i32
    %scan3A_55 = arith.constant 650 : i32
    %scan3A_56 = arith.addi %scan3A_8, %scan3A_55 : i32
    %mul3A_57 = arith.constant 16 : i32
    %mul3A_58 = arith.muli %scan3A_56, %mul3A_57 : i32
    %get3A_59 = arith.constant 0 : i32
    %get3A_60 = tpu.memref_slice %arg7[%get3A_59] : memref<25600xf32, #tpu.memory_space<vmem>> -> memref<10416xf32, #tpu.memory_space<vmem>>
    %get3A_61 = arith.index_cast %mul3A_58 : i32 to index
    %get3A_62 = tpu.vector_load %get3A_60[%get3A_61] {strides = array<i32>} : memref<10416xf32, #tpu.memory_space<vmem>>, vector<16xf32>,
    %get3A_63 = vector.shape_cast %get3A_62 : vector<16xf32> to vector<16xf32>
    %get3A_64 = arith.constant 12800 : i32
    %get3A_65 = tpu.memref_slice %arg7[%get3A_64] : memref<25600xf32, #tpu.memory_space<vmem>> -> memref<10416xf32, #tpu.memory_space<vmem>>
    %get3A_66 = arith.index_cast %mul3A_58 : i32 to index
    %get3A_67 = tpu.vector_load %get3A_65[%get3A_66] {strides = array<i32>} : memref<10416xf32, #tpu.memory_space<vmem>>, vector<16xf32>,
    %get3A_68 = vector.shape_cast %get3A_67 : vector<16xf32> to vector<16xf32>
    %mul3A_69 = arith.mulf %get3A_63, %get3A_68 : vector<16xf32>
    %swap3A_70 = arith.constant 0 : i32
    %swap3A_71 = tpu.memref_slice %arg7[%swap3A_70] : memref<25600xf32, #tpu.memory_space<vmem>> -> memref<10416xf32, #tpu.memory_space<vmem>>
    %swap3A_72 = arith.index_cast %mul3A_58 : i32 to index
    %swap3A_73 = tpu.vector_load %swap3A_71[%swap3A_72] {strides = array<i32>} : memref<10416xf32, #tpu.memory_space<vmem>>, vector<16xf32>,
    %swap3A_74 = vector.shape_cast %swap3A_73 : vector<16xf32> to vector<16xf32>
    %swap3A_75 = vector.shape_cast %mul3A_69 : vector<16xf32> to vector<16xf32>
    tpu.vector_store %swap3A_71[%swap3A_72], %swap3A_75 {strides = array<i32>} : memref<10416xf32, #tpu.memory_space<vmem>>, vector<16xf32>,
    %scan3A_76 = arith.constant 0 : i32
    %scan3A_77 = arith.constant 651 : i32
    "tpu.region"() ({
      %run_scoped3A = tpu.sem_alloc : memref<!tpu.dma_semaphore, #tpu.memory_space<semaphore_mem>>
      %dma_start3A_460 = arith.constant 0 : i32
      %dma_start3A_461 = tpu.memref_slice %arg7[%dma_start3A_460] : memref<25600xf32, #tpu.memory_space<vmem>> -> memref<10416xf32, #tpu.memory_space<vmem>>
      %dma_start3A_462 = tpu.memref_slice %arg8[%add3A_7] : memref<1000064xf32, #tpu.memory_space<vmem_shared>> -> memref<10416xf32, #tpu.memory_space<vmem_shared>>
      %dma_start3A_463 = tpu.memref_slice %arg8[%add3A_7] : memref<1000064xf32, #tpu.memory_space<vmem_shared>> -> memref<10416xf32, #tpu.memory_space<vmem_shared>>
      %dma_start3A_464 = arith.constant 0 : i32
      %dma_start3A_465 = tpu.memref_slice %arg7[%dma_start3A_464] : memref<25600xf32, #tpu.memory_space<vmem>> -> memref<10416xf32, #tpu.memory_space<vmem>>
      tpu.enqueue_dma source(%dma_start3A_465 : memref<10416xf32, #tpu.memory_space<vmem>>) target(%dma_start3A_463 : memref<10416xf32, #tpu.memory_space<vmem_shared>>) target_semaphore(%run_scoped3A : memref<!tpu.dma_semaphore, #tpu.memory_space<semaphore_mem>>)
      %dma_wait3A_466 = arith.constant 0 : i32
      %dma_wait3A_467 = tpu.memref_slice %arg7[%dma_wait3A_466] : memref<25600xf32, #tpu.memory_space<vmem>> -> memref<10416xf32, #tpu.memory_space<vmem>>
      %dma_wait3A_468 = tpu.memref_slice %arg8[%add3A_7] : memref<1000064xf32, #tpu.memory_space<vmem_shared>> -> memref<10416xf32, #tpu.memory_space<vmem_shared>>
      %dma_wait3A_469 = tpu.memref_slice %arg8[%add3A_7] : memref<1000064xf32, #tpu.memory_space<vmem_shared>> -> memref<10416xf32, #tpu.memory_space<vmem_shared>>
      %dma_wait3A_470 = arith.constant 0 : i32
      %dma_wait3A_471 = tpu.memref_slice %arg7[%dma_wait3A_470] : memref<25600xf32, #tpu.memory_space<vmem>> -> memref<10416xf32, #tpu.memory_space<vmem>>
      tpu.wait_dma2 semaphore(%run_scoped3A : memref<!tpu.dma_semaphore, #tpu.memory_space<semaphore_mem>>) src(%dma_wait3A_471 : memref<10416xf32, #tpu.memory_space<vmem>>) dst(%dma_wait3A_469 : memref<10416xf32, #tpu.memory_space<vmem_shared>>)
      tpu.yield
    }) : () -> ()
    %add3A_78 = arith.constant 10416 : i32
    %add3A_79 = arith.addi %mul3A_5, %add3A_78 : i32
    "tpu.region"() ({
      %run_scoped3A = tpu.sem_alloc : memref<!tpu.dma_semaphore, #tpu.memory_space<semaphore_mem>>
      %dma_start3A_460 = arith.constant 0 : i32
      %dma_start3A_461 = tpu.memref_slice %arg7[%dma_start3A_460] : memref<25600xf32, #tpu.memory_space<vmem>> -> memref<10416xf32, #tpu.memory_space<vmem>>
      %dma_start3A_462 = tpu.memref_slice %arg3[%add3A_79] : memref<1048576xf32, #tpu.memory_space<hbm>> -> memref<10416xf32, #tpu.memory_space<hbm>>
      %dma_start3A_463 = arith.constant 0 : i32
      %dma_start3A_464 = tpu.memref_slice %arg7[%dma_start3A_463] : memref<25600xf32, #tpu.memory_space<vmem>> -> memref<10416xf32, #tpu.memory_space<vmem>>
      %dma_start3A_465 = tpu.memref_slice %arg3[%add3A_79] : memref<1048576xf32, #tpu.memory_space<hbm>> -> memref<10416xf32, #tpu.memory_space<hbm>>
      tpu.enqueue_dma source(%dma_start3A_465 : memref<10416xf32, #tpu.memory_space<hbm>>) target(%dma_start3A_464 : memref<10416xf32, #tpu.memory_space<vmem>>) target_semaphore(%run_scoped3A : memref<!tpu.dma_semaphore, #tpu.memory_space<semaphore_mem>>)
      %dma_wait3A_466 = arith.constant 0 : i32
      %dma_wait3A_467 = tpu.memref_slice %arg7[%dma_wait3A_466] : memref<25600xf32, #tpu.memory_space<vmem>> -> memref<10416xf32, #tpu.memory_space<vmem>>
      %dma_wait3A_468 = tpu.memref_slice %arg3[%add3A_79] : memref<1048576xf32, #tpu.memory_space<hbm>> -> memref<10416xf32, #tpu.memory_space<hbm>>
      %dma_wait3A_469 = arith.constant 0 : i32
      %dma_wait3A_470 = tpu.memref_slice %arg7[%dma_wait3A_469] : memref<25600xf32, #tpu.memory_space<vmem>> -> memref<10416xf32, #tpu.memory_space<vmem>>
      %dma_wait3A_471 = tpu.memref_slice %arg3[%add3A_79] : memref<1048576xf32, #tpu.memory_space<hbm>> -> memref<10416xf32, #tpu.memory_space<hbm>>
      tpu.wait_dma2 semaphore(%run_scoped3A : memref<!tpu.dma_semaphore, #tpu.memory_space<semaphore_mem>>) src(%dma_wait3A_471 : memref<10416xf32, #tpu.memory_space<hbm>>) dst(%dma_wait3A_470 : memref<10416xf32, #tpu.memory_space<vmem>>)
      tpu.yield
    }) : () -> ()
    "tpu.region"() ({
      %run_scoped3A = tpu.sem_alloc : memref<!tpu.dma_semaphore, #tpu.memory_space<semaphore_mem>>
      %dma_start3A_460 = arith.constant 12800 : i32
      %dma_start3A_461 = tpu.memref_slice %arg7[%dma_start3A_460] : memref<25600xf32, #tpu.memory_space<vmem>> -> memref<10416xf32, #tpu.memory_space<vmem>>
      %dma_start3A_462 = tpu.memref_slice %arg4[%add3A_79] : memref<1048576xf32, #tpu.memory_space<hbm>> -> memref<10416xf32, #tpu.memory_space<hbm>>
      %dma_start3A_463 = arith.constant 12800 : i32
      %dma_start3A_464 = tpu.memref_slice %arg7[%dma_start3A_463] : memref<25600xf32, #tpu.memory_space<vmem>> -> memref<10416xf32, #tpu.memory_space<vmem>>
      %dma_start3A_465 = tpu.memref_slice %arg4[%add3A_79] : memref<1048576xf32, #tpu.memory_space<hbm>> -> memref<10416xf32, #tpu.memory_space<hbm>>
      tpu.enqueue_dma source(%dma_start3A_465 : memref<10416xf32, #tpu.memory_space<hbm>>) target(%dma_start3A_464 : memref<10416xf32, #tpu.memory_space<vmem>>) target_semaphore(%run_scoped3A : memref<!tpu.dma_semaphore, #tpu.memory_space<semaphore_mem>>)
      %dma_wait3A_466 = arith.constant 12800 : i32
      %dma_wait3A_467 = tpu.memref_slice %arg7[%dma_wait3A_466] : memref<25600xf32, #tpu.memory_space<vmem>> -> memref<10416xf32, #tpu.memory_space<vmem>>
      %dma_wait3A_468 = tpu.memref_slice %arg4[%add3A_79] : memref<1048576xf32, #tpu.memory_space<hbm>> -> memref<10416xf32, #tpu.memory_space<hbm>>
      %dma_wait3A_469 = arith.constant 12800 : i32
      %dma_wait3A_470 = tpu.memref_slice %arg7[%dma_wait3A_469] : memref<25600xf32, #tpu.memory_space<vmem>> -> memref<10416xf32, #tpu.memory_space<vmem>>
      %dma_wait3A_471 = tpu.memref_slice %arg4[%add3A_79] : memref<1048576xf32, #tpu.memory_space<hbm>> -> memref<10416xf32, #tpu.memory_space<hbm>>
      tpu.wait_dma2 semaphore(%run_scoped3A : memref<!tpu.dma_semaphore, #tpu.memory_space<semaphore_mem>>) src(%dma_wait3A_471 : memref<10416xf32, #tpu.memory_space<hbm>>) dst(%dma_wait3A_470 : memref<10416xf32, #tpu.memory_space<vmem>>)
      tpu.yield
    }) : () -> ()
    %scan3A_80 = arith.constant 0 : i32
    %scan3A_81 = arith.constant 0 : i32
    %scan3A_82 = arith.constant 648 : i32
    %scan3A_83 = arith.addi %scan3A_81, %scan3A_82 : i32
    %scan3A_84 = arith.constant 8 : i32
    %scan3A_85 = scf.for %scan3A_460 = %scan3A_81 to %scan3A_83 step %scan3A_84 iter_args(%scan3A_461 = %scan3A_80) -> (i32)  : i32 {
      %mul3A_462 = arith.constant 16 : i32
      %mul3A_463 = arith.muli %scan3A_460, %mul3A_462 : i32
      %get3A_464 = arith.constant 0 : i32
      %get3A_465 = tpu.memref_slice %arg7[%get3A_464] : memref<25600xf32, #tpu.memory_space<vmem>> -> memref<10416xf32, #tpu.memory_space<vmem>>
      %get3A_466 = arith.index_cast %mul3A_463 : i32 to index
      %get3A_467 = tpu.vector_load %get3A_465[%get3A_466] {strides = array<i32>} : memref<10416xf32, #tpu.memory_space<vmem>>, vector<16xf32>,
      %get3A_468 = vector.shape_cast %get3A_467 : vector<16xf32> to vector<16xf32>
      %get3A_469 = arith.constant 12800 : i32
      %get3A_470 = tpu.memref_slice %arg7[%get3A_469] : memref<25600xf32, #tpu.memory_space<vmem>> -> memref<10416xf32, #tpu.memory_space<vmem>>
      %get3A_471 = arith.index_cast %mul3A_463 : i32 to index
      %get3A_472 = tpu.vector_load %get3A_470[%get3A_471] {strides = array<i32>} : memref<10416xf32, #tpu.memory_space<vmem>>, vector<16xf32>,
      %get3A_473 = vector.shape_cast %get3A_472 : vector<16xf32> to vector<16xf32>
      %mul3A_474 = arith.mulf %get3A_468, %get3A_473 : vector<16xf32>
      %swap3A_475 = arith.constant 0 : i32
      %swap3A_476 = tpu.memref_slice %arg7[%swap3A_475] : memref<25600xf32, #tpu.memory_space<vmem>> -> memref<10416xf32, #tpu.memory_space<vmem>>
      %swap3A_477 = arith.index_cast %mul3A_463 : i32 to index
      %swap3A_478 = tpu.vector_load %swap3A_476[%swap3A_477] {strides = array<i32>} : memref<10416xf32, #tpu.memory_space<vmem>>, vector<16xf32>,
      %swap3A_479 = vector.shape_cast %swap3A_478 : vector<16xf32> to vector<16xf32>
      %swap3A_480 = vector.shape_cast %mul3A_474 : vector<16xf32> to vector<16xf32>
      tpu.vector_store %swap3A_476[%swap3A_477], %swap3A_480 {strides = array<i32>} : memref<10416xf32, #tpu.memory_space<vmem>>, vector<16xf32>,
      %scan3A_481 = arith.constant 0 : i32
      %scan3A_482 = arith.constant 1 : i32
      %scan3A_483 = arith.addi %scan3A_460, %scan3A_482 : i32
      %mul3A_484 = arith.constant 16 : i32
      %mul3A_485 = arith.muli %scan3A_483, %mul3A_484 : i32
      %get3A_486 = arith.constant 0 : i32
      %get3A_487 = tpu.memref_slice %arg7[%get3A_486] : memref<25600xf32, #tpu.memory_space<vmem>> -> memref<10416xf32, #tpu.memory_space<vmem>>
      %get3A_488 = arith.index_cast %mul3A_485 : i32 to index
      %get3A_489 = tpu.vector_load %get3A_487[%get3A_488] {strides = array<i32>} : memref<10416xf32, #tpu.memory_space<vmem>>, vector<16xf32>,
      %get3A_490 = vector.shape_cast %get3A_489 : vector<16xf32> to vector<16xf32>
      %get3A_491 = arith.constant 12800 : i32
      %get3A_492 = tpu.memref_slice %arg7[%get3A_491] : memref<25600xf32, #tpu.memory_space<vmem>> -> memref<10416xf32, #tpu.memory_space<vmem>>
      %get3A_493 = arith.index_cast %mul3A_485 : i32 to index
      %get3A_494 = tpu.vector_load %get3A_492[%get3A_493] {strides = array<i32>} : memref<10416xf32, #tpu.memory_space<vmem>>, vector<16xf32>,
      %get3A_495 = vector.shape_cast %get3A_494 : vector<16xf32> to vector<16xf32>
      %mul3A_496 = arith.mulf %get3A_490, %get3A_495 : vector<16xf32>
      %swap3A_497 = arith.constant 0 : i32
      %swap3A_498 = tpu.memref_slice %arg7[%swap3A_497] : memref<25600xf32, #tpu.memory_space<vmem>> -> memref<10416xf32, #tpu.memory_space<vmem>>
      %swap3A_499 = arith.index_cast %mul3A_485 : i32 to index
      %swap3A_500 = tpu.vector_load %swap3A_498[%swap3A_499] {strides = array<i32>} : memref<10416xf32, #tpu.memory_space<vmem>>, vector<16xf32>,
      %swap3A_501 = vector.shape_cast %swap3A_500 : vector<16xf32> to vector<16xf32>
      %swap3A_502 = vector.shape_cast %mul3A_496 : vector<16xf32> to vector<16xf32>
      tpu.vector_store %swap3A_498[%swap3A_499], %swap3A_502 {strides = array<i32>} : memref<10416xf32, #tpu.memory_space<vmem>>, vector<16xf32>,
      %scan3A_503 = arith.constant 0 : i32
      %scan3A_504 = arith.constant 2 : i32
      %scan3A_505 = arith.addi %scan3A_460, %scan3A_504 : i32
      %mul3A_506 = arith.constant 16 : i32
      %mul3A_507 = arith.muli %scan3A_505, %mul3A_506 : i32
      %get3A_508 = arith.constant 0 : i32
      %get3A_509 = tpu.memref_slice %arg7[%get3A_508] : memref<25600xf32, #tpu.memory_space<vmem>> -> memref<10416xf32, #tpu.memory_space<vmem>>
      %get3A_510 = arith.index_cast %mul3A_507 : i32 to index
      %get3A_511 = tpu.vector_load %get3A_509[%get3A_510] {strides = array<i32>} : memref<10416xf32, #tpu.memory_space<vmem>>, vector<16xf32>,
      %get3A_512 = vector.shape_cast %get3A_511 : vector<16xf32> to vector<16xf32>
      %get3A_513 = arith.constant 12800 : i32
      %get3A_514 = tpu.memref_slice %arg7[%get3A_513] : memref<25600xf32, #tpu.memory_space<vmem>> -> memref<10416xf32, #tpu.memory_space<vmem>>
      %get3A_515 = arith.index_cast %mul3A_507 : i32 to index
      %get3A_516 = tpu.vector_load %get3A_514[%get3A_515] {strides = array<i32>} : memref<10416xf32, #tpu.memory_space<vmem>>, vector<16xf32>,
      %get3A_517 = vector.shape_cast %get3A_516 : vector<16xf32> to vector<16xf32>
      %mul3A_518 = arith.mulf %get3A_512, %get3A_517 : vector<16xf32>
      %swap3A_519 = arith.constant 0 : i32
      %swap3A_520 = tpu.memref_slice %arg7[%swap3A_519] : memref<25600xf32, #tpu.memory_space<vmem>> -> memref<10416xf32, #tpu.memory_space<vmem>>
      %swap3A_521 = arith.index_cast %mul3A_507 : i32 to index
      %swap3A_522 = tpu.vector_load %swap3A_520[%swap3A_521] {strides = array<i32>} : memref<10416xf32, #tpu.memory_space<vmem>>, vector<16xf32>,
      %swap3A_523 = vector.shape_cast %swap3A_522 : vector<16xf32> to vector<16xf32>
      %swap3A_524 = vector.shape_cast %mul3A_518 : vector<16xf32> to vector<16xf32>
      tpu.vector_store %swap3A_520[%swap3A_521], %swap3A_524 {strides = array<i32>} : memref<10416xf32, #tpu.memory_space<vmem>>, vector<16xf32>,
      %scan3A_525 = arith.constant 0 : i32
      %scan3A_526 = arith.constant 3 : i32
      %scan3A_527 = arith.addi %scan3A_460, %scan3A_526 : i32
      %mul3A_528 = arith.constant 16 : i32
      %mul3A_529 = arith.muli %scan3A_527, %mul3A_528 : i32
      %get3A_530 = arith.constant 0 : i32
      %get3A_531 = tpu.memref_slice %arg7[%get3A_530] : memref<25600xf32, #tpu.memory_space<vmem>> -> memref<10416xf32, #tpu.memory_space<vmem>>
      %get3A_532 = arith.index_cast %mul3A_529 : i32 to index
      %get3A_533 = tpu.vector_load %get3A_531[%get3A_532] {strides = array<i32>} : memref<10416xf32, #tpu.memory_space<vmem>>, vector<16xf32>,
      %get3A_534 = vector.shape_cast %get3A_533 : vector<16xf32> to vector<16xf32>
      %get3A_535 = arith.constant 12800 : i32
      %get3A_536 = tpu.memref_slice %arg7[%get3A_535] : memref<25600xf32, #tpu.memory_space<vmem>> -> memref<10416xf32, #tpu.memory_space<vmem>>
      %get3A_537 = arith.index_cast %mul3A_529 : i32 to index
      %get3A_538 = tpu.vector_load %get3A_536[%get3A_537] {strides = array<i32>} : memref<10416xf32, #tpu.memory_space<vmem>>, vector<16xf32>,
      %get3A_539 = vector.shape_cast %get3A_538 : vector<16xf32> to vector<16xf32>
      %mul3A_540 = arith.mulf %get3A_534, %get3A_539 : vector<16xf32>
      %swap3A_541 = arith.constant 0 : i32
      %swap3A_542 = tpu.memref_slice %arg7[%swap3A_541] : memref<25600xf32, #tpu.memory_space<vmem>> -> memref<10416xf32, #tpu.memory_space<vmem>>
      %swap3A_543 = arith.index_cast %mul3A_529 : i32 to index
      %swap3A_544 = tpu.vector_load %swap3A_542[%swap3A_543] {strides = array<i32>} : memref<10416xf32, #tpu.memory_space<vmem>>, vector<16xf32>,
      %swap3A_545 = vector.shape_cast %swap3A_544 : vector<16xf32> to vector<16xf32>
      %swap3A_546 = vector.shape_cast %mul3A_540 : vector<16xf32> to vector<16xf32>
      tpu.vector_store %swap3A_542[%swap3A_543], %swap3A_546 {strides = array<i32>} : memref<10416xf32, #tpu.memory_space<vmem>>, vector<16xf32>,
      %scan3A_547 = arith.constant 0 : i32
      %scan3A_548 = arith.constant 4 : i32
      %scan3A_549 = arith.addi %scan3A_460, %scan3A_548 : i32
      %mul3A_550 = arith.constant 16 : i32
      %mul3A_551 = arith.muli %scan3A_549, %mul3A_550 : i32
      %get3A_552 = arith.constant 0 : i32
      %get3A_553 = tpu.memref_slice %arg7[%get3A_552] : memref<25600xf32, #tpu.memory_space<vmem>> -> memref<10416xf32, #tpu.memory_space<vmem>>
      %get3A_554 = arith.index_cast %mul3A_551 : i32 to index
      %get3A_555 = tpu.vector_load %get3A_553[%get3A_554] {strides = array<i32>} : memref<10416xf32, #tpu.memory_space<vmem>>, vector<16xf32>,
      %get3A_556 = vector.shape_cast %get3A_555 : vector<16xf32> to vector<16xf32>
      %get3A_557 = arith.constant 12800 : i32
      %get3A_558 = tpu.memref_slice %arg7[%get3A_557] : memref<25600xf32, #tpu.memory_space<vmem>> -> memref<10416xf32, #tpu.memory_space<vmem>>
      %get3A_559 = arith.index_cast %mul3A_551 : i32 to index
      %get3A_560 = tpu.vector_load %get3A_558[%get3A_559] {strides = array<i32>} : memref<10416xf32, #tpu.memory_space<vmem>>, vector<16xf32>,
      %get3A_561 = vector.shape_cast %get3A_560 : vector<16xf32> to vector<16xf32>
      %mul3A_562 = arith.mulf %get3A_556, %get3A_561 : vector<16xf32>
      %swap3A_563 = arith.constant 0 : i32
      %swap3A_564 = tpu.memref_slice %arg7[%swap3A_563] : memref<25600xf32, #tpu.memory_space<vmem>> -> memref<10416xf32, #tpu.memory_space<vmem>>
      %swap3A_565 = arith.index_cast %mul3A_551 : i32 to index
      %swap3A_566 = tpu.vector_load %swap3A_564[%swap3A_565] {strides = array<i32>} : memref<10416xf32, #tpu.memory_space<vmem>>, vector<16xf32>,
      %swap3A_567 = vector.shape_cast %swap3A_566 : vector<16xf32> to vector<16xf32>
      %swap3A_568 = vector.shape_cast %mul3A_562 : vector<16xf32> to vector<16xf32>
      tpu.vector_store %swap3A_564[%swap3A_565], %swap3A_568 {strides = array<i32>} : memref<10416xf32, #tpu.memory_space<vmem>>, vector<16xf32>,
      %scan3A_569 = arith.constant 0 : i32
      %scan3A_570 = arith.constant 5 : i32
      %scan3A_571 = arith.addi %scan3A_460, %scan3A_570 : i32
      %mul3A_572 = arith.constant 16 : i32
      %mul3A_573 = arith.muli %scan3A_571, %mul3A_572 : i32
      %get3A_574 = arith.constant 0 : i32
      %get3A_575 = tpu.memref_slice %arg7[%get3A_574] : memref<25600xf32, #tpu.memory_space<vmem>> -> memref<10416xf32, #tpu.memory_space<vmem>>
      %get3A_576 = arith.index_cast %mul3A_573 : i32 to index
      %get3A_577 = tpu.vector_load %get3A_575[%get3A_576] {strides = array<i32>} : memref<10416xf32, #tpu.memory_space<vmem>>, vector<16xf32>,
      %get3A_578 = vector.shape_cast %get3A_577 : vector<16xf32> to vector<16xf32>
      %get3A_579 = arith.constant 12800 : i32
      %get3A_580 = tpu.memref_slice %arg7[%get3A_579] : memref<25600xf32, #tpu.memory_space<vmem>> -> memref<10416xf32, #tpu.memory_space<vmem>>
      %get3A_581 = arith.index_cast %mul3A_573 : i32 to index
      %get3A_582 = tpu.vector_load %get3A_580[%get3A_581] {strides = array<i32>} : memref<10416xf32, #tpu.memory_space<vmem>>, vector<16xf32>,
      %get3A_583 = vector.shape_cast %get3A_582 : vector<16xf32> to vector<16xf32>
      %mul3A_584 = arith.mulf %get3A_578, %get3A_583 : vector<16xf32>
      %swap3A_585 = arith.constant 0 : i32
      %swap3A_586 = tpu.memref_slice %arg7[%swap3A_585] : memref<25600xf32, #tpu.memory_space<vmem>> -> memref<10416xf32, #tpu.memory_space<vmem>>
      %swap3A_587 = arith.index_cast %mul3A_573 : i32 to index
      %swap3A_588 = tpu.vector_load %swap3A_586[%swap3A_587] {strides = array<i32>} : memref<10416xf32, #tpu.memory_space<vmem>>, vector<16xf32>,
      %swap3A_589 = vector.shape_cast %swap3A_588 : vector<16xf32> to vector<16xf32>
      %swap3A_590 = vector.shape_cast %mul3A_584 : vector<16xf32> to vector<16xf32>
      tpu.vector_store %swap3A_586[%swap3A_587], %swap3A_590 {strides = array<i32>} : memref<10416xf32, #tpu.memory_space<vmem>>, vector<16xf32>,
      %scan3A_591 = arith.constant 0 : i32
      %scan3A_592 = arith.constant 6 : i32
      %scan3A_593 = arith.addi %scan3A_460, %scan3A_592 : i32
      %mul3A_594 = arith.constant 16 : i32
      %mul3A_595 = arith.muli %scan3A_593, %mul3A_594 : i32
      %get3A_596 = arith.constant 0 : i32
      %get3A_597 = tpu.memref_slice %arg7[%get3A_596] : memref<25600xf32, #tpu.memory_space<vmem>> -> memref<10416xf32, #tpu.memory_space<vmem>>
      %get3A_598 = arith.index_cast %mul3A_595 : i32 to index
      %get3A_599 = tpu.vector_load %get3A_597[%get3A_598] {strides = array<i32>} : memref<10416xf32, #tpu.memory_space<vmem>>, vector<16xf32>,
      %get3A_600 = vector.shape_cast %get3A_599 : vector<16xf32> to vector<16xf32>
      %get3A_601 = arith.constant 12800 : i32
      %get3A_602 = tpu.memref_slice %arg7[%get3A_601] : memref<25600xf32, #tpu.memory_space<vmem>> -> memref<10416xf32, #tpu.memory_space<vmem>>
      %get3A_603 = arith.index_cast %mul3A_595 : i32 to index
      %get3A_604 = tpu.vector_load %get3A_602[%get3A_603] {strides = array<i32>} : memref<10416xf32, #tpu.memory_space<vmem>>, vector<16xf32>,
      %get3A_605 = vector.shape_cast %get3A_604 : vector<16xf32> to vector<16xf32>
      %mul3A_606 = arith.mulf %get3A_600, %get3A_605 : vector<16xf32>
      %swap3A_607 = arith.constant 0 : i32
      %swap3A_608 = tpu.memref_slice %arg7[%swap3A_607] : memref<25600xf32, #tpu.memory_space<vmem>> -> memref<10416xf32, #tpu.memory_space<vmem>>
      %swap3A_609 = arith.index_cast %mul3A_595 : i32 to index
      %swap3A_610 = tpu.vector_load %swap3A_608[%swap3A_609] {strides = array<i32>} : memref<10416xf32, #tpu.memory_space<vmem>>, vector<16xf32>,
      %swap3A_611 = vector.shape_cast %swap3A_610 : vector<16xf32> to vector<16xf32>
      %swap3A_612 = vector.shape_cast %mul3A_606 : vector<16xf32> to vector<16xf32>
      tpu.vector_store %swap3A_608[%swap3A_609], %swap3A_612 {strides = array<i32>} : memref<10416xf32, #tpu.memory_space<vmem>>, vector<16xf32>,
      %scan3A_613 = arith.constant 0 : i32
      %scan3A_614 = arith.constant 7 : i32
      %scan3A_615 = arith.addi %scan3A_460, %scan3A_614 : i32
      %mul3A_616 = arith.constant 16 : i32
      %mul3A_617 = arith.muli %scan3A_615, %mul3A_616 : i32
      %get3A_618 = arith.constant 0 : i32
      %get3A_619 = tpu.memref_slice %arg7[%get3A_618] : memref<25600xf32, #tpu.memory_space<vmem>> -> memref<10416xf32, #tpu.memory_space<vmem>>
      %get3A_620 = arith.index_cast %mul3A_617 : i32 to index
      %get3A_621 = tpu.vector_load %get3A_619[%get3A_620] {strides = array<i32>} : memref<10416xf32, #tpu.memory_space<vmem>>, vector<16xf32>,
      %get3A_622 = vector.shape_cast %get3A_621 : vector<16xf32> to vector<16xf32>
      %get3A_623 = arith.constant 12800 : i32
      %get3A_624 = tpu.memref_slice %arg7[%get3A_623] : memref<25600xf32, #tpu.memory_space<vmem>> -> memref<10416xf32, #tpu.memory_space<vmem>>
      %get3A_625 = arith.index_cast %mul3A_617 : i32 to index
      %get3A_626 = tpu.vector_load %get3A_624[%get3A_625] {strides = array<i32>} : memref<10416xf32, #tpu.memory_space<vmem>>, vector<16xf32>,
      %get3A_627 = vector.shape_cast %get3A_626 : vector<16xf32> to vector<16xf32>
      %mul3A_628 = arith.mulf %get3A_622, %get3A_627 : vector<16xf32>
      %swap3A_629 = arith.constant 0 : i32
      %swap3A_630 = tpu.memref_slice %arg7[%swap3A_629] : memref<25600xf32, #tpu.memory_space<vmem>> -> memref<10416xf32, #tpu.memory_space<vmem>>
      %swap3A_631 = arith.index_cast %mul3A_617 : i32 to index
      %swap3A_632 = tpu.vector_load %swap3A_630[%swap3A_631] {strides = array<i32>} : memref<10416xf32, #tpu.memory_space<vmem>>, vector<16xf32>,
      %swap3A_633 = vector.shape_cast %swap3A_632 : vector<16xf32> to vector<16xf32>
      %swap3A_634 = vector.shape_cast %mul3A_628 : vector<16xf32> to vector<16xf32>
      tpu.vector_store %swap3A_630[%swap3A_631], %swap3A_634 {strides = array<i32>} : memref<10416xf32, #tpu.memory_space<vmem>>, vector<16xf32>,
      %scan3A_635 = arith.constant 0 : i32
      scf.yield %scan3A_635 : i32
    }
    %scan3A_86 = arith.constant 648 : i32
    %scan3A_87 = arith.addi %scan3A_81, %scan3A_86 : i32
    %mul3A_88 = arith.constant 16 : i32
    %mul3A_89 = arith.muli %scan3A_87, %mul3A_88 : i32
    %get3A_90 = arith.constant 0 : i32
    %get3A_91 = tpu.memref_slice %arg7[%get3A_90] : memref<25600xf32, #tpu.memory_space<vmem>> -> memref<10416xf32, #tpu.memory_space<vmem>>
    %get3A_92 = arith.index_cast %mul3A_89 : i32 to index
    %get3A_93 = tpu.vector_load %get3A_91[%get3A_92] {strides = array<i32>} : memref<10416xf32, #tpu.memory_space<vmem>>, vector<16xf32>,
    %get3A_94 = vector.shape_cast %get3A_93 : vector<16xf32> to vector<16xf32>
    %get3A_95 = arith.constant 12800 : i32
    %get3A_96 = tpu.memref_slice %arg7[%get3A_95] : memref<25600xf32, #tpu.memory_space<vmem>> -> memref<10416xf32, #tpu.memory_space<vmem>>
    %get3A_97 = arith.index_cast %mul3A_89 : i32 to index
    %get3A_98 = tpu.vector_load %get3A_96[%get3A_97] {strides = array<i32>} : memref<10416xf32, #tpu.memory_space<vmem>>, vector<16xf32>,
    %get3A_99 = vector.shape_cast %get3A_98 : vector<16xf32> to vector<16xf32>
    %mul3A_100 = arith.mulf %get3A_94, %get3A_99 : vector<16xf32>
    %swap3A_101 = arith.constant 0 : i32
    %swap3A_102 = tpu.memref_slice %arg7[%swap3A_101] : memref<25600xf32, #tpu.memory_space<vmem>> -> memref<10416xf32, #tpu.memory_space<vmem>>
    %swap3A_103 = arith.index_cast %mul3A_89 : i32 to index
    %swap3A_104 = tpu.vector_load %swap3A_102[%swap3A_103] {strides = array<i32>} : memref<10416xf32, #tpu.memory_space<vmem>>, vector<16xf32>,
    %swap3A_105 = vector.shape_cast %swap3A_104 : vector<16xf32> to vector<16xf32>
    %swap3A_106 = vector.shape_cast %mul3A_100 : vector<16xf32> to vector<16xf32>
    tpu.vector_store %swap3A_102[%swap3A_103], %swap3A_106 {strides = array<i32>} : memref<10416xf32, #tpu.memory_space<vmem>>, vector<16xf32>,
    %scan3A_107 = arith.constant 0 : i32
    %scan3A_108 = arith.constant 649 : i32
    %scan3A_109 = arith.addi %scan3A_81, %scan3A_108 : i32
    %mul3A_110 = arith.constant 16 : i32
    %mul3A_111 = arith.muli %scan3A_109, %mul3A_110 : i32
    %get3A_112 = arith.constant 0 : i32
    %get3A_113 = tpu.memref_slice %arg7[%get3A_112] : memref<25600xf32, #tpu.memory_space<vmem>> -> memref<10416xf32, #tpu.memory_space<vmem>>
    %get3A_114 = arith.index_cast %mul3A_111 : i32 to index
    %get3A_115 = tpu.vector_load %get3A_113[%get3A_114] {strides = array<i32>} : memref<10416xf32, #tpu.memory_space<vmem>>, vector<16xf32>,
    %get3A_116 = vector.shape_cast %get3A_115 : vector<16xf32> to vector<16xf32>
    %get3A_117 = arith.constant 12800 : i32
    %get3A_118 = tpu.memref_slice %arg7[%get3A_117] : memref<25600xf32, #tpu.memory_space<vmem>> -> memref<10416xf32, #tpu.memory_space<vmem>>
    %get3A_119 = arith.index_cast %mul3A_111 : i32 to index
    %get3A_120 = tpu.vector_load %get3A_118[%get3A_119] {strides = array<i32>} : memref<10416xf32, #tpu.memory_space<vmem>>, vector<16xf32>,
    %get3A_121 = vector.shape_cast %get3A_120 : vector<16xf32> to vector<16xf32>
    %mul3A_122 = arith.mulf %get3A_116, %get3A_121 : vector<16xf32>
    %swap3A_123 = arith.constant 0 : i32
    %swap3A_124 = tpu.memref_slice %arg7[%swap3A_123] : memref<25600xf32, #tpu.memory_space<vmem>> -> memref<10416xf32, #tpu.memory_space<vmem>>
    %swap3A_125 = arith.index_cast %mul3A_111 : i32 to index
    %swap3A_126 = tpu.vector_load %swap3A_124[%swap3A_125] {strides = array<i32>} : memref<10416xf32, #tpu.memory_space<vmem>>, vector<16xf32>,
    %swap3A_127 = vector.shape_cast %swap3A_126 : vector<16xf32> to vector<16xf32>
    %swap3A_128 = vector.shape_cast %mul3A_122 : vector<16xf32> to vector<16xf32>
    tpu.vector_store %swap3A_124[%swap3A_125], %swap3A_128 {strides = array<i32>} : memref<10416xf32, #tpu.memory_space<vmem>>, vector<16xf32>,
    %scan3A_129 = arith.constant 0 : i32
    %scan3A_130 = arith.constant 650 : i32
    %scan3A_131 = arith.addi %scan3A_81, %scan3A_130 : i32
    %mul3A_132 = arith.constant 16 : i32
    %mul3A_133 = arith.muli %scan3A_131, %mul3A_132 : i32
    %get3A_134 = arith.constant 0 : i32
    %get3A_135 = tpu.memref_slice %arg7[%get3A_134] : memref<25600xf32, #tpu.memory_space<vmem>> -> memref<10416xf32, #tpu.memory_space<vmem>>
    %get3A_136 = arith.index_cast %mul3A_133 : i32 to index
    %get3A_137 = tpu.vector_load %get3A_135[%get3A_136] {strides = array<i32>} : memref<10416xf32, #tpu.memory_space<vmem>>, vector<16xf32>,
    %get3A_138 = vector.shape_cast %get3A_137 : vector<16xf32> to vector<16xf32>
    %get3A_139 = arith.constant 12800 : i32
    %get3A_140 = tpu.memref_slice %arg7[%get3A_139] : memref<25600xf32, #tpu.memory_space<vmem>> -> memref<10416xf32, #tpu.memory_space<vmem>>
    %get3A_141 = arith.index_cast %mul3A_133 : i32 to index
    %get3A_142 = tpu.vector_load %get3A_140[%get3A_141] {strides = array<i32>} : memref<10416xf32, #tpu.memory_space<vmem>>, vector<16xf32>,
    %get3A_143 = vector.shape_cast %get3A_142 : vector<16xf32> to vector<16xf32>
    %mul3A_144 = arith.mulf %get3A_138, %get3A_143 : vector<16xf32>
    %swap3A_145 = arith.constant 0 : i32
    %swap3A_146 = tpu.memref_slice %arg7[%swap3A_145] : memref<25600xf32, #tpu.memory_space<vmem>> -> memref<10416xf32, #tpu.memory_space<vmem>>
    %swap3A_147 = arith.index_cast %mul3A_133 : i32 to index
    %swap3A_148 = tpu.vector_load %swap3A_146[%swap3A_147] {strides = array<i32>} : memref<10416xf32, #tpu.memory_space<vmem>>, vector<16xf32>,
    %swap3A_149 = vector.shape_cast %swap3A_148 : vector<16xf32> to vector<16xf32>
    %swap3A_150 = vector.shape_cast %mul3A_144 : vector<16xf32> to vector<16xf32>
    tpu.vector_store %swap3A_146[%swap3A_147], %swap3A_150 {strides = array<i32>} : memref<10416xf32, #tpu.memory_space<vmem>>, vector<16xf32>,
    %scan3A_151 = arith.constant 0 : i32
    %scan3A_152 = arith.constant 651 : i32
    "tpu.region"() ({
      %run_scoped3A = tpu.sem_alloc : memref<!tpu.dma_semaphore, #tpu.memory_space<semaphore_mem>>
      %dma_start3A_460 = arith.constant 0 : i32
      %dma_start3A_461 = tpu.memref_slice %arg7[%dma_start3A_460] : memref<25600xf32, #tpu.memory_space<vmem>> -> memref<10416xf32, #tpu.memory_space<vmem>>
      %dma_start3A_462 = tpu.memref_slice %arg8[%add3A_79] : memref<1000064xf32, #tpu.memory_space<vmem_shared>> -> memref<10416xf32, #tpu.memory_space<vmem_shared>>
      %dma_start3A_463 = tpu.memref_slice %arg8[%add3A_79] : memref<1000064xf32, #tpu.memory_space<vmem_shared>> -> memref<10416xf32, #tpu.memory_space<vmem_shared>>
      %dma_start3A_464 = arith.constant 0 : i32
      %dma_start3A_465 = tpu.memref_slice %arg7[%dma_start3A_464] : memref<25600xf32, #tpu.memory_space<vmem>> -> memref<10416xf32, #tpu.memory_space<vmem>>
      tpu.enqueue_dma source(%dma_start3A_465 : memref<10416xf32, #tpu.memory_space<vmem>>) target(%dma_start3A_463 : memref<10416xf32, #tpu.memory_space<vmem_shared>>) target_semaphore(%run_scoped3A : memref<!tpu.dma_semaphore, #tpu.memory_space<semaphore_mem>>)
      %dma_wait3A_466 = arith.constant 0 : i32
      %dma_wait3A_467 = tpu.memref_slice %arg7[%dma_wait3A_466] : memref<25600xf32, #tpu.memory_space<vmem>> -> memref<10416xf32, #tpu.memory_space<vmem>>
      %dma_wait3A_468 = tpu.memref_slice %arg8[%add3A_79] : memref<1000064xf32, #tpu.memory_space<vmem_shared>> -> memref<10416xf32, #tpu.memory_space<vmem_shared>>
      %dma_wait3A_469 = tpu.memref_slice %arg8[%add3A_79] : memref<1000064xf32, #tpu.memory_space<vmem_shared>> -> memref<10416xf32, #tpu.memory_space<vmem_shared>>
      %dma_wait3A_470 = arith.constant 0 : i32
      %dma_wait3A_471 = tpu.memref_slice %arg7[%dma_wait3A_470] : memref<25600xf32, #tpu.memory_space<vmem>> -> memref<10416xf32, #tpu.memory_space<vmem>>
      tpu.wait_dma2 semaphore(%run_scoped3A : memref<!tpu.dma_semaphore, #tpu.memory_space<semaphore_mem>>) src(%dma_wait3A_471 : memref<10416xf32, #tpu.memory_space<vmem>>) dst(%dma_wait3A_469 : memref<10416xf32, #tpu.memory_space<vmem_shared>>)
      tpu.yield
    }) : () -> ()
    %add3A_153 = arith.constant 20832 : i32
    %add3A_154 = arith.addi %mul3A_5, %add3A_153 : i32
    "tpu.region"() ({
      %run_scoped3A = tpu.sem_alloc : memref<!tpu.dma_semaphore, #tpu.memory_space<semaphore_mem>>
      %dma_start3A_460 = arith.constant 0 : i32
      %dma_start3A_461 = tpu.memref_slice %arg7[%dma_start3A_460] : memref<25600xf32, #tpu.memory_space<vmem>> -> memref<10416xf32, #tpu.memory_space<vmem>>
      %dma_start3A_462 = tpu.memref_slice %arg3[%add3A_154] : memref<1048576xf32, #tpu.memory_space<hbm>> -> memref<10416xf32, #tpu.memory_space<hbm>>
      %dma_start3A_463 = arith.constant 0 : i32
      %dma_start3A_464 = tpu.memref_slice %arg7[%dma_start3A_463] : memref<25600xf32, #tpu.memory_space<vmem>> -> memref<10416xf32, #tpu.memory_space<vmem>>
      %dma_start3A_465 = tpu.memref_slice %arg3[%add3A_154] : memref<1048576xf32, #tpu.memory_space<hbm>> -> memref<10416xf32, #tpu.memory_space<hbm>>
      tpu.enqueue_dma source(%dma_start3A_465 : memref<10416xf32, #tpu.memory_space<hbm>>) target(%dma_start3A_464 : memref<10416xf32, #tpu.memory_space<vmem>>) target_semaphore(%run_scoped3A : memref<!tpu.dma_semaphore, #tpu.memory_space<semaphore_mem>>)
      %dma_wait3A_466 = arith.constant 0 : i32
      %dma_wait3A_467 = tpu.memref_slice %arg7[%dma_wait3A_466] : memref<25600xf32, #tpu.memory_space<vmem>> -> memref<10416xf32, #tpu.memory_space<vmem>>
      %dma_wait3A_468 = tpu.memref_slice %arg3[%add3A_154] : memref<1048576xf32, #tpu.memory_space<hbm>> -> memref<10416xf32, #tpu.memory_space<hbm>>
      %dma_wait3A_469 = arith.constant 0 : i32
      %dma_wait3A_470 = tpu.memref_slice %arg7[%dma_wait3A_469] : memref<25600xf32, #tpu.memory_space<vmem>> -> memref<10416xf32, #tpu.memory_space<vmem>>
      %dma_wait3A_471 = tpu.memref_slice %arg3[%add3A_154] : memref<1048576xf32, #tpu.memory_space<hbm>> -> memref<10416xf32, #tpu.memory_space<hbm>>
      tpu.wait_dma2 semaphore(%run_scoped3A : memref<!tpu.dma_semaphore, #tpu.memory_space<semaphore_mem>>) src(%dma_wait3A_471 : memref<10416xf32, #tpu.memory_space<hbm>>) dst(%dma_wait3A_470 : memref<10416xf32, #tpu.memory_space<vmem>>)
      tpu.yield
    }) : () -> ()
    "tpu.region"() ({
      %run_scoped3A = tpu.sem_alloc : memref<!tpu.dma_semaphore, #tpu.memory_space<semaphore_mem>>
      %dma_start3A_460 = arith.constant 12800 : i32
      %dma_start3A_461 = tpu.memref_slice %arg7[%dma_start3A_460] : memref<25600xf32, #tpu.memory_space<vmem>> -> memref<10416xf32, #tpu.memory_space<vmem>>
      %dma_start3A_462 = tpu.memref_slice %arg4[%add3A_154] : memref<1048576xf32, #tpu.memory_space<hbm>> -> memref<10416xf32, #tpu.memory_space<hbm>>
      %dma_start3A_463 = arith.constant 12800 : i32
      %dma_start3A_464 = tpu.memref_slice %arg7[%dma_start3A_463] : memref<25600xf32, #tpu.memory_space<vmem>> -> memref<10416xf32, #tpu.memory_space<vmem>>
      %dma_start3A_465 = tpu.memref_slice %arg4[%add3A_154] : memref<1048576xf32, #tpu.memory_space<hbm>> -> memref<10416xf32, #tpu.memory_space<hbm>>
      tpu.enqueue_dma source(%dma_start3A_465 : memref<10416xf32, #tpu.memory_space<hbm>>) target(%dma_start3A_464 : memref<10416xf32, #tpu.memory_space<vmem>>) target_semaphore(%run_scoped3A : memref<!tpu.dma_semaphore, #tpu.memory_space<semaphore_mem>>)
      %dma_wait3A_466 = arith.constant 12800 : i32
      %dma_wait3A_467 = tpu.memref_slice %arg7[%dma_wait3A_466] : memref<25600xf32, #tpu.memory_space<vmem>> -> memref<10416xf32, #tpu.memory_space<vmem>>
      %dma_wait3A_468 = tpu.memref_slice %arg4[%add3A_154] : memref<1048576xf32, #tpu.memory_space<hbm>> -> memref<10416xf32, #tpu.memory_space<hbm>>
      %dma_wait3A_469 = arith.constant 12800 : i32
      %dma_wait3A_470 = tpu.memref_slice %arg7[%dma_wait3A_469] : memref<25600xf32, #tpu.memory_space<vmem>> -> memref<10416xf32, #tpu.memory_space<vmem>>
      %dma_wait3A_471 = tpu.memref_slice %arg4[%add3A_154] : memref<1048576xf32, #tpu.memory_space<hbm>> -> memref<10416xf32, #tpu.memory_space<hbm>>
      tpu.wait_dma2 semaphore(%run_scoped3A : memref<!tpu.dma_semaphore, #tpu.memory_space<semaphore_mem>>) src(%dma_wait3A_471 : memref<10416xf32, #tpu.memory_space<hbm>>) dst(%dma_wait3A_470 : memref<10416xf32, #tpu.memory_space<vmem>>)
      tpu.yield
    }) : () -> ()
    %scan3A_155 = arith.constant 0 : i32
    %scan3A_156 = arith.constant 0 : i32
    %scan3A_157 = arith.constant 648 : i32
    %scan3A_158 = arith.addi %scan3A_156, %scan3A_157 : i32
    %scan3A_159 = arith.constant 8 : i32
    %scan3A_160 = scf.for %scan3A_460 = %scan3A_156 to %scan3A_158 step %scan3A_159 iter_args(%scan3A_461 = %scan3A_155) -> (i32)  : i32 {
      %mul3A_462 = arith.constant 16 : i32
      %mul3A_463 = arith.muli %scan3A_460, %mul3A_462 : i32
      %get3A_464 = arith.constant 0 : i32
      %get3A_465 = tpu.memref_slice %arg7[%get3A_464] : memref<25600xf32, #tpu.memory_space<vmem>> -> memref<10416xf32, #tpu.memory_space<vmem>>
      %get3A_466 = arith.index_cast %mul3A_463 : i32 to index
      %get3A_467 = tpu.vector_load %get3A_465[%get3A_466] {strides = array<i32>} : memref<10416xf32, #tpu.memory_space<vmem>>, vector<16xf32>,
      %get3A_468 = vector.shape_cast %get3A_467 : vector<16xf32> to vector<16xf32>
      %get3A_469 = arith.constant 12800 : i32
      %get3A_470 = tpu.memref_slice %arg7[%get3A_469] : memref<25600xf32, #tpu.memory_space<vmem>> -> memref<10416xf32, #tpu.memory_space<vmem>>
      %get3A_471 = arith.index_cast %mul3A_463 : i32 to index
      %get3A_472 = tpu.vector_load %get3A_470[%get3A_471] {strides = array<i32>} : memref<10416xf32, #tpu.memory_space<vmem>>, vector<16xf32>,
      %get3A_473 = vector.shape_cast %get3A_472 : vector<16xf32> to vector<16xf32>
      %mul3A_474 = arith.mulf %get3A_468, %get3A_473 : vector<16xf32>
      %swap3A_475 = arith.constant 0 : i32
      %swap3A_476 = tpu.memref_slice %arg7[%swap3A_475] : memref<25600xf32, #tpu.memory_space<vmem>> -> memref<10416xf32, #tpu.memory_space<vmem>>
      %swap3A_477 = arith.index_cast %mul3A_463 : i32 to index
      %swap3A_478 = tpu.vector_load %swap3A_476[%swap3A_477] {strides = array<i32>} : memref<10416xf32, #tpu.memory_space<vmem>>, vector<16xf32>,
      %swap3A_479 = vector.shape_cast %swap3A_478 : vector<16xf32> to vector<16xf32>
      %swap3A_480 = vector.shape_cast %mul3A_474 : vector<16xf32> to vector<16xf32>
      tpu.vector_store %swap3A_476[%swap3A_477], %swap3A_480 {strides = array<i32>} : memref<10416xf32, #tpu.memory_space<vmem>>, vector<16xf32>,
      %scan3A_481 = arith.constant 0 : i32
      %scan3A_482 = arith.constant 1 : i32
      %scan3A_483 = arith.addi %scan3A_460, %scan3A_482 : i32
      %mul3A_484 = arith.constant 16 : i32
      %mul3A_485 = arith.muli %scan3A_483, %mul3A_484 : i32
      %get3A_486 = arith.constant 0 : i32
      %get3A_487 = tpu.memref_slice %arg7[%get3A_486] : memref<25600xf32, #tpu.memory_space<vmem>> -> memref<10416xf32, #tpu.memory_space<vmem>>
      %get3A_488 = arith.index_cast %mul3A_485 : i32 to index
      %get3A_489 = tpu.vector_load %get3A_487[%get3A_488] {strides = array<i32>} : memref<10416xf32, #tpu.memory_space<vmem>>, vector<16xf32>,
      %get3A_490 = vector.shape_cast %get3A_489 : vector<16xf32> to vector<16xf32>
      %get3A_491 = arith.constant 12800 : i32
      %get3A_492 = tpu.memref_slice %arg7[%get3A_491] : memref<25600xf32, #tpu.memory_space<vmem>> -> memref<10416xf32, #tpu.memory_space<vmem>>
      %get3A_493 = arith.index_cast %mul3A_485 : i32 to index
      %get3A_494 = tpu.vector_load %get3A_492[%get3A_493] {strides = array<i32>} : memref<10416xf32, #tpu.memory_space<vmem>>, vector<16xf32>,
      %get3A_495 = vector.shape_cast %get3A_494 : vector<16xf32> to vector<16xf32>
      %mul3A_496 = arith.mulf %get3A_490, %get3A_495 : vector<16xf32>
      %swap3A_497 = arith.constant 0 : i32
      %swap3A_498 = tpu.memref_slice %arg7[%swap3A_497] : memref<25600xf32, #tpu.memory_space<vmem>> -> memref<10416xf32, #tpu.memory_space<vmem>>
      %swap3A_499 = arith.index_cast %mul3A_485 : i32 to index
      %swap3A_500 = tpu.vector_load %swap3A_498[%swap3A_499] {strides = array<i32>} : memref<10416xf32, #tpu.memory_space<vmem>>, vector<16xf32>,
      %swap3A_501 = vector.shape_cast %swap3A_500 : vector<16xf32> to vector<16xf32>
      %swap3A_502 = vector.shape_cast %mul3A_496 : vector<16xf32> to vector<16xf32>
      tpu.vector_store %swap3A_498[%swap3A_499], %swap3A_502 {strides = array<i32>} : memref<10416xf32, #tpu.memory_space<vmem>>, vector<16xf32>,
      %scan3A_503 = arith.constant 0 : i32
      %scan3A_504 = arith.constant 2 : i32
      %scan3A_505 = arith.addi %scan3A_460, %scan3A_504 : i32
      %mul3A_506 = arith.constant 16 : i32
      %mul3A_507 = arith.muli %scan3A_505, %mul3A_506 : i32
      %get3A_508 = arith.constant 0 : i32
      %get3A_509 = tpu.memref_slice %arg7[%get3A_508] : memref<25600xf32, #tpu.memory_space<vmem>> -> memref<10416xf32, #tpu.memory_space<vmem>>
      %get3A_510 = arith.index_cast %mul3A_507 : i32 to index
      %get3A_511 = tpu.vector_load %get3A_509[%get3A_510] {strides = array<i32>} : memref<10416xf32, #tpu.memory_space<vmem>>, vector<16xf32>,
      %get3A_512 = vector.shape_cast %get3A_511 : vector<16xf32> to vector<16xf32>
      %get3A_513 = arith.constant 12800 : i32
      %get3A_514 = tpu.memref_slice %arg7[%get3A_513] : memref<25600xf32, #tpu.memory_space<vmem>> -> memref<10416xf32, #tpu.memory_space<vmem>>
      %get3A_515 = arith.index_cast %mul3A_507 : i32 to index
      %get3A_516 = tpu.vector_load %get3A_514[%get3A_515] {strides = array<i32>} : memref<10416xf32, #tpu.memory_space<vmem>>, vector<16xf32>,
      %get3A_517 = vector.shape_cast %get3A_516 : vector<16xf32> to vector<16xf32>
      %mul3A_518 = arith.mulf %get3A_512, %get3A_517 : vector<16xf32>
      %swap3A_519 = arith.constant 0 : i32
      %swap3A_520 = tpu.memref_slice %arg7[%swap3A_519] : memref<25600xf32, #tpu.memory_space<vmem>> -> memref<10416xf32, #tpu.memory_space<vmem>>
      %swap3A_521 = arith.index_cast %mul3A_507 : i32 to index
      %swap3A_522 = tpu.vector_load %swap3A_520[%swap3A_521] {strides = array<i32>} : memref<10416xf32, #tpu.memory_space<vmem>>, vector<16xf32>,
      %swap3A_523 = vector.shape_cast %swap3A_522 : vector<16xf32> to vector<16xf32>
      %swap3A_524 = vector.shape_cast %mul3A_518 : vector<16xf32> to vector<16xf32>
      tpu.vector_store %swap3A_520[%swap3A_521], %swap3A_524 {strides = array<i32>} : memref<10416xf32, #tpu.memory_space<vmem>>, vector<16xf32>,
      %scan3A_525 = arith.constant 0 : i32
      %scan3A_526 = arith.constant 3 : i32
      %scan3A_527 = arith.addi %scan3A_460, %scan3A_526 : i32
      %mul3A_528 = arith.constant 16 : i32
      %mul3A_529 = arith.muli %scan3A_527, %mul3A_528 : i32
      %get3A_530 = arith.constant 0 : i32
      %get3A_531 = tpu.memref_slice %arg7[%get3A_530] : memref<25600xf32, #tpu.memory_space<vmem>> -> memref<10416xf32, #tpu.memory_space<vmem>>
      %get3A_532 = arith.index_cast %mul3A_529 : i32 to index
      %get3A_533 = tpu.vector_load %get3A_531[%get3A_532] {strides = array<i32>} : memref<10416xf32, #tpu.memory_space<vmem>>, vector<16xf32>,
      %get3A_534 = vector.shape_cast %get3A_533 : vector<16xf32> to vector<16xf32>
      %get3A_535 = arith.constant 12800 : i32
      %get3A_536 = tpu.memref_slice %arg7[%get3A_535] : memref<25600xf32, #tpu.memory_space<vmem>> -> memref<10416xf32, #tpu.memory_space<vmem>>
      %get3A_537 = arith.index_cast %mul3A_529 : i32 to index
      %get3A_538 = tpu.vector_load %get3A_536[%get3A_537] {strides = array<i32>} : memref<10416xf32, #tpu.memory_space<vmem>>, vector<16xf32>,
      %get3A_539 = vector.shape_cast %get3A_538 : vector<16xf32> to vector<16xf32>
      %mul3A_540 = arith.mulf %get3A_534, %get3A_539 : vector<16xf32>
      %swap3A_541 = arith.constant 0 : i32
      %swap3A_542 = tpu.memref_slice %arg7[%swap3A_541] : memref<25600xf32, #tpu.memory_space<vmem>> -> memref<10416xf32, #tpu.memory_space<vmem>>
      %swap3A_543 = arith.index_cast %mul3A_529 : i32 to index
      %swap3A_544 = tpu.vector_load %swap3A_542[%swap3A_543] {strides = array<i32>} : memref<10416xf32, #tpu.memory_space<vmem>>, vector<16xf32>,
      %swap3A_545 = vector.shape_cast %swap3A_544 : vector<16xf32> to vector<16xf32>
      %swap3A_546 = vector.shape_cast %mul3A_540 : vector<16xf32> to vector<16xf32>
      tpu.vector_store %swap3A_542[%swap3A_543], %swap3A_546 {strides = array<i32>} : memref<10416xf32, #tpu.memory_space<vmem>>, vector<16xf32>,
      %scan3A_547 = arith.constant 0 : i32
      %scan3A_548 = arith.constant 4 : i32
      %scan3A_549 = arith.addi %scan3A_460, %scan3A_548 : i32
      %mul3A_550 = arith.constant 16 : i32
      %mul3A_551 = arith.muli %scan3A_549, %mul3A_550 : i32
      %get3A_552 = arith.constant 0 : i32
      %get3A_553 = tpu.memref_slice %arg7[%get3A_552] : memref<25600xf32, #tpu.memory_space<vmem>> -> memref<10416xf32, #tpu.memory_space<vmem>>
      %get3A_554 = arith.index_cast %mul3A_551 : i32 to index
      %get3A_555 = tpu.vector_load %get3A_553[%get3A_554] {strides = array<i32>} : memref<10416xf32, #tpu.memory_space<vmem>>, vector<16xf32>,
      %get3A_556 = vector.shape_cast %get3A_555 : vector<16xf32> to vector<16xf32>
      %get3A_557 = arith.constant 12800 : i32
      %get3A_558 = tpu.memref_slice %arg7[%get3A_557] : memref<25600xf32, #tpu.memory_space<vmem>> -> memref<10416xf32, #tpu.memory_space<vmem>>
      %get3A_559 = arith.index_cast %mul3A_551 : i32 to index
      %get3A_560 = tpu.vector_load %get3A_558[%get3A_559] {strides = array<i32>} : memref<10416xf32, #tpu.memory_space<vmem>>, vector<16xf32>,
      %get3A_561 = vector.shape_cast %get3A_560 : vector<16xf32> to vector<16xf32>
      %mul3A_562 = arith.mulf %get3A_556, %get3A_561 : vector<16xf32>
      %swap3A_563 = arith.constant 0 : i32
      %swap3A_564 = tpu.memref_slice %arg7[%swap3A_563] : memref<25600xf32, #tpu.memory_space<vmem>> -> memref<10416xf32, #tpu.memory_space<vmem>>
      %swap3A_565 = arith.index_cast %mul3A_551 : i32 to index
      %swap3A_566 = tpu.vector_load %swap3A_564[%swap3A_565] {strides = array<i32>} : memref<10416xf32, #tpu.memory_space<vmem>>, vector<16xf32>,
      %swap3A_567 = vector.shape_cast %swap3A_566 : vector<16xf32> to vector<16xf32>
      %swap3A_568 = vector.shape_cast %mul3A_562 : vector<16xf32> to vector<16xf32>
      tpu.vector_store %swap3A_564[%swap3A_565], %swap3A_568 {strides = array<i32>} : memref<10416xf32, #tpu.memory_space<vmem>>, vector<16xf32>,
      %scan3A_569 = arith.constant 0 : i32
      %scan3A_570 = arith.constant 5 : i32
      %scan3A_571 = arith.addi %scan3A_460, %scan3A_570 : i32
      %mul3A_572 = arith.constant 16 : i32
      %mul3A_573 = arith.muli %scan3A_571, %mul3A_572 : i32
      %get3A_574 = arith.constant 0 : i32
      %get3A_575 = tpu.memref_slice %arg7[%get3A_574] : memref<25600xf32, #tpu.memory_space<vmem>> -> memref<10416xf32, #tpu.memory_space<vmem>>
      %get3A_576 = arith.index_cast %mul3A_573 : i32 to index
      %get3A_577 = tpu.vector_load %get3A_575[%get3A_576] {strides = array<i32>} : memref<10416xf32, #tpu.memory_space<vmem>>, vector<16xf32>,
      %get3A_578 = vector.shape_cast %get3A_577 : vector<16xf32> to vector<16xf32>
      %get3A_579 = arith.constant 12800 : i32
      %get3A_580 = tpu.memref_slice %arg7[%get3A_579] : memref<25600xf32, #tpu.memory_space<vmem>> -> memref<10416xf32, #tpu.memory_space<vmem>>
      %get3A_581 = arith.index_cast %mul3A_573 : i32 to index
      %get3A_582 = tpu.vector_load %get3A_580[%get3A_581] {strides = array<i32>} : memref<10416xf32, #tpu.memory_space<vmem>>, vector<16xf32>,
      %get3A_583 = vector.shape_cast %get3A_582 : vector<16xf32> to vector<16xf32>
      %mul3A_584 = arith.mulf %get3A_578, %get3A_583 : vector<16xf32>
      %swap3A_585 = arith.constant 0 : i32
      %swap3A_586 = tpu.memref_slice %arg7[%swap3A_585] : memref<25600xf32, #tpu.memory_space<vmem>> -> memref<10416xf32, #tpu.memory_space<vmem>>
      %swap3A_587 = arith.index_cast %mul3A_573 : i32 to index
      %swap3A_588 = tpu.vector_load %swap3A_586[%swap3A_587] {strides = array<i32>} : memref<10416xf32, #tpu.memory_space<vmem>>, vector<16xf32>,
      %swap3A_589 = vector.shape_cast %swap3A_588 : vector<16xf32> to vector<16xf32>
      %swap3A_590 = vector.shape_cast %mul3A_584 : vector<16xf32> to vector<16xf32>
      tpu.vector_store %swap3A_586[%swap3A_587], %swap3A_590 {strides = array<i32>} : memref<10416xf32, #tpu.memory_space<vmem>>, vector<16xf32>,
      %scan3A_591 = arith.constant 0 : i32
      %scan3A_592 = arith.constant 6 : i32
      %scan3A_593 = arith.addi %scan3A_460, %scan3A_592 : i32
      %mul3A_594 = arith.constant 16 : i32
      %mul3A_595 = arith.muli %scan3A_593, %mul3A_594 : i32
      %get3A_596 = arith.constant 0 : i32
      %get3A_597 = tpu.memref_slice %arg7[%get3A_596] : memref<25600xf32, #tpu.memory_space<vmem>> -> memref<10416xf32, #tpu.memory_space<vmem>>
      %get3A_598 = arith.index_cast %mul3A_595 : i32 to index
      %get3A_599 = tpu.vector_load %get3A_597[%get3A_598] {strides = array<i32>} : memref<10416xf32, #tpu.memory_space<vmem>>, vector<16xf32>,
      %get3A_600 = vector.shape_cast %get3A_599 : vector<16xf32> to vector<16xf32>
      %get3A_601 = arith.constant 12800 : i32
      %get3A_602 = tpu.memref_slice %arg7[%get3A_601] : memref<25600xf32, #tpu.memory_space<vmem>> -> memref<10416xf32, #tpu.memory_space<vmem>>
      %get3A_603 = arith.index_cast %mul3A_595 : i32 to index
      %get3A_604 = tpu.vector_load %get3A_602[%get3A_603] {strides = array<i32>} : memref<10416xf32, #tpu.memory_space<vmem>>, vector<16xf32>,
      %get3A_605 = vector.shape_cast %get3A_604 : vector<16xf32> to vector<16xf32>
      %mul3A_606 = arith.mulf %get3A_600, %get3A_605 : vector<16xf32>
      %swap3A_607 = arith.constant 0 : i32
      %swap3A_608 = tpu.memref_slice %arg7[%swap3A_607] : memref<25600xf32, #tpu.memory_space<vmem>> -> memref<10416xf32, #tpu.memory_space<vmem>>
      %swap3A_609 = arith.index_cast %mul3A_595 : i32 to index
      %swap3A_610 = tpu.vector_load %swap3A_608[%swap3A_609] {strides = array<i32>} : memref<10416xf32, #tpu.memory_space<vmem>>, vector<16xf32>,
      %swap3A_611 = vector.shape_cast %swap3A_610 : vector<16xf32> to vector<16xf32>
      %swap3A_612 = vector.shape_cast %mul3A_606 : vector<16xf32> to vector<16xf32>
      tpu.vector_store %swap3A_608[%swap3A_609], %swap3A_612 {strides = array<i32>} : memref<10416xf32, #tpu.memory_space<vmem>>, vector<16xf32>,
      %scan3A_613 = arith.constant 0 : i32
      %scan3A_614 = arith.constant 7 : i32
      %scan3A_615 = arith.addi %scan3A_460, %scan3A_614 : i32
      %mul3A_616 = arith.constant 16 : i32
      %mul3A_617 = arith.muli %scan3A_615, %mul3A_616 : i32
      %get3A_618 = arith.constant 0 : i32
      %get3A_619 = tpu.memref_slice %arg7[%get3A_618] : memref<25600xf32, #tpu.memory_space<vmem>> -> memref<10416xf32, #tpu.memory_space<vmem>>
      %get3A_620 = arith.index_cast %mul3A_617 : i32 to index
      %get3A_621 = tpu.vector_load %get3A_619[%get3A_620] {strides = array<i32>} : memref<10416xf32, #tpu.memory_space<vmem>>, vector<16xf32>,
      %get3A_622 = vector.shape_cast %get3A_621 : vector<16xf32> to vector<16xf32>
      %get3A_623 = arith.constant 12800 : i32
      %get3A_624 = tpu.memref_slice %arg7[%get3A_623] : memref<25600xf32, #tpu.memory_space<vmem>> -> memref<10416xf32, #tpu.memory_space<vmem>>
      %get3A_625 = arith.index_cast %mul3A_617 : i32 to index
      %get3A_626 = tpu.vector_load %get3A_624[%get3A_625] {strides = array<i32>} : memref<10416xf32, #tpu.memory_space<vmem>>, vector<16xf32>,
      %get3A_627 = vector.shape_cast %get3A_626 : vector<16xf32> to vector<16xf32>
      %mul3A_628 = arith.mulf %get3A_622, %get3A_627 : vector<16xf32>
      %swap3A_629 = arith.constant 0 : i32
      %swap3A_630 = tpu.memref_slice %arg7[%swap3A_629] : memref<25600xf32, #tpu.memory_space<vmem>> -> memref<10416xf32, #tpu.memory_space<vmem>>
      %swap3A_631 = arith.index_cast %mul3A_617 : i32 to index
      %swap3A_632 = tpu.vector_load %swap3A_630[%swap3A_631] {strides = array<i32>} : memref<10416xf32, #tpu.memory_space<vmem>>, vector<16xf32>,
      %swap3A_633 = vector.shape_cast %swap3A_632 : vector<16xf32> to vector<16xf32>
      %swap3A_634 = vector.shape_cast %mul3A_628 : vector<16xf32> to vector<16xf32>
      tpu.vector_store %swap3A_630[%swap3A_631], %swap3A_634 {strides = array<i32>} : memref<10416xf32, #tpu.memory_space<vmem>>, vector<16xf32>,
      %scan3A_635 = arith.constant 0 : i32
      scf.yield %scan3A_635 : i32
    }
    %scan3A_161 = arith.constant 648 : i32
    %scan3A_162 = arith.addi %scan3A_156, %scan3A_161 : i32
    %mul3A_163 = arith.constant 16 : i32
    %mul3A_164 = arith.muli %scan3A_162, %mul3A_163 : i32
    %get3A_165 = arith.constant 0 : i32
    %get3A_166 = tpu.memref_slice %arg7[%get3A_165] : memref<25600xf32, #tpu.memory_space<vmem>> -> memref<10416xf32, #tpu.memory_space<vmem>>
    %get3A_167 = arith.index_cast %mul3A_164 : i32 to index
    %get3A_168 = tpu.vector_load %get3A_166[%get3A_167] {strides = array<i32>} : memref<10416xf32, #tpu.memory_space<vmem>>, vector<16xf32>,
    %get3A_169 = vector.shape_cast %get3A_168 : vector<16xf32> to vector<16xf32>
    %get3A_170 = arith.constant 12800 : i32
    %get3A_171 = tpu.memref_slice %arg7[%get3A_170] : memref<25600xf32, #tpu.memory_space<vmem>> -> memref<10416xf32, #tpu.memory_space<vmem>>
    %get3A_172 = arith.index_cast %mul3A_164 : i32 to index
    %get3A_173 = tpu.vector_load %get3A_171[%get3A_172] {strides = array<i32>} : memref<10416xf32, #tpu.memory_space<vmem>>, vector<16xf32>,
    %get3A_174 = vector.shape_cast %get3A_173 : vector<16xf32> to vector<16xf32>
    %mul3A_175 = arith.mulf %get3A_169, %get3A_174 : vector<16xf32>
    %swap3A_176 = arith.constant 0 : i32
    %swap3A_177 = tpu.memref_slice %arg7[%swap3A_176] : memref<25600xf32, #tpu.memory_space<vmem>> -> memref<10416xf32, #tpu.memory_space<vmem>>
    %swap3A_178 = arith.index_cast %mul3A_164 : i32 to index
    %swap3A_179 = tpu.vector_load %swap3A_177[%swap3A_178] {strides = array<i32>} : memref<10416xf32, #tpu.memory_space<vmem>>, vector<16xf32>,
    %swap3A_180 = vector.shape_cast %swap3A_179 : vector<16xf32> to vector<16xf32>
    %swap3A_181 = vector.shape_cast %mul3A_175 : vector<16xf32> to vector<16xf32>
    tpu.vector_store %swap3A_177[%swap3A_178], %swap3A_181 {strides = array<i32>} : memref<10416xf32, #tpu.memory_space<vmem>>, vector<16xf32>,
    %scan3A_182 = arith.constant 0 : i32
    %scan3A_183 = arith.constant 649 : i32
    %scan3A_184 = arith.addi %scan3A_156, %scan3A_183 : i32
    %mul3A_185 = arith.constant 16 : i32
    %mul3A_186 = arith.muli %scan3A_184, %mul3A_185 : i32
    %get3A_187 = arith.constant 0 : i32
    %get3A_188 = tpu.memref_slice %arg7[%get3A_187] : memref<25600xf32, #tpu.memory_space<vmem>> -> memref<10416xf32, #tpu.memory_space<vmem>>
    %get3A_189 = arith.index_cast %mul3A_186 : i32 to index
    %get3A_190 = tpu.vector_load %get3A_188[%get3A_189] {strides = array<i32>} : memref<10416xf32, #tpu.memory_space<vmem>>, vector<16xf32>,
    %get3A_191 = vector.shape_cast %get3A_190 : vector<16xf32> to vector<16xf32>
    %get3A_192 = arith.constant 12800 : i32
    %get3A_193 = tpu.memref_slice %arg7[%get3A_192] : memref<25600xf32, #tpu.memory_space<vmem>> -> memref<10416xf32, #tpu.memory_space<vmem>>
    %get3A_194 = arith.index_cast %mul3A_186 : i32 to index
    %get3A_195 = tpu.vector_load %get3A_193[%get3A_194] {strides = array<i32>} : memref<10416xf32, #tpu.memory_space<vmem>>, vector<16xf32>,
    %get3A_196 = vector.shape_cast %get3A_195 : vector<16xf32> to vector<16xf32>
    %mul3A_197 = arith.mulf %get3A_191, %get3A_196 : vector<16xf32>
    %swap3A_198 = arith.constant 0 : i32
    %swap3A_199 = tpu.memref_slice %arg7[%swap3A_198] : memref<25600xf32, #tpu.memory_space<vmem>> -> memref<10416xf32, #tpu.memory_space<vmem>>
    %swap3A_200 = arith.index_cast %mul3A_186 : i32 to index
    %swap3A_201 = tpu.vector_load %swap3A_199[%swap3A_200] {strides = array<i32>} : memref<10416xf32, #tpu.memory_space<vmem>>, vector<16xf32>,
    %swap3A_202 = vector.shape_cast %swap3A_201 : vector<16xf32> to vector<16xf32>
    %swap3A_203 = vector.shape_cast %mul3A_197 : vector<16xf32> to vector<16xf32>
    tpu.vector_store %swap3A_199[%swap3A_200], %swap3A_203 {strides = array<i32>} : memref<10416xf32, #tpu.memory_space<vmem>>, vector<16xf32>,
    %scan3A_204 = arith.constant 0 : i32
    %scan3A_205 = arith.constant 650 : i32
    %scan3A_206 = arith.addi %scan3A_156, %scan3A_205 : i32
    %mul3A_207 = arith.constant 16 : i32
    %mul3A_208 = arith.muli %scan3A_206, %mul3A_207 : i32
    %get3A_209 = arith.constant 0 : i32
    %get3A_210 = tpu.memref_slice %arg7[%get3A_209] : memref<25600xf32, #tpu.memory_space<vmem>> -> memref<10416xf32, #tpu.memory_space<vmem>>
    %get3A_211 = arith.index_cast %mul3A_208 : i32 to index
    %get3A_212 = tpu.vector_load %get3A_210[%get3A_211] {strides = array<i32>} : memref<10416xf32, #tpu.memory_space<vmem>>, vector<16xf32>,
    %get3A_213 = vector.shape_cast %get3A_212 : vector<16xf32> to vector<16xf32>
    %get3A_214 = arith.constant 12800 : i32
    %get3A_215 = tpu.memref_slice %arg7[%get3A_214] : memref<25600xf32, #tpu.memory_space<vmem>> -> memref<10416xf32, #tpu.memory_space<vmem>>
    %get3A_216 = arith.index_cast %mul3A_208 : i32 to index
    %get3A_217 = tpu.vector_load %get3A_215[%get3A_216] {strides = array<i32>} : memref<10416xf32, #tpu.memory_space<vmem>>, vector<16xf32>,
    %get3A_218 = vector.shape_cast %get3A_217 : vector<16xf32> to vector<16xf32>
    %mul3A_219 = arith.mulf %get3A_213, %get3A_218 : vector<16xf32>
    %swap3A_220 = arith.constant 0 : i32
    %swap3A_221 = tpu.memref_slice %arg7[%swap3A_220] : memref<25600xf32, #tpu.memory_space<vmem>> -> memref<10416xf32, #tpu.memory_space<vmem>>
    %swap3A_222 = arith.index_cast %mul3A_208 : i32 to index
    %swap3A_223 = tpu.vector_load %swap3A_221[%swap3A_222] {strides = array<i32>} : memref<10416xf32, #tpu.memory_space<vmem>>, vector<16xf32>,
    %swap3A_224 = vector.shape_cast %swap3A_223 : vector<16xf32> to vector<16xf32>
    %swap3A_225 = vector.shape_cast %mul3A_219 : vector<16xf32> to vector<16xf32>
    tpu.vector_store %swap3A_221[%swap3A_222], %swap3A_225 {strides = array<i32>} : memref<10416xf32, #tpu.memory_space<vmem>>, vector<16xf32>,
    %scan3A_226 = arith.constant 0 : i32
    %scan3A_227 = arith.constant 651 : i32
    "tpu.region"() ({
      %run_scoped3A = tpu.sem_alloc : memref<!tpu.dma_semaphore, #tpu.memory_space<semaphore_mem>>
      %dma_start3A_460 = arith.constant 0 : i32
      %dma_start3A_461 = tpu.memref_slice %arg7[%dma_start3A_460] : memref<25600xf32, #tpu.memory_space<vmem>> -> memref<10416xf32, #tpu.memory_space<vmem>>
      %dma_start3A_462 = tpu.memref_slice %arg8[%add3A_154] : memref<1000064xf32, #tpu.memory_space<vmem_shared>> -> memref<10416xf32, #tpu.memory_space<vmem_shared>>
      %dma_start3A_463 = tpu.memref_slice %arg8[%add3A_154] : memref<1000064xf32, #tpu.memory_space<vmem_shared>> -> memref<10416xf32, #tpu.memory_space<vmem_shared>>
      %dma_start3A_464 = arith.constant 0 : i32
      %dma_start3A_465 = tpu.memref_slice %arg7[%dma_start3A_464] : memref<25600xf32, #tpu.memory_space<vmem>> -> memref<10416xf32, #tpu.memory_space<vmem>>
      tpu.enqueue_dma source(%dma_start3A_465 : memref<10416xf32, #tpu.memory_space<vmem>>) target(%dma_start3A_463 : memref<10416xf32, #tpu.memory_space<vmem_shared>>) target_semaphore(%run_scoped3A : memref<!tpu.dma_semaphore, #tpu.memory_space<semaphore_mem>>)
      %dma_wait3A_466 = arith.constant 0 : i32
      %dma_wait3A_467 = tpu.memref_slice %arg7[%dma_wait3A_466] : memref<25600xf32, #tpu.memory_space<vmem>> -> memref<10416xf32, #tpu.memory_space<vmem>>
      %dma_wait3A_468 = tpu.memref_slice %arg8[%add3A_154] : memref<1000064xf32, #tpu.memory_space<vmem_shared>> -> memref<10416xf32, #tpu.memory_space<vmem_shared>>
      %dma_wait3A_469 = tpu.memref_slice %arg8[%add3A_154] : memref<1000064xf32, #tpu.memory_space<vmem_shared>> -> memref<10416xf32, #tpu.memory_space<vmem_shared>>
      %dma_wait3A_470 = arith.constant 0 : i32
      %dma_wait3A_471 = tpu.memref_slice %arg7[%dma_wait3A_470] : memref<25600xf32, #tpu.memory_space<vmem>> -> memref<10416xf32, #tpu.memory_space<vmem>>
      tpu.wait_dma2 semaphore(%run_scoped3A : memref<!tpu.dma_semaphore, #tpu.memory_space<semaphore_mem>>) src(%dma_wait3A_471 : memref<10416xf32, #tpu.memory_space<vmem>>) dst(%dma_wait3A_469 : memref<10416xf32, #tpu.memory_space<vmem_shared>>)
      tpu.yield
    }) : () -> ()
    %add3A_228 = arith.constant 31248 : i32
    %add3A_229 = arith.addi %mul3A_5, %add3A_228 : i32
    "tpu.region"() ({
      %run_scoped3A = tpu.sem_alloc : memref<!tpu.dma_semaphore, #tpu.memory_space<semaphore_mem>>
      %dma_start3A_460 = arith.constant 0 : i32
      %dma_start3A_461 = tpu.memref_slice %arg7[%dma_start3A_460] : memref<25600xf32, #tpu.memory_space<vmem>> -> memref<10416xf32, #tpu.memory_space<vmem>>
      %dma_start3A_462 = tpu.memref_slice %arg3[%add3A_229] : memref<1048576xf32, #tpu.memory_space<hbm>> -> memref<10416xf32, #tpu.memory_space<hbm>>
      %dma_start3A_463 = arith.constant 0 : i32
      %dma_start3A_464 = tpu.memref_slice %arg7[%dma_start3A_463] : memref<25600xf32, #tpu.memory_space<vmem>> -> memref<10416xf32, #tpu.memory_space<vmem>>
      %dma_start3A_465 = tpu.memref_slice %arg3[%add3A_229] : memref<1048576xf32, #tpu.memory_space<hbm>> -> memref<10416xf32, #tpu.memory_space<hbm>>
      tpu.enqueue_dma source(%dma_start3A_465 : memref<10416xf32, #tpu.memory_space<hbm>>) target(%dma_start3A_464 : memref<10416xf32, #tpu.memory_space<vmem>>) target_semaphore(%run_scoped3A : memref<!tpu.dma_semaphore, #tpu.memory_space<semaphore_mem>>)
      %dma_wait3A_466 = arith.constant 0 : i32
      %dma_wait3A_467 = tpu.memref_slice %arg7[%dma_wait3A_466] : memref<25600xf32, #tpu.memory_space<vmem>> -> memref<10416xf32, #tpu.memory_space<vmem>>
      %dma_wait3A_468 = tpu.memref_slice %arg3[%add3A_229] : memref<1048576xf32, #tpu.memory_space<hbm>> -> memref<10416xf32, #tpu.memory_space<hbm>>
      %dma_wait3A_469 = arith.constant 0 : i32
      %dma_wait3A_470 = tpu.memref_slice %arg7[%dma_wait3A_469] : memref<25600xf32, #tpu.memory_space<vmem>> -> memref<10416xf32, #tpu.memory_space<vmem>>
      %dma_wait3A_471 = tpu.memref_slice %arg3[%add3A_229] : memref<1048576xf32, #tpu.memory_space<hbm>> -> memref<10416xf32, #tpu.memory_space<hbm>>
      tpu.wait_dma2 semaphore(%run_scoped3A : memref<!tpu.dma_semaphore, #tpu.memory_space<semaphore_mem>>) src(%dma_wait3A_471 : memref<10416xf32, #tpu.memory_space<hbm>>) dst(%dma_wait3A_470 : memref<10416xf32, #tpu.memory_space<vmem>>)
      tpu.yield
    }) : () -> ()
    "tpu.region"() ({
      %run_scoped3A = tpu.sem_alloc : memref<!tpu.dma_semaphore, #tpu.memory_space<semaphore_mem>>
      %dma_start3A_460 = arith.constant 12800 : i32
      %dma_start3A_461 = tpu.memref_slice %arg7[%dma_start3A_460] : memref<25600xf32, #tpu.memory_space<vmem>> -> memref<10416xf32, #tpu.memory_space<vmem>>
      %dma_start3A_462 = tpu.memref_slice %arg4[%add3A_229] : memref<1048576xf32, #tpu.memory_space<hbm>> -> memref<10416xf32, #tpu.memory_space<hbm>>
      %dma_start3A_463 = arith.constant 12800 : i32
      %dma_start3A_464 = tpu.memref_slice %arg7[%dma_start3A_463] : memref<25600xf32, #tpu.memory_space<vmem>> -> memref<10416xf32, #tpu.memory_space<vmem>>
      %dma_start3A_465 = tpu.memref_slice %arg4[%add3A_229] : memref<1048576xf32, #tpu.memory_space<hbm>> -> memref<10416xf32, #tpu.memory_space<hbm>>
      tpu.enqueue_dma source(%dma_start3A_465 : memref<10416xf32, #tpu.memory_space<hbm>>) target(%dma_start3A_464 : memref<10416xf32, #tpu.memory_space<vmem>>) target_semaphore(%run_scoped3A : memref<!tpu.dma_semaphore, #tpu.memory_space<semaphore_mem>>)
      %dma_wait3A_466 = arith.constant 12800 : i32
      %dma_wait3A_467 = tpu.memref_slice %arg7[%dma_wait3A_466] : memref<25600xf32, #tpu.memory_space<vmem>> -> memref<10416xf32, #tpu.memory_space<vmem>>
      %dma_wait3A_468 = tpu.memref_slice %arg4[%add3A_229] : memref<1048576xf32, #tpu.memory_space<hbm>> -> memref<10416xf32, #tpu.memory_space<hbm>>
      %dma_wait3A_469 = arith.constant 12800 : i32
      %dma_wait3A_470 = tpu.memref_slice %arg7[%dma_wait3A_469] : memref<25600xf32, #tpu.memory_space<vmem>> -> memref<10416xf32, #tpu.memory_space<vmem>>
      %dma_wait3A_471 = tpu.memref_slice %arg4[%add3A_229] : memref<1048576xf32, #tpu.memory_space<hbm>> -> memref<10416xf32, #tpu.memory_space<hbm>>
      tpu.wait_dma2 semaphore(%run_scoped3A : memref<!tpu.dma_semaphore, #tpu.memory_space<semaphore_mem>>) src(%dma_wait3A_471 : memref<10416xf32, #tpu.memory_space<hbm>>) dst(%dma_wait3A_470 : memref<10416xf32, #tpu.memory_space<vmem>>)
      tpu.yield
    }) : () -> ()
    %scan3A_230 = arith.constant 0 : i32
    %scan3A_231 = arith.constant 0 : i32
    %scan3A_232 = arith.constant 648 : i32
    %scan3A_233 = arith.addi %scan3A_231, %scan3A_232 : i32
    %scan3A_234 = arith.constant 8 : i32
    %scan3A_235 = scf.for %scan3A_460 = %scan3A_231 to %scan3A_233 step %scan3A_234 iter_args(%scan3A_461 = %scan3A_230) -> (i32)  : i32 {
      %mul3A_462 = arith.constant 16 : i32
      %mul3A_463 = arith.muli %scan3A_460, %mul3A_462 : i32
      %get3A_464 = arith.constant 0 : i32
      %get3A_465 = tpu.memref_slice %arg7[%get3A_464] : memref<25600xf32, #tpu.memory_space<vmem>> -> memref<10416xf32, #tpu.memory_space<vmem>>
      %get3A_466 = arith.index_cast %mul3A_463 : i32 to index
      %get3A_467 = tpu.vector_load %get3A_465[%get3A_466] {strides = array<i32>} : memref<10416xf32, #tpu.memory_space<vmem>>, vector<16xf32>,
      %get3A_468 = vector.shape_cast %get3A_467 : vector<16xf32> to vector<16xf32>
      %get3A_469 = arith.constant 12800 : i32
      %get3A_470 = tpu.memref_slice %arg7[%get3A_469] : memref<25600xf32, #tpu.memory_space<vmem>> -> memref<10416xf32, #tpu.memory_space<vmem>>
      %get3A_471 = arith.index_cast %mul3A_463 : i32 to index
      %get3A_472 = tpu.vector_load %get3A_470[%get3A_471] {strides = array<i32>} : memref<10416xf32, #tpu.memory_space<vmem>>, vector<16xf32>,
      %get3A_473 = vector.shape_cast %get3A_472 : vector<16xf32> to vector<16xf32>
      %mul3A_474 = arith.mulf %get3A_468, %get3A_473 : vector<16xf32>
      %swap3A_475 = arith.constant 0 : i32
      %swap3A_476 = tpu.memref_slice %arg7[%swap3A_475] : memref<25600xf32, #tpu.memory_space<vmem>> -> memref<10416xf32, #tpu.memory_space<vmem>>
      %swap3A_477 = arith.index_cast %mul3A_463 : i32 to index
      %swap3A_478 = tpu.vector_load %swap3A_476[%swap3A_477] {strides = array<i32>} : memref<10416xf32, #tpu.memory_space<vmem>>, vector<16xf32>,
      %swap3A_479 = vector.shape_cast %swap3A_478 : vector<16xf32> to vector<16xf32>
      %swap3A_480 = vector.shape_cast %mul3A_474 : vector<16xf32> to vector<16xf32>
      tpu.vector_store %swap3A_476[%swap3A_477], %swap3A_480 {strides = array<i32>} : memref<10416xf32, #tpu.memory_space<vmem>>, vector<16xf32>,
      %scan3A_481 = arith.constant 0 : i32
      %scan3A_482 = arith.constant 1 : i32
      %scan3A_483 = arith.addi %scan3A_460, %scan3A_482 : i32
      %mul3A_484 = arith.constant 16 : i32
      %mul3A_485 = arith.muli %scan3A_483, %mul3A_484 : i32
      %get3A_486 = arith.constant 0 : i32
      %get3A_487 = tpu.memref_slice %arg7[%get3A_486] : memref<25600xf32, #tpu.memory_space<vmem>> -> memref<10416xf32, #tpu.memory_space<vmem>>
      %get3A_488 = arith.index_cast %mul3A_485 : i32 to index
      %get3A_489 = tpu.vector_load %get3A_487[%get3A_488] {strides = array<i32>} : memref<10416xf32, #tpu.memory_space<vmem>>, vector<16xf32>,
      %get3A_490 = vector.shape_cast %get3A_489 : vector<16xf32> to vector<16xf32>
      %get3A_491 = arith.constant 12800 : i32
      %get3A_492 = tpu.memref_slice %arg7[%get3A_491] : memref<25600xf32, #tpu.memory_space<vmem>> -> memref<10416xf32, #tpu.memory_space<vmem>>
      %get3A_493 = arith.index_cast %mul3A_485 : i32 to index
      %get3A_494 = tpu.vector_load %get3A_492[%get3A_493] {strides = array<i32>} : memref<10416xf32, #tpu.memory_space<vmem>>, vector<16xf32>,
      %get3A_495 = vector.shape_cast %get3A_494 : vector<16xf32> to vector<16xf32>
      %mul3A_496 = arith.mulf %get3A_490, %get3A_495 : vector<16xf32>
      %swap3A_497 = arith.constant 0 : i32
      %swap3A_498 = tpu.memref_slice %arg7[%swap3A_497] : memref<25600xf32, #tpu.memory_space<vmem>> -> memref<10416xf32, #tpu.memory_space<vmem>>
      %swap3A_499 = arith.index_cast %mul3A_485 : i32 to index
      %swap3A_500 = tpu.vector_load %swap3A_498[%swap3A_499] {strides = array<i32>} : memref<10416xf32, #tpu.memory_space<vmem>>, vector<16xf32>,
      %swap3A_501 = vector.shape_cast %swap3A_500 : vector<16xf32> to vector<16xf32>
      %swap3A_502 = vector.shape_cast %mul3A_496 : vector<16xf32> to vector<16xf32>
      tpu.vector_store %swap3A_498[%swap3A_499], %swap3A_502 {strides = array<i32>} : memref<10416xf32, #tpu.memory_space<vmem>>, vector<16xf32>,
      %scan3A_503 = arith.constant 0 : i32
      %scan3A_504 = arith.constant 2 : i32
      %scan3A_505 = arith.addi %scan3A_460, %scan3A_504 : i32
      %mul3A_506 = arith.constant 16 : i32
      %mul3A_507 = arith.muli %scan3A_505, %mul3A_506 : i32
      %get3A_508 = arith.constant 0 : i32
      %get3A_509 = tpu.memref_slice %arg7[%get3A_508] : memref<25600xf32, #tpu.memory_space<vmem>> -> memref<10416xf32, #tpu.memory_space<vmem>>
      %get3A_510 = arith.index_cast %mul3A_507 : i32 to index
      %get3A_511 = tpu.vector_load %get3A_509[%get3A_510] {strides = array<i32>} : memref<10416xf32, #tpu.memory_space<vmem>>, vector<16xf32>,
      %get3A_512 = vector.shape_cast %get3A_511 : vector<16xf32> to vector<16xf32>
      %get3A_513 = arith.constant 12800 : i32
      %get3A_514 = tpu.memref_slice %arg7[%get3A_513] : memref<25600xf32, #tpu.memory_space<vmem>> -> memref<10416xf32, #tpu.memory_space<vmem>>
      %get3A_515 = arith.index_cast %mul3A_507 : i32 to index
      %get3A_516 = tpu.vector_load %get3A_514[%get3A_515] {strides = array<i32>} : memref<10416xf32, #tpu.memory_space<vmem>>, vector<16xf32>,
      %get3A_517 = vector.shape_cast %get3A_516 : vector<16xf32> to vector<16xf32>
      %mul3A_518 = arith.mulf %get3A_512, %get3A_517 : vector<16xf32>
      %swap3A_519 = arith.constant 0 : i32
      %swap3A_520 = tpu.memref_slice %arg7[%swap3A_519] : memref<25600xf32, #tpu.memory_space<vmem>> -> memref<10416xf32, #tpu.memory_space<vmem>>
      %swap3A_521 = arith.index_cast %mul3A_507 : i32 to index
      %swap3A_522 = tpu.vector_load %swap3A_520[%swap3A_521] {strides = array<i32>} : memref<10416xf32, #tpu.memory_space<vmem>>, vector<16xf32>,
      %swap3A_523 = vector.shape_cast %swap3A_522 : vector<16xf32> to vector<16xf32>
      %swap3A_524 = vector.shape_cast %mul3A_518 : vector<16xf32> to vector<16xf32>
      tpu.vector_store %swap3A_520[%swap3A_521], %swap3A_524 {strides = array<i32>} : memref<10416xf32, #tpu.memory_space<vmem>>, vector<16xf32>,
      %scan3A_525 = arith.constant 0 : i32
      %scan3A_526 = arith.constant 3 : i32
      %scan3A_527 = arith.addi %scan3A_460, %scan3A_526 : i32
      %mul3A_528 = arith.constant 16 : i32
      %mul3A_529 = arith.muli %scan3A_527, %mul3A_528 : i32
      %get3A_530 = arith.constant 0 : i32
      %get3A_531 = tpu.memref_slice %arg7[%get3A_530] : memref<25600xf32, #tpu.memory_space<vmem>> -> memref<10416xf32, #tpu.memory_space<vmem>>
      %get3A_532 = arith.index_cast %mul3A_529 : i32 to index
      %get3A_533 = tpu.vector_load %get3A_531[%get3A_532] {strides = array<i32>} : memref<10416xf32, #tpu.memory_space<vmem>>, vector<16xf32>,
      %get3A_534 = vector.shape_cast %get3A_533 : vector<16xf32> to vector<16xf32>
      %get3A_535 = arith.constant 12800 : i32
      %get3A_536 = tpu.memref_slice %arg7[%get3A_535] : memref<25600xf32, #tpu.memory_space<vmem>> -> memref<10416xf32, #tpu.memory_space<vmem>>
      %get3A_537 = arith.index_cast %mul3A_529 : i32 to index
      %get3A_538 = tpu.vector_load %get3A_536[%get3A_537] {strides = array<i32>} : memref<10416xf32, #tpu.memory_space<vmem>>, vector<16xf32>,
      %get3A_539 = vector.shape_cast %get3A_538 : vector<16xf32> to vector<16xf32>
      %mul3A_540 = arith.mulf %get3A_534, %get3A_539 : vector<16xf32>
      %swap3A_541 = arith.constant 0 : i32
      %swap3A_542 = tpu.memref_slice %arg7[%swap3A_541] : memref<25600xf32, #tpu.memory_space<vmem>> -> memref<10416xf32, #tpu.memory_space<vmem>>
      %swap3A_543 = arith.index_cast %mul3A_529 : i32 to index
      %swap3A_544 = tpu.vector_load %swap3A_542[%swap3A_543] {strides = array<i32>} : memref<10416xf32, #tpu.memory_space<vmem>>, vector<16xf32>,
      %swap3A_545 = vector.shape_cast %swap3A_544 : vector<16xf32> to vector<16xf32>
      %swap3A_546 = vector.shape_cast %mul3A_540 : vector<16xf32> to vector<16xf32>
      tpu.vector_store %swap3A_542[%swap3A_543], %swap3A_546 {strides = array<i32>} : memref<10416xf32, #tpu.memory_space<vmem>>, vector<16xf32>,
      %scan3A_547 = arith.constant 0 : i32
      %scan3A_548 = arith.constant 4 : i32
      %scan3A_549 = arith.addi %scan3A_460, %scan3A_548 : i32
      %mul3A_550 = arith.constant 16 : i32
      %mul3A_551 = arith.muli %scan3A_549, %mul3A_550 : i32
      %get3A_552 = arith.constant 0 : i32
      %get3A_553 = tpu.memref_slice %arg7[%get3A_552] : memref<25600xf32, #tpu.memory_space<vmem>> -> memref<10416xf32, #tpu.memory_space<vmem>>
      %get3A_554 = arith.index_cast %mul3A_551 : i32 to index
      %get3A_555 = tpu.vector_load %get3A_553[%get3A_554] {strides = array<i32>} : memref<10416xf32, #tpu.memory_space<vmem>>, vector<16xf32>,
      %get3A_556 = vector.shape_cast %get3A_555 : vector<16xf32> to vector<16xf32>
      %get3A_557 = arith.constant 12800 : i32
      %get3A_558 = tpu.memref_slice %arg7[%get3A_557] : memref<25600xf32, #tpu.memory_space<vmem>> -> memref<10416xf32, #tpu.memory_space<vmem>>
      %get3A_559 = arith.index_cast %mul3A_551 : i32 to index
      %get3A_560 = tpu.vector_load %get3A_558[%get3A_559] {strides = array<i32>} : memref<10416xf32, #tpu.memory_space<vmem>>, vector<16xf32>,
      %get3A_561 = vector.shape_cast %get3A_560 : vector<16xf32> to vector<16xf32>
      %mul3A_562 = arith.mulf %get3A_556, %get3A_561 : vector<16xf32>
      %swap3A_563 = arith.constant 0 : i32
      %swap3A_564 = tpu.memref_slice %arg7[%swap3A_563] : memref<25600xf32, #tpu.memory_space<vmem>> -> memref<10416xf32, #tpu.memory_space<vmem>>
      %swap3A_565 = arith.index_cast %mul3A_551 : i32 to index
      %swap3A_566 = tpu.vector_load %swap3A_564[%swap3A_565] {strides = array<i32>} : memref<10416xf32, #tpu.memory_space<vmem>>, vector<16xf32>,
      %swap3A_567 = vector.shape_cast %swap3A_566 : vector<16xf32> to vector<16xf32>
      %swap3A_568 = vector.shape_cast %mul3A_562 : vector<16xf32> to vector<16xf32>
      tpu.vector_store %swap3A_564[%swap3A_565], %swap3A_568 {strides = array<i32>} : memref<10416xf32, #tpu.memory_space<vmem>>, vector<16xf32>,
      %scan3A_569 = arith.constant 0 : i32
      %scan3A_570 = arith.constant 5 : i32
      %scan3A_571 = arith.addi %scan3A_460, %scan3A_570 : i32
      %mul3A_572 = arith.constant 16 : i32
      %mul3A_573 = arith.muli %scan3A_571, %mul3A_572 : i32
      %get3A_574 = arith.constant 0 : i32
      %get3A_575 = tpu.memref_slice %arg7[%get3A_574] : memref<25600xf32, #tpu.memory_space<vmem>> -> memref<10416xf32, #tpu.memory_space<vmem>>
      %get3A_576 = arith.index_cast %mul3A_573 : i32 to index
      %get3A_577 = tpu.vector_load %get3A_575[%get3A_576] {strides = array<i32>} : memref<10416xf32, #tpu.memory_space<vmem>>, vector<16xf32>,
      %get3A_578 = vector.shape_cast %get3A_577 : vector<16xf32> to vector<16xf32>
      %get3A_579 = arith.constant 12800 : i32
      %get3A_580 = tpu.memref_slice %arg7[%get3A_579] : memref<25600xf32, #tpu.memory_space<vmem>> -> memref<10416xf32, #tpu.memory_space<vmem>>
      %get3A_581 = arith.index_cast %mul3A_573 : i32 to index
      %get3A_582 = tpu.vector_load %get3A_580[%get3A_581] {strides = array<i32>} : memref<10416xf32, #tpu.memory_space<vmem>>, vector<16xf32>,
      %get3A_583 = vector.shape_cast %get3A_582 : vector<16xf32> to vector<16xf32>
      %mul3A_584 = arith.mulf %get3A_578, %get3A_583 : vector<16xf32>
      %swap3A_585 = arith.constant 0 : i32
      %swap3A_586 = tpu.memref_slice %arg7[%swap3A_585] : memref<25600xf32, #tpu.memory_space<vmem>> -> memref<10416xf32, #tpu.memory_space<vmem>>
      %swap3A_587 = arith.index_cast %mul3A_573 : i32 to index
      %swap3A_588 = tpu.vector_load %swap3A_586[%swap3A_587] {strides = array<i32>} : memref<10416xf32, #tpu.memory_space<vmem>>, vector<16xf32>,
      %swap3A_589 = vector.shape_cast %swap3A_588 : vector<16xf32> to vector<16xf32>
      %swap3A_590 = vector.shape_cast %mul3A_584 : vector<16xf32> to vector<16xf32>
      tpu.vector_store %swap3A_586[%swap3A_587], %swap3A_590 {strides = array<i32>} : memref<10416xf32, #tpu.memory_space<vmem>>, vector<16xf32>,
      %scan3A_591 = arith.constant 0 : i32
      %scan3A_592 = arith.constant 6 : i32
      %scan3A_593 = arith.addi %scan3A_460, %scan3A_592 : i32
      %mul3A_594 = arith.constant 16 : i32
      %mul3A_595 = arith.muli %scan3A_593, %mul3A_594 : i32
      %get3A_596 = arith.constant 0 : i32
      %get3A_597 = tpu.memref_slice %arg7[%get3A_596] : memref<25600xf32, #tpu.memory_space<vmem>> -> memref<10416xf32, #tpu.memory_space<vmem>>
      %get3A_598 = arith.index_cast %mul3A_595 : i32 to index
      %get3A_599 = tpu.vector_load %get3A_597[%get3A_598] {strides = array<i32>} : memref<10416xf32, #tpu.memory_space<vmem>>, vector<16xf32>,
      %get3A_600 = vector.shape_cast %get3A_599 : vector<16xf32> to vector<16xf32>
      %get3A_601 = arith.constant 12800 : i32
      %get3A_602 = tpu.memref_slice %arg7[%get3A_601] : memref<25600xf32, #tpu.memory_space<vmem>> -> memref<10416xf32, #tpu.memory_space<vmem>>
      %get3A_603 = arith.index_cast %mul3A_595 : i32 to index
      %get3A_604 = tpu.vector_load %get3A_602[%get3A_603] {strides = array<i32>} : memref<10416xf32, #tpu.memory_space<vmem>>, vector<16xf32>,
      %get3A_605 = vector.shape_cast %get3A_604 : vector<16xf32> to vector<16xf32>
      %mul3A_606 = arith.mulf %get3A_600, %get3A_605 : vector<16xf32>
      %swap3A_607 = arith.constant 0 : i32
      %swap3A_608 = tpu.memref_slice %arg7[%swap3A_607] : memref<25600xf32, #tpu.memory_space<vmem>> -> memref<10416xf32, #tpu.memory_space<vmem>>
      %swap3A_609 = arith.index_cast %mul3A_595 : i32 to index
      %swap3A_610 = tpu.vector_load %swap3A_608[%swap3A_609] {strides = array<i32>} : memref<10416xf32, #tpu.memory_space<vmem>>, vector<16xf32>,
      %swap3A_611 = vector.shape_cast %swap3A_610 : vector<16xf32> to vector<16xf32>
      %swap3A_612 = vector.shape_cast %mul3A_606 : vector<16xf32> to vector<16xf32>
      tpu.vector_store %swap3A_608[%swap3A_609], %swap3A_612 {strides = array<i32>} : memref<10416xf32, #tpu.memory_space<vmem>>, vector<16xf32>,
      %scan3A_613 = arith.constant 0 : i32
      %scan3A_614 = arith.constant 7 : i32
      %scan3A_615 = arith.addi %scan3A_460, %scan3A_614 : i32
      %mul3A_616 = arith.constant 16 : i32
      %mul3A_617 = arith.muli %scan3A_615, %mul3A_616 : i32
      %get3A_618 = arith.constant 0 : i32
      %get3A_619 = tpu.memref_slice %arg7[%get3A_618] : memref<25600xf32, #tpu.memory_space<vmem>> -> memref<10416xf32, #tpu.memory_space<vmem>>
      %get3A_620 = arith.index_cast %mul3A_617 : i32 to index
      %get3A_621 = tpu.vector_load %get3A_619[%get3A_620] {strides = array<i32>} : memref<10416xf32, #tpu.memory_space<vmem>>, vector<16xf32>,
      %get3A_622 = vector.shape_cast %get3A_621 : vector<16xf32> to vector<16xf32>
      %get3A_623 = arith.constant 12800 : i32
      %get3A_624 = tpu.memref_slice %arg7[%get3A_623] : memref<25600xf32, #tpu.memory_space<vmem>> -> memref<10416xf32, #tpu.memory_space<vmem>>
      %get3A_625 = arith.index_cast %mul3A_617 : i32 to index
      %get3A_626 = tpu.vector_load %get3A_624[%get3A_625] {strides = array<i32>} : memref<10416xf32, #tpu.memory_space<vmem>>, vector<16xf32>,
      %get3A_627 = vector.shape_cast %get3A_626 : vector<16xf32> to vector<16xf32>
      %mul3A_628 = arith.mulf %get3A_622, %get3A_627 : vector<16xf32>
      %swap3A_629 = arith.constant 0 : i32
      %swap3A_630 = tpu.memref_slice %arg7[%swap3A_629] : memref<25600xf32, #tpu.memory_space<vmem>> -> memref<10416xf32, #tpu.memory_space<vmem>>
      %swap3A_631 = arith.index_cast %mul3A_617 : i32 to index
      %swap3A_632 = tpu.vector_load %swap3A_630[%swap3A_631] {strides = array<i32>} : memref<10416xf32, #tpu.memory_space<vmem>>, vector<16xf32>,
      %swap3A_633 = vector.shape_cast %swap3A_632 : vector<16xf32> to vector<16xf32>
      %swap3A_634 = vector.shape_cast %mul3A_628 : vector<16xf32> to vector<16xf32>
      tpu.vector_store %swap3A_630[%swap3A_631], %swap3A_634 {strides = array<i32>} : memref<10416xf32, #tpu.memory_space<vmem>>, vector<16xf32>,
      %scan3A_635 = arith.constant 0 : i32
      scf.yield %scan3A_635 : i32
    }
    %scan3A_236 = arith.constant 648 : i32
    %scan3A_237 = arith.addi %scan3A_231, %scan3A_236 : i32
    %mul3A_238 = arith.constant 16 : i32
    %mul3A_239 = arith.muli %scan3A_237, %mul3A_238 : i32
    %get3A_240 = arith.constant 0 : i32
    %get3A_241 = tpu.memref_slice %arg7[%get3A_240] : memref<25600xf32, #tpu.memory_space<vmem>> -> memref<10416xf32, #tpu.memory_space<vmem>>
    %get3A_242 = arith.index_cast %mul3A_239 : i32 to index
    %get3A_243 = tpu.vector_load %get3A_241[%get3A_242] {strides = array<i32>} : memref<10416xf32, #tpu.memory_space<vmem>>, vector<16xf32>,
    %get3A_244 = vector.shape_cast %get3A_243 : vector<16xf32> to vector<16xf32>
    %get3A_245 = arith.constant 12800 : i32
    %get3A_246 = tpu.memref_slice %arg7[%get3A_245] : memref<25600xf32, #tpu.memory_space<vmem>> -> memref<10416xf32, #tpu.memory_space<vmem>>
    %get3A_247 = arith.index_cast %mul3A_239 : i32 to index
    %get3A_248 = tpu.vector_load %get3A_246[%get3A_247] {strides = array<i32>} : memref<10416xf32, #tpu.memory_space<vmem>>, vector<16xf32>,
    %get3A_249 = vector.shape_cast %get3A_248 : vector<16xf32> to vector<16xf32>
    %mul3A_250 = arith.mulf %get3A_244, %get3A_249 : vector<16xf32>
    %swap3A_251 = arith.constant 0 : i32
    %swap3A_252 = tpu.memref_slice %arg7[%swap3A_251] : memref<25600xf32, #tpu.memory_space<vmem>> -> memref<10416xf32, #tpu.memory_space<vmem>>
    %swap3A_253 = arith.index_cast %mul3A_239 : i32 to index
    %swap3A_254 = tpu.vector_load %swap3A_252[%swap3A_253] {strides = array<i32>} : memref<10416xf32, #tpu.memory_space<vmem>>, vector<16xf32>,
    %swap3A_255 = vector.shape_cast %swap3A_254 : vector<16xf32> to vector<16xf32>
    %swap3A_256 = vector.shape_cast %mul3A_250 : vector<16xf32> to vector<16xf32>
    tpu.vector_store %swap3A_252[%swap3A_253], %swap3A_256 {strides = array<i32>} : memref<10416xf32, #tpu.memory_space<vmem>>, vector<16xf32>,
    %scan3A_257 = arith.constant 0 : i32
    %scan3A_258 = arith.constant 649 : i32
    %scan3A_259 = arith.addi %scan3A_231, %scan3A_258 : i32
    %mul3A_260 = arith.constant 16 : i32
    %mul3A_261 = arith.muli %scan3A_259, %mul3A_260 : i32
    %get3A_262 = arith.constant 0 : i32
    %get3A_263 = tpu.memref_slice %arg7[%get3A_262] : memref<25600xf32, #tpu.memory_space<vmem>> -> memref<10416xf32, #tpu.memory_space<vmem>>
    %get3A_264 = arith.index_cast %mul3A_261 : i32 to index
    %get3A_265 = tpu.vector_load %get3A_263[%get3A_264] {strides = array<i32>} : memref<10416xf32, #tpu.memory_space<vmem>>, vector<16xf32>,
    %get3A_266 = vector.shape_cast %get3A_265 : vector<16xf32> to vector<16xf32>
    %get3A_267 = arith.constant 12800 : i32
    %get3A_268 = tpu.memref_slice %arg7[%get3A_267] : memref<25600xf32, #tpu.memory_space<vmem>> -> memref<10416xf32, #tpu.memory_space<vmem>>
    %get3A_269 = arith.index_cast %mul3A_261 : i32 to index
    %get3A_270 = tpu.vector_load %get3A_268[%get3A_269] {strides = array<i32>} : memref<10416xf32, #tpu.memory_space<vmem>>, vector<16xf32>,
    %get3A_271 = vector.shape_cast %get3A_270 : vector<16xf32> to vector<16xf32>
    %mul3A_272 = arith.mulf %get3A_266, %get3A_271 : vector<16xf32>
    %swap3A_273 = arith.constant 0 : i32
    %swap3A_274 = tpu.memref_slice %arg7[%swap3A_273] : memref<25600xf32, #tpu.memory_space<vmem>> -> memref<10416xf32, #tpu.memory_space<vmem>>
    %swap3A_275 = arith.index_cast %mul3A_261 : i32 to index
    %swap3A_276 = tpu.vector_load %swap3A_274[%swap3A_275] {strides = array<i32>} : memref<10416xf32, #tpu.memory_space<vmem>>, vector<16xf32>,
    %swap3A_277 = vector.shape_cast %swap3A_276 : vector<16xf32> to vector<16xf32>
    %swap3A_278 = vector.shape_cast %mul3A_272 : vector<16xf32> to vector<16xf32>
    tpu.vector_store %swap3A_274[%swap3A_275], %swap3A_278 {strides = array<i32>} : memref<10416xf32, #tpu.memory_space<vmem>>, vector<16xf32>,
    %scan3A_279 = arith.constant 0 : i32
    %scan3A_280 = arith.constant 650 : i32
    %scan3A_281 = arith.addi %scan3A_231, %scan3A_280 : i32
    %mul3A_282 = arith.constant 16 : i32
    %mul3A_283 = arith.muli %scan3A_281, %mul3A_282 : i32
    %get3A_284 = arith.constant 0 : i32
    %get3A_285 = tpu.memref_slice %arg7[%get3A_284] : memref<25600xf32, #tpu.memory_space<vmem>> -> memref<10416xf32, #tpu.memory_space<vmem>>
    %get3A_286 = arith.index_cast %mul3A_283 : i32 to index
    %get3A_287 = tpu.vector_load %get3A_285[%get3A_286] {strides = array<i32>} : memref<10416xf32, #tpu.memory_space<vmem>>, vector<16xf32>,
    %get3A_288 = vector.shape_cast %get3A_287 : vector<16xf32> to vector<16xf32>
    %get3A_289 = arith.constant 12800 : i32
    %get3A_290 = tpu.memref_slice %arg7[%get3A_289] : memref<25600xf32, #tpu.memory_space<vmem>> -> memref<10416xf32, #tpu.memory_space<vmem>>
    %get3A_291 = arith.index_cast %mul3A_283 : i32 to index
    %get3A_292 = tpu.vector_load %get3A_290[%get3A_291] {strides = array<i32>} : memref<10416xf32, #tpu.memory_space<vmem>>, vector<16xf32>,
    %get3A_293 = vector.shape_cast %get3A_292 : vector<16xf32> to vector<16xf32>
    %mul3A_294 = arith.mulf %get3A_288, %get3A_293 : vector<16xf32>
    %swap3A_295 = arith.constant 0 : i32
    %swap3A_296 = tpu.memref_slice %arg7[%swap3A_295] : memref<25600xf32, #tpu.memory_space<vmem>> -> memref<10416xf32, #tpu.memory_space<vmem>>
    %swap3A_297 = arith.index_cast %mul3A_283 : i32 to index
    %swap3A_298 = tpu.vector_load %swap3A_296[%swap3A_297] {strides = array<i32>} : memref<10416xf32, #tpu.memory_space<vmem>>, vector<16xf32>,
    %swap3A_299 = vector.shape_cast %swap3A_298 : vector<16xf32> to vector<16xf32>
    %swap3A_300 = vector.shape_cast %mul3A_294 : vector<16xf32> to vector<16xf32>
    tpu.vector_store %swap3A_296[%swap3A_297], %swap3A_300 {strides = array<i32>} : memref<10416xf32, #tpu.memory_space<vmem>>, vector<16xf32>,
    %scan3A_301 = arith.constant 0 : i32
    %scan3A_302 = arith.constant 651 : i32
    "tpu.region"() ({
      %run_scoped3A = tpu.sem_alloc : memref<!tpu.dma_semaphore, #tpu.memory_space<semaphore_mem>>
      %dma_start3A_460 = arith.constant 0 : i32
      %dma_start3A_461 = tpu.memref_slice %arg7[%dma_start3A_460] : memref<25600xf32, #tpu.memory_space<vmem>> -> memref<10416xf32, #tpu.memory_space<vmem>>
      %dma_start3A_462 = tpu.memref_slice %arg8[%add3A_229] : memref<1000064xf32, #tpu.memory_space<vmem_shared>> -> memref<10416xf32, #tpu.memory_space<vmem_shared>>
      %dma_start3A_463 = tpu.memref_slice %arg8[%add3A_229] : memref<1000064xf32, #tpu.memory_space<vmem_shared>> -> memref<10416xf32, #tpu.memory_space<vmem_shared>>
      %dma_start3A_464 = arith.constant 0 : i32
      %dma_start3A_465 = tpu.memref_slice %arg7[%dma_start3A_464] : memref<25600xf32, #tpu.memory_space<vmem>> -> memref<10416xf32, #tpu.memory_space<vmem>>
      tpu.enqueue_dma source(%dma_start3A_465 : memref<10416xf32, #tpu.memory_space<vmem>>) target(%dma_start3A_463 : memref<10416xf32, #tpu.memory_space<vmem_shared>>) target_semaphore(%run_scoped3A : memref<!tpu.dma_semaphore, #tpu.memory_space<semaphore_mem>>)
      %dma_wait3A_466 = arith.constant 0 : i32
      %dma_wait3A_467 = tpu.memref_slice %arg7[%dma_wait3A_466] : memref<25600xf32, #tpu.memory_space<vmem>> -> memref<10416xf32, #tpu.memory_space<vmem>>
      %dma_wait3A_468 = tpu.memref_slice %arg8[%add3A_229] : memref<1000064xf32, #tpu.memory_space<vmem_shared>> -> memref<10416xf32, #tpu.memory_space<vmem_shared>>
      %dma_wait3A_469 = tpu.memref_slice %arg8[%add3A_229] : memref<1000064xf32, #tpu.memory_space<vmem_shared>> -> memref<10416xf32, #tpu.memory_space<vmem_shared>>
      %dma_wait3A_470 = arith.constant 0 : i32
      %dma_wait3A_471 = tpu.memref_slice %arg7[%dma_wait3A_470] : memref<25600xf32, #tpu.memory_space<vmem>> -> memref<10416xf32, #tpu.memory_space<vmem>>
      tpu.wait_dma2 semaphore(%run_scoped3A : memref<!tpu.dma_semaphore, #tpu.memory_space<semaphore_mem>>) src(%dma_wait3A_471 : memref<10416xf32, #tpu.memory_space<vmem>>) dst(%dma_wait3A_469 : memref<10416xf32, #tpu.memory_space<vmem_shared>>)
      tpu.yield
    }) : () -> ()
    %add3A_303 = arith.constant 41664 : i32
    %add3A_304 = arith.addi %mul3A_5, %add3A_303 : i32
    "tpu.region"() ({
      %run_scoped3A = tpu.sem_alloc : memref<!tpu.dma_semaphore, #tpu.memory_space<semaphore_mem>>
      %dma_start3A_460 = arith.constant 0 : i32
      %dma_start3A_461 = tpu.memref_slice %arg7[%dma_start3A_460] : memref<25600xf32, #tpu.memory_space<vmem>> -> memref<10416xf32, #tpu.memory_space<vmem>>
      %dma_start3A_462 = tpu.memref_slice %arg3[%add3A_304] : memref<1048576xf32, #tpu.memory_space<hbm>> -> memref<10416xf32, #tpu.memory_space<hbm>>
      %dma_start3A_463 = arith.constant 0 : i32
      %dma_start3A_464 = tpu.memref_slice %arg7[%dma_start3A_463] : memref<25600xf32, #tpu.memory_space<vmem>> -> memref<10416xf32, #tpu.memory_space<vmem>>
      %dma_start3A_465 = tpu.memref_slice %arg3[%add3A_304] : memref<1048576xf32, #tpu.memory_space<hbm>> -> memref<10416xf32, #tpu.memory_space<hbm>>
      tpu.enqueue_dma source(%dma_start3A_465 : memref<10416xf32, #tpu.memory_space<hbm>>) target(%dma_start3A_464 : memref<10416xf32, #tpu.memory_space<vmem>>) target_semaphore(%run_scoped3A : memref<!tpu.dma_semaphore, #tpu.memory_space<semaphore_mem>>)
      %dma_wait3A_466 = arith.constant 0 : i32
      %dma_wait3A_467 = tpu.memref_slice %arg7[%dma_wait3A_466] : memref<25600xf32, #tpu.memory_space<vmem>> -> memref<10416xf32, #tpu.memory_space<vmem>>
      %dma_wait3A_468 = tpu.memref_slice %arg3[%add3A_304] : memref<1048576xf32, #tpu.memory_space<hbm>> -> memref<10416xf32, #tpu.memory_space<hbm>>
      %dma_wait3A_469 = arith.constant 0 : i32
      %dma_wait3A_470 = tpu.memref_slice %arg7[%dma_wait3A_469] : memref<25600xf32, #tpu.memory_space<vmem>> -> memref<10416xf32, #tpu.memory_space<vmem>>
      %dma_wait3A_471 = tpu.memref_slice %arg3[%add3A_304] : memref<1048576xf32, #tpu.memory_space<hbm>> -> memref<10416xf32, #tpu.memory_space<hbm>>
      tpu.wait_dma2 semaphore(%run_scoped3A : memref<!tpu.dma_semaphore, #tpu.memory_space<semaphore_mem>>) src(%dma_wait3A_471 : memref<10416xf32, #tpu.memory_space<hbm>>) dst(%dma_wait3A_470 : memref<10416xf32, #tpu.memory_space<vmem>>)
      tpu.yield
    }) : () -> ()
    "tpu.region"() ({
      %run_scoped3A = tpu.sem_alloc : memref<!tpu.dma_semaphore, #tpu.memory_space<semaphore_mem>>
      %dma_start3A_460 = arith.constant 12800 : i32
      %dma_start3A_461 = tpu.memref_slice %arg7[%dma_start3A_460] : memref<25600xf32, #tpu.memory_space<vmem>> -> memref<10416xf32, #tpu.memory_space<vmem>>
      %dma_start3A_462 = tpu.memref_slice %arg4[%add3A_304] : memref<1048576xf32, #tpu.memory_space<hbm>> -> memref<10416xf32, #tpu.memory_space<hbm>>
      %dma_start3A_463 = arith.constant 12800 : i32
      %dma_start3A_464 = tpu.memref_slice %arg7[%dma_start3A_463] : memref<25600xf32, #tpu.memory_space<vmem>> -> memref<10416xf32, #tpu.memory_space<vmem>>
      %dma_start3A_465 = tpu.memref_slice %arg4[%add3A_304] : memref<1048576xf32, #tpu.memory_space<hbm>> -> memref<10416xf32, #tpu.memory_space<hbm>>
      tpu.enqueue_dma source(%dma_start3A_465 : memref<10416xf32, #tpu.memory_space<hbm>>) target(%dma_start3A_464 : memref<10416xf32, #tpu.memory_space<vmem>>) target_semaphore(%run_scoped3A : memref<!tpu.dma_semaphore, #tpu.memory_space<semaphore_mem>>)
      %dma_wait3A_466 = arith.constant 12800 : i32
      %dma_wait3A_467 = tpu.memref_slice %arg7[%dma_wait3A_466] : memref<25600xf32, #tpu.memory_space<vmem>> -> memref<10416xf32, #tpu.memory_space<vmem>>
      %dma_wait3A_468 = tpu.memref_slice %arg4[%add3A_304] : memref<1048576xf32, #tpu.memory_space<hbm>> -> memref<10416xf32, #tpu.memory_space<hbm>>
      %dma_wait3A_469 = arith.constant 12800 : i32
      %dma_wait3A_470 = tpu.memref_slice %arg7[%dma_wait3A_469] : memref<25600xf32, #tpu.memory_space<vmem>> -> memref<10416xf32, #tpu.memory_space<vmem>>
      %dma_wait3A_471 = tpu.memref_slice %arg4[%add3A_304] : memref<1048576xf32, #tpu.memory_space<hbm>> -> memref<10416xf32, #tpu.memory_space<hbm>>
      tpu.wait_dma2 semaphore(%run_scoped3A : memref<!tpu.dma_semaphore, #tpu.memory_space<semaphore_mem>>) src(%dma_wait3A_471 : memref<10416xf32, #tpu.memory_space<hbm>>) dst(%dma_wait3A_470 : memref<10416xf32, #tpu.memory_space<vmem>>)
      tpu.yield
    }) : () -> ()
    %scan3A_305 = arith.constant 0 : i32
    %scan3A_306 = arith.constant 0 : i32
    %scan3A_307 = arith.constant 648 : i32
    %scan3A_308 = arith.addi %scan3A_306, %scan3A_307 : i32
    %scan3A_309 = arith.constant 8 : i32
    %scan3A_310 = scf.for %scan3A_460 = %scan3A_306 to %scan3A_308 step %scan3A_309 iter_args(%scan3A_461 = %scan3A_305) -> (i32)  : i32 {
      %mul3A_462 = arith.constant 16 : i32
      %mul3A_463 = arith.muli %scan3A_460, %mul3A_462 : i32
      %get3A_464 = arith.constant 0 : i32
      %get3A_465 = tpu.memref_slice %arg7[%get3A_464] : memref<25600xf32, #tpu.memory_space<vmem>> -> memref<10416xf32, #tpu.memory_space<vmem>>
      %get3A_466 = arith.index_cast %mul3A_463 : i32 to index
      %get3A_467 = tpu.vector_load %get3A_465[%get3A_466] {strides = array<i32>} : memref<10416xf32, #tpu.memory_space<vmem>>, vector<16xf32>,
      %get3A_468 = vector.shape_cast %get3A_467 : vector<16xf32> to vector<16xf32>
      %get3A_469 = arith.constant 12800 : i32
      %get3A_470 = tpu.memref_slice %arg7[%get3A_469] : memref<25600xf32, #tpu.memory_space<vmem>> -> memref<10416xf32, #tpu.memory_space<vmem>>
      %get3A_471 = arith.index_cast %mul3A_463 : i32 to index
      %get3A_472 = tpu.vector_load %get3A_470[%get3A_471] {strides = array<i32>} : memref<10416xf32, #tpu.memory_space<vmem>>, vector<16xf32>,
      %get3A_473 = vector.shape_cast %get3A_472 : vector<16xf32> to vector<16xf32>
      %mul3A_474 = arith.mulf %get3A_468, %get3A_473 : vector<16xf32>
      %swap3A_475 = arith.constant 0 : i32
      %swap3A_476 = tpu.memref_slice %arg7[%swap3A_475] : memref<25600xf32, #tpu.memory_space<vmem>> -> memref<10416xf32, #tpu.memory_space<vmem>>
      %swap3A_477 = arith.index_cast %mul3A_463 : i32 to index
      %swap3A_478 = tpu.vector_load %swap3A_476[%swap3A_477] {strides = array<i32>} : memref<10416xf32, #tpu.memory_space<vmem>>, vector<16xf32>,
      %swap3A_479 = vector.shape_cast %swap3A_478 : vector<16xf32> to vector<16xf32>
      %swap3A_480 = vector.shape_cast %mul3A_474 : vector<16xf32> to vector<16xf32>
      tpu.vector_store %swap3A_476[%swap3A_477], %swap3A_480 {strides = array<i32>} : memref<10416xf32, #tpu.memory_space<vmem>>, vector<16xf32>,
      %scan3A_481 = arith.constant 0 : i32
      %scan3A_482 = arith.constant 1 : i32
      %scan3A_483 = arith.addi %scan3A_460, %scan3A_482 : i32
      %mul3A_484 = arith.constant 16 : i32
      %mul3A_485 = arith.muli %scan3A_483, %mul3A_484 : i32
      %get3A_486 = arith.constant 0 : i32
      %get3A_487 = tpu.memref_slice %arg7[%get3A_486] : memref<25600xf32, #tpu.memory_space<vmem>> -> memref<10416xf32, #tpu.memory_space<vmem>>
      %get3A_488 = arith.index_cast %mul3A_485 : i32 to index
      %get3A_489 = tpu.vector_load %get3A_487[%get3A_488] {strides = array<i32>} : memref<10416xf32, #tpu.memory_space<vmem>>, vector<16xf32>,
      %get3A_490 = vector.shape_cast %get3A_489 : vector<16xf32> to vector<16xf32>
      %get3A_491 = arith.constant 12800 : i32
      %get3A_492 = tpu.memref_slice %arg7[%get3A_491] : memref<25600xf32, #tpu.memory_space<vmem>> -> memref<10416xf32, #tpu.memory_space<vmem>>
      %get3A_493 = arith.index_cast %mul3A_485 : i32 to index
      %get3A_494 = tpu.vector_load %get3A_492[%get3A_493] {strides = array<i32>} : memref<10416xf32, #tpu.memory_space<vmem>>, vector<16xf32>,
      %get3A_495 = vector.shape_cast %get3A_494 : vector<16xf32> to vector<16xf32>
      %mul3A_496 = arith.mulf %get3A_490, %get3A_495 : vector<16xf32>
      %swap3A_497 = arith.constant 0 : i32
      %swap3A_498 = tpu.memref_slice %arg7[%swap3A_497] : memref<25600xf32, #tpu.memory_space<vmem>> -> memref<10416xf32, #tpu.memory_space<vmem>>
      %swap3A_499 = arith.index_cast %mul3A_485 : i32 to index
      %swap3A_500 = tpu.vector_load %swap3A_498[%swap3A_499] {strides = array<i32>} : memref<10416xf32, #tpu.memory_space<vmem>>, vector<16xf32>,
      %swap3A_501 = vector.shape_cast %swap3A_500 : vector<16xf32> to vector<16xf32>
      %swap3A_502 = vector.shape_cast %mul3A_496 : vector<16xf32> to vector<16xf32>
      tpu.vector_store %swap3A_498[%swap3A_499], %swap3A_502 {strides = array<i32>} : memref<10416xf32, #tpu.memory_space<vmem>>, vector<16xf32>,
      %scan3A_503 = arith.constant 0 : i32
      %scan3A_504 = arith.constant 2 : i32
      %scan3A_505 = arith.addi %scan3A_460, %scan3A_504 : i32
      %mul3A_506 = arith.constant 16 : i32
      %mul3A_507 = arith.muli %scan3A_505, %mul3A_506 : i32
      %get3A_508 = arith.constant 0 : i32
      %get3A_509 = tpu.memref_slice %arg7[%get3A_508] : memref<25600xf32, #tpu.memory_space<vmem>> -> memref<10416xf32, #tpu.memory_space<vmem>>
      %get3A_510 = arith.index_cast %mul3A_507 : i32 to index
      %get3A_511 = tpu.vector_load %get3A_509[%get3A_510] {strides = array<i32>} : memref<10416xf32, #tpu.memory_space<vmem>>, vector<16xf32>,
      %get3A_512 = vector.shape_cast %get3A_511 : vector<16xf32> to vector<16xf32>
      %get3A_513 = arith.constant 12800 : i32
      %get3A_514 = tpu.memref_slice %arg7[%get3A_513] : memref<25600xf32, #tpu.memory_space<vmem>> -> memref<10416xf32, #tpu.memory_space<vmem>>
      %get3A_515 = arith.index_cast %mul3A_507 : i32 to index
      %get3A_516 = tpu.vector_load %get3A_514[%get3A_515] {strides = array<i32>} : memref<10416xf32, #tpu.memory_space<vmem>>, vector<16xf32>,
      %get3A_517 = vector.shape_cast %get3A_516 : vector<16xf32> to vector<16xf32>
      %mul3A_518 = arith.mulf %get3A_512, %get3A_517 : vector<16xf32>
      %swap3A_519 = arith.constant 0 : i32
      %swap3A_520 = tpu.memref_slice %arg7[%swap3A_519] : memref<25600xf32, #tpu.memory_space<vmem>> -> memref<10416xf32, #tpu.memory_space<vmem>>
      %swap3A_521 = arith.index_cast %mul3A_507 : i32 to index
      %swap3A_522 = tpu.vector_load %swap3A_520[%swap3A_521] {strides = array<i32>} : memref<10416xf32, #tpu.memory_space<vmem>>, vector<16xf32>,
      %swap3A_523 = vector.shape_cast %swap3A_522 : vector<16xf32> to vector<16xf32>
      %swap3A_524 = vector.shape_cast %mul3A_518 : vector<16xf32> to vector<16xf32>
      tpu.vector_store %swap3A_520[%swap3A_521], %swap3A_524 {strides = array<i32>} : memref<10416xf32, #tpu.memory_space<vmem>>, vector<16xf32>,
      %scan3A_525 = arith.constant 0 : i32
      %scan3A_526 = arith.constant 3 : i32
      %scan3A_527 = arith.addi %scan3A_460, %scan3A_526 : i32
      %mul3A_528 = arith.constant 16 : i32
      %mul3A_529 = arith.muli %scan3A_527, %mul3A_528 : i32
      %get3A_530 = arith.constant 0 : i32
      %get3A_531 = tpu.memref_slice %arg7[%get3A_530] : memref<25600xf32, #tpu.memory_space<vmem>> -> memref<10416xf32, #tpu.memory_space<vmem>>
      %get3A_532 = arith.index_cast %mul3A_529 : i32 to index
      %get3A_533 = tpu.vector_load %get3A_531[%get3A_532] {strides = array<i32>} : memref<10416xf32, #tpu.memory_space<vmem>>, vector<16xf32>,
      %get3A_534 = vector.shape_cast %get3A_533 : vector<16xf32> to vector<16xf32>
      %get3A_535 = arith.constant 12800 : i32
      %get3A_536 = tpu.memref_slice %arg7[%get3A_535] : memref<25600xf32, #tpu.memory_space<vmem>> -> memref<10416xf32, #tpu.memory_space<vmem>>
      %get3A_537 = arith.index_cast %mul3A_529 : i32 to index
      %get3A_538 = tpu.vector_load %get3A_536[%get3A_537] {strides = array<i32>} : memref<10416xf32, #tpu.memory_space<vmem>>, vector<16xf32>,
      %get3A_539 = vector.shape_cast %get3A_538 : vector<16xf32> to vector<16xf32>
      %mul3A_540 = arith.mulf %get3A_534, %get3A_539 : vector<16xf32>
      %swap3A_541 = arith.constant 0 : i32
      %swap3A_542 = tpu.memref_slice %arg7[%swap3A_541] : memref<25600xf32, #tpu.memory_space<vmem>> -> memref<10416xf32, #tpu.memory_space<vmem>>
      %swap3A_543 = arith.index_cast %mul3A_529 : i32 to index
      %swap3A_544 = tpu.vector_load %swap3A_542[%swap3A_543] {strides = array<i32>} : memref<10416xf32, #tpu.memory_space<vmem>>, vector<16xf32>,
      %swap3A_545 = vector.shape_cast %swap3A_544 : vector<16xf32> to vector<16xf32>
      %swap3A_546 = vector.shape_cast %mul3A_540 : vector<16xf32> to vector<16xf32>
      tpu.vector_store %swap3A_542[%swap3A_543], %swap3A_546 {strides = array<i32>} : memref<10416xf32, #tpu.memory_space<vmem>>, vector<16xf32>,
      %scan3A_547 = arith.constant 0 : i32
      %scan3A_548 = arith.constant 4 : i32
      %scan3A_549 = arith.addi %scan3A_460, %scan3A_548 : i32
      %mul3A_550 = arith.constant 16 : i32
      %mul3A_551 = arith.muli %scan3A_549, %mul3A_550 : i32
      %get3A_552 = arith.constant 0 : i32
      %get3A_553 = tpu.memref_slice %arg7[%get3A_552] : memref<25600xf32, #tpu.memory_space<vmem>> -> memref<10416xf32, #tpu.memory_space<vmem>>
      %get3A_554 = arith.index_cast %mul3A_551 : i32 to index
      %get3A_555 = tpu.vector_load %get3A_553[%get3A_554] {strides = array<i32>} : memref<10416xf32, #tpu.memory_space<vmem>>, vector<16xf32>,
      %get3A_556 = vector.shape_cast %get3A_555 : vector<16xf32> to vector<16xf32>
      %get3A_557 = arith.constant 12800 : i32
      %get3A_558 = tpu.memref_slice %arg7[%get3A_557] : memref<25600xf32, #tpu.memory_space<vmem>> -> memref<10416xf32, #tpu.memory_space<vmem>>
      %get3A_559 = arith.index_cast %mul3A_551 : i32 to index
      %get3A_560 = tpu.vector_load %get3A_558[%get3A_559] {strides = array<i32>} : memref<10416xf32, #tpu.memory_space<vmem>>, vector<16xf32>,
      %get3A_561 = vector.shape_cast %get3A_560 : vector<16xf32> to vector<16xf32>
      %mul3A_562 = arith.mulf %get3A_556, %get3A_561 : vector<16xf32>
      %swap3A_563 = arith.constant 0 : i32
      %swap3A_564 = tpu.memref_slice %arg7[%swap3A_563] : memref<25600xf32, #tpu.memory_space<vmem>> -> memref<10416xf32, #tpu.memory_space<vmem>>
      %swap3A_565 = arith.index_cast %mul3A_551 : i32 to index
      %swap3A_566 = tpu.vector_load %swap3A_564[%swap3A_565] {strides = array<i32>} : memref<10416xf32, #tpu.memory_space<vmem>>, vector<16xf32>,
      %swap3A_567 = vector.shape_cast %swap3A_566 : vector<16xf32> to vector<16xf32>
      %swap3A_568 = vector.shape_cast %mul3A_562 : vector<16xf32> to vector<16xf32>
      tpu.vector_store %swap3A_564[%swap3A_565], %swap3A_568 {strides = array<i32>} : memref<10416xf32, #tpu.memory_space<vmem>>, vector<16xf32>,
      %scan3A_569 = arith.constant 0 : i32
      %scan3A_570 = arith.constant 5 : i32
      %scan3A_571 = arith.addi %scan3A_460, %scan3A_570 : i32
      %mul3A_572 = arith.constant 16 : i32
      %mul3A_573 = arith.muli %scan3A_571, %mul3A_572 : i32
      %get3A_574 = arith.constant 0 : i32
      %get3A_575 = tpu.memref_slice %arg7[%get3A_574] : memref<25600xf32, #tpu.memory_space<vmem>> -> memref<10416xf32, #tpu.memory_space<vmem>>
      %get3A_576 = arith.index_cast %mul3A_573 : i32 to index
      %get3A_577 = tpu.vector_load %get3A_575[%get3A_576] {strides = array<i32>} : memref<10416xf32, #tpu.memory_space<vmem>>, vector<16xf32>,
      %get3A_578 = vector.shape_cast %get3A_577 : vector<16xf32> to vector<16xf32>
      %get3A_579 = arith.constant 12800 : i32
      %get3A_580 = tpu.memref_slice %arg7[%get3A_579] : memref<25600xf32, #tpu.memory_space<vmem>> -> memref<10416xf32, #tpu.memory_space<vmem>>
      %get3A_581 = arith.index_cast %mul3A_573 : i32 to index
      %get3A_582 = tpu.vector_load %get3A_580[%get3A_581] {strides = array<i32>} : memref<10416xf32, #tpu.memory_space<vmem>>, vector<16xf32>,
      %get3A_583 = vector.shape_cast %get3A_582 : vector<16xf32> to vector<16xf32>
      %mul3A_584 = arith.mulf %get3A_578, %get3A_583 : vector<16xf32>
      %swap3A_585 = arith.constant 0 : i32
      %swap3A_586 = tpu.memref_slice %arg7[%swap3A_585] : memref<25600xf32, #tpu.memory_space<vmem>> -> memref<10416xf32, #tpu.memory_space<vmem>>
      %swap3A_587 = arith.index_cast %mul3A_573 : i32 to index
      %swap3A_588 = tpu.vector_load %swap3A_586[%swap3A_587] {strides = array<i32>} : memref<10416xf32, #tpu.memory_space<vmem>>, vector<16xf32>,
      %swap3A_589 = vector.shape_cast %swap3A_588 : vector<16xf32> to vector<16xf32>
      %swap3A_590 = vector.shape_cast %mul3A_584 : vector<16xf32> to vector<16xf32>
      tpu.vector_store %swap3A_586[%swap3A_587], %swap3A_590 {strides = array<i32>} : memref<10416xf32, #tpu.memory_space<vmem>>, vector<16xf32>,
      %scan3A_591 = arith.constant 0 : i32
      %scan3A_592 = arith.constant 6 : i32
      %scan3A_593 = arith.addi %scan3A_460, %scan3A_592 : i32
      %mul3A_594 = arith.constant 16 : i32
      %mul3A_595 = arith.muli %scan3A_593, %mul3A_594 : i32
      %get3A_596 = arith.constant 0 : i32
      %get3A_597 = tpu.memref_slice %arg7[%get3A_596] : memref<25600xf32, #tpu.memory_space<vmem>> -> memref<10416xf32, #tpu.memory_space<vmem>>
      %get3A_598 = arith.index_cast %mul3A_595 : i32 to index
      %get3A_599 = tpu.vector_load %get3A_597[%get3A_598] {strides = array<i32>} : memref<10416xf32, #tpu.memory_space<vmem>>, vector<16xf32>,
      %get3A_600 = vector.shape_cast %get3A_599 : vector<16xf32> to vector<16xf32>
      %get3A_601 = arith.constant 12800 : i32
      %get3A_602 = tpu.memref_slice %arg7[%get3A_601] : memref<25600xf32, #tpu.memory_space<vmem>> -> memref<10416xf32, #tpu.memory_space<vmem>>
      %get3A_603 = arith.index_cast %mul3A_595 : i32 to index
      %get3A_604 = tpu.vector_load %get3A_602[%get3A_603] {strides = array<i32>} : memref<10416xf32, #tpu.memory_space<vmem>>, vector<16xf32>,
      %get3A_605 = vector.shape_cast %get3A_604 : vector<16xf32> to vector<16xf32>
      %mul3A_606 = arith.mulf %get3A_600, %get3A_605 : vector<16xf32>
      %swap3A_607 = arith.constant 0 : i32
      %swap3A_608 = tpu.memref_slice %arg7[%swap3A_607] : memref<25600xf32, #tpu.memory_space<vmem>> -> memref<10416xf32, #tpu.memory_space<vmem>>
      %swap3A_609 = arith.index_cast %mul3A_595 : i32 to index
      %swap3A_610 = tpu.vector_load %swap3A_608[%swap3A_609] {strides = array<i32>} : memref<10416xf32, #tpu.memory_space<vmem>>, vector<16xf32>,
      %swap3A_611 = vector.shape_cast %swap3A_610 : vector<16xf32> to vector<16xf32>
      %swap3A_612 = vector.shape_cast %mul3A_606 : vector<16xf32> to vector<16xf32>
      tpu.vector_store %swap3A_608[%swap3A_609], %swap3A_612 {strides = array<i32>} : memref<10416xf32, #tpu.memory_space<vmem>>, vector<16xf32>,
      %scan3A_613 = arith.constant 0 : i32
      %scan3A_614 = arith.constant 7 : i32
      %scan3A_615 = arith.addi %scan3A_460, %scan3A_614 : i32
      %mul3A_616 = arith.constant 16 : i32
      %mul3A_617 = arith.muli %scan3A_615, %mul3A_616 : i32
      %get3A_618 = arith.constant 0 : i32
      %get3A_619 = tpu.memref_slice %arg7[%get3A_618] : memref<25600xf32, #tpu.memory_space<vmem>> -> memref<10416xf32, #tpu.memory_space<vmem>>
      %get3A_620 = arith.index_cast %mul3A_617 : i32 to index
      %get3A_621 = tpu.vector_load %get3A_619[%get3A_620] {strides = array<i32>} : memref<10416xf32, #tpu.memory_space<vmem>>, vector<16xf32>,
      %get3A_622 = vector.shape_cast %get3A_621 : vector<16xf32> to vector<16xf32>
      %get3A_623 = arith.constant 12800 : i32
      %get3A_624 = tpu.memref_slice %arg7[%get3A_623] : memref<25600xf32, #tpu.memory_space<vmem>> -> memref<10416xf32, #tpu.memory_space<vmem>>
      %get3A_625 = arith.index_cast %mul3A_617 : i32 to index
      %get3A_626 = tpu.vector_load %get3A_624[%get3A_625] {strides = array<i32>} : memref<10416xf32, #tpu.memory_space<vmem>>, vector<16xf32>,
      %get3A_627 = vector.shape_cast %get3A_626 : vector<16xf32> to vector<16xf32>
      %mul3A_628 = arith.mulf %get3A_622, %get3A_627 : vector<16xf32>
      %swap3A_629 = arith.constant 0 : i32
      %swap3A_630 = tpu.memref_slice %arg7[%swap3A_629] : memref<25600xf32, #tpu.memory_space<vmem>> -> memref<10416xf32, #tpu.memory_space<vmem>>
      %swap3A_631 = arith.index_cast %mul3A_617 : i32 to index
      %swap3A_632 = tpu.vector_load %swap3A_630[%swap3A_631] {strides = array<i32>} : memref<10416xf32, #tpu.memory_space<vmem>>, vector<16xf32>,
      %swap3A_633 = vector.shape_cast %swap3A_632 : vector<16xf32> to vector<16xf32>
      %swap3A_634 = vector.shape_cast %mul3A_628 : vector<16xf32> to vector<16xf32>
      tpu.vector_store %swap3A_630[%swap3A_631], %swap3A_634 {strides = array<i32>} : memref<10416xf32, #tpu.memory_space<vmem>>, vector<16xf32>,
      %scan3A_635 = arith.constant 0 : i32
      scf.yield %scan3A_635 : i32
    }
    %scan3A_311 = arith.constant 648 : i32
    %scan3A_312 = arith.addi %scan3A_306, %scan3A_311 : i32
    %mul3A_313 = arith.constant 16 : i32
    %mul3A_314 = arith.muli %scan3A_312, %mul3A_313 : i32
    %get3A_315 = arith.constant 0 : i32
    %get3A_316 = tpu.memref_slice %arg7[%get3A_315] : memref<25600xf32, #tpu.memory_space<vmem>> -> memref<10416xf32, #tpu.memory_space<vmem>>
    %get3A_317 = arith.index_cast %mul3A_314 : i32 to index
    %get3A_318 = tpu.vector_load %get3A_316[%get3A_317] {strides = array<i32>} : memref<10416xf32, #tpu.memory_space<vmem>>, vector<16xf32>,
    %get3A_319 = vector.shape_cast %get3A_318 : vector<16xf32> to vector<16xf32>
    %get3A_320 = arith.constant 12800 : i32
    %get3A_321 = tpu.memref_slice %arg7[%get3A_320] : memref<25600xf32, #tpu.memory_space<vmem>> -> memref<10416xf32, #tpu.memory_space<vmem>>
    %get3A_322 = arith.index_cast %mul3A_314 : i32 to index
    %get3A_323 = tpu.vector_load %get3A_321[%get3A_322] {strides = array<i32>} : memref<10416xf32, #tpu.memory_space<vmem>>, vector<16xf32>,
    %get3A_324 = vector.shape_cast %get3A_323 : vector<16xf32> to vector<16xf32>
    %mul3A_325 = arith.mulf %get3A_319, %get3A_324 : vector<16xf32>
    %swap3A_326 = arith.constant 0 : i32
    %swap3A_327 = tpu.memref_slice %arg7[%swap3A_326] : memref<25600xf32, #tpu.memory_space<vmem>> -> memref<10416xf32, #tpu.memory_space<vmem>>
    %swap3A_328 = arith.index_cast %mul3A_314 : i32 to index
    %swap3A_329 = tpu.vector_load %swap3A_327[%swap3A_328] {strides = array<i32>} : memref<10416xf32, #tpu.memory_space<vmem>>, vector<16xf32>,
    %swap3A_330 = vector.shape_cast %swap3A_329 : vector<16xf32> to vector<16xf32>
    %swap3A_331 = vector.shape_cast %mul3A_325 : vector<16xf32> to vector<16xf32>
    tpu.vector_store %swap3A_327[%swap3A_328], %swap3A_331 {strides = array<i32>} : memref<10416xf32, #tpu.memory_space<vmem>>, vector<16xf32>,
    %scan3A_332 = arith.constant 0 : i32
    %scan3A_333 = arith.constant 649 : i32
    %scan3A_334 = arith.addi %scan3A_306, %scan3A_333 : i32
    %mul3A_335 = arith.constant 16 : i32
    %mul3A_336 = arith.muli %scan3A_334, %mul3A_335 : i32
    %get3A_337 = arith.constant 0 : i32
    %get3A_338 = tpu.memref_slice %arg7[%get3A_337] : memref<25600xf32, #tpu.memory_space<vmem>> -> memref<10416xf32, #tpu.memory_space<vmem>>
    %get3A_339 = arith.index_cast %mul3A_336 : i32 to index
    %get3A_340 = tpu.vector_load %get3A_338[%get3A_339] {strides = array<i32>} : memref<10416xf32, #tpu.memory_space<vmem>>, vector<16xf32>,
    %get3A_341 = vector.shape_cast %get3A_340 : vector<16xf32> to vector<16xf32>
    %get3A_342 = arith.constant 12800 : i32
    %get3A_343 = tpu.memref_slice %arg7[%get3A_342] : memref<25600xf32, #tpu.memory_space<vmem>> -> memref<10416xf32, #tpu.memory_space<vmem>>
    %get3A_344 = arith.index_cast %mul3A_336 : i32 to index
    %get3A_345 = tpu.vector_load %get3A_343[%get3A_344] {strides = array<i32>} : memref<10416xf32, #tpu.memory_space<vmem>>, vector<16xf32>,
    %get3A_346 = vector.shape_cast %get3A_345 : vector<16xf32> to vector<16xf32>
    %mul3A_347 = arith.mulf %get3A_341, %get3A_346 : vector<16xf32>
    %swap3A_348 = arith.constant 0 : i32
    %swap3A_349 = tpu.memref_slice %arg7[%swap3A_348] : memref<25600xf32, #tpu.memory_space<vmem>> -> memref<10416xf32, #tpu.memory_space<vmem>>
    %swap3A_350 = arith.index_cast %mul3A_336 : i32 to index
    %swap3A_351 = tpu.vector_load %swap3A_349[%swap3A_350] {strides = array<i32>} : memref<10416xf32, #tpu.memory_space<vmem>>, vector<16xf32>,
    %swap3A_352 = vector.shape_cast %swap3A_351 : vector<16xf32> to vector<16xf32>
    %swap3A_353 = vector.shape_cast %mul3A_347 : vector<16xf32> to vector<16xf32>
    tpu.vector_store %swap3A_349[%swap3A_350], %swap3A_353 {strides = array<i32>} : memref<10416xf32, #tpu.memory_space<vmem>>, vector<16xf32>,
    %scan3A_354 = arith.constant 0 : i32
    %scan3A_355 = arith.constant 650 : i32
    %scan3A_356 = arith.addi %scan3A_306, %scan3A_355 : i32
    %mul3A_357 = arith.constant 16 : i32
    %mul3A_358 = arith.muli %scan3A_356, %mul3A_357 : i32
    %get3A_359 = arith.constant 0 : i32
    %get3A_360 = tpu.memref_slice %arg7[%get3A_359] : memref<25600xf32, #tpu.memory_space<vmem>> -> memref<10416xf32, #tpu.memory_space<vmem>>
    %get3A_361 = arith.index_cast %mul3A_358 : i32 to index
    %get3A_362 = tpu.vector_load %get3A_360[%get3A_361] {strides = array<i32>} : memref<10416xf32, #tpu.memory_space<vmem>>, vector<16xf32>,
    %get3A_363 = vector.shape_cast %get3A_362 : vector<16xf32> to vector<16xf32>
    %get3A_364 = arith.constant 12800 : i32
    %get3A_365 = tpu.memref_slice %arg7[%get3A_364] : memref<25600xf32, #tpu.memory_space<vmem>> -> memref<10416xf32, #tpu.memory_space<vmem>>
    %get3A_366 = arith.index_cast %mul3A_358 : i32 to index
    %get3A_367 = tpu.vector_load %get3A_365[%get3A_366] {strides = array<i32>} : memref<10416xf32, #tpu.memory_space<vmem>>, vector<16xf32>,
    %get3A_368 = vector.shape_cast %get3A_367 : vector<16xf32> to vector<16xf32>
    %mul3A_369 = arith.mulf %get3A_363, %get3A_368 : vector<16xf32>
    %swap3A_370 = arith.constant 0 : i32
    %swap3A_371 = tpu.memref_slice %arg7[%swap3A_370] : memref<25600xf32, #tpu.memory_space<vmem>> -> memref<10416xf32, #tpu.memory_space<vmem>>
    %swap3A_372 = arith.index_cast %mul3A_358 : i32 to index
    %swap3A_373 = tpu.vector_load %swap3A_371[%swap3A_372] {strides = array<i32>} : memref<10416xf32, #tpu.memory_space<vmem>>, vector<16xf32>,
    %swap3A_374 = vector.shape_cast %swap3A_373 : vector<16xf32> to vector<16xf32>
    %swap3A_375 = vector.shape_cast %mul3A_369 : vector<16xf32> to vector<16xf32>
    tpu.vector_store %swap3A_371[%swap3A_372], %swap3A_375 {strides = array<i32>} : memref<10416xf32, #tpu.memory_space<vmem>>, vector<16xf32>,
    %scan3A_376 = arith.constant 0 : i32
    %scan3A_377 = arith.constant 651 : i32
    "tpu.region"() ({
      %run_scoped3A = tpu.sem_alloc : memref<!tpu.dma_semaphore, #tpu.memory_space<semaphore_mem>>
      %dma_start3A_460 = arith.constant 0 : i32
      %dma_start3A_461 = tpu.memref_slice %arg7[%dma_start3A_460] : memref<25600xf32, #tpu.memory_space<vmem>> -> memref<10416xf32, #tpu.memory_space<vmem>>
      %dma_start3A_462 = tpu.memref_slice %arg8[%add3A_304] : memref<1000064xf32, #tpu.memory_space<vmem_shared>> -> memref<10416xf32, #tpu.memory_space<vmem_shared>>
      %dma_start3A_463 = tpu.memref_slice %arg8[%add3A_304] : memref<1000064xf32, #tpu.memory_space<vmem_shared>> -> memref<10416xf32, #tpu.memory_space<vmem_shared>>
      %dma_start3A_464 = arith.constant 0 : i32
      %dma_start3A_465 = tpu.memref_slice %arg7[%dma_start3A_464] : memref<25600xf32, #tpu.memory_space<vmem>> -> memref<10416xf32, #tpu.memory_space<vmem>>
      tpu.enqueue_dma source(%dma_start3A_465 : memref<10416xf32, #tpu.memory_space<vmem>>) target(%dma_start3A_463 : memref<10416xf32, #tpu.memory_space<vmem_shared>>) target_semaphore(%run_scoped3A : memref<!tpu.dma_semaphore, #tpu.memory_space<semaphore_mem>>)
      %dma_wait3A_466 = arith.constant 0 : i32
      %dma_wait3A_467 = tpu.memref_slice %arg7[%dma_wait3A_466] : memref<25600xf32, #tpu.memory_space<vmem>> -> memref<10416xf32, #tpu.memory_space<vmem>>
      %dma_wait3A_468 = tpu.memref_slice %arg8[%add3A_304] : memref<1000064xf32, #tpu.memory_space<vmem_shared>> -> memref<10416xf32, #tpu.memory_space<vmem_shared>>
      %dma_wait3A_469 = tpu.memref_slice %arg8[%add3A_304] : memref<1000064xf32, #tpu.memory_space<vmem_shared>> -> memref<10416xf32, #tpu.memory_space<vmem_shared>>
      %dma_wait3A_470 = arith.constant 0 : i32
      %dma_wait3A_471 = tpu.memref_slice %arg7[%dma_wait3A_470] : memref<25600xf32, #tpu.memory_space<vmem>> -> memref<10416xf32, #tpu.memory_space<vmem>>
      tpu.wait_dma2 semaphore(%run_scoped3A : memref<!tpu.dma_semaphore, #tpu.memory_space<semaphore_mem>>) src(%dma_wait3A_471 : memref<10416xf32, #tpu.memory_space<vmem>>) dst(%dma_wait3A_469 : memref<10416xf32, #tpu.memory_space<vmem_shared>>)
      tpu.yield
    }) : () -> ()
    %add3A_378 = arith.constant 52080 : i32
    %add3A_379 = arith.addi %mul3A_5, %add3A_378 : i32
    "tpu.region"() ({
      %run_scoped3A = tpu.sem_alloc : memref<!tpu.dma_semaphore, #tpu.memory_space<semaphore_mem>>
      %dma_start3A_460 = arith.constant 0 : i32
      %dma_start3A_461 = tpu.memref_slice %arg7[%dma_start3A_460] : memref<25600xf32, #tpu.memory_space<vmem>> -> memref<10416xf32, #tpu.memory_space<vmem>>
      %dma_start3A_462 = tpu.memref_slice %arg3[%add3A_379] : memref<1048576xf32, #tpu.memory_space<hbm>> -> memref<10416xf32, #tpu.memory_space<hbm>>
      %dma_start3A_463 = arith.constant 0 : i32
      %dma_start3A_464 = tpu.memref_slice %arg7[%dma_start3A_463] : memref<25600xf32, #tpu.memory_space<vmem>> -> memref<10416xf32, #tpu.memory_space<vmem>>
      %dma_start3A_465 = tpu.memref_slice %arg3[%add3A_379] : memref<1048576xf32, #tpu.memory_space<hbm>> -> memref<10416xf32, #tpu.memory_space<hbm>>
      tpu.enqueue_dma source(%dma_start3A_465 : memref<10416xf32, #tpu.memory_space<hbm>>) target(%dma_start3A_464 : memref<10416xf32, #tpu.memory_space<vmem>>) target_semaphore(%run_scoped3A : memref<!tpu.dma_semaphore, #tpu.memory_space<semaphore_mem>>)
      %dma_wait3A_466 = arith.constant 0 : i32
      %dma_wait3A_467 = tpu.memref_slice %arg7[%dma_wait3A_466] : memref<25600xf32, #tpu.memory_space<vmem>> -> memref<10416xf32, #tpu.memory_space<vmem>>
      %dma_wait3A_468 = tpu.memref_slice %arg3[%add3A_379] : memref<1048576xf32, #tpu.memory_space<hbm>> -> memref<10416xf32, #tpu.memory_space<hbm>>
      %dma_wait3A_469 = arith.constant 0 : i32
      %dma_wait3A_470 = tpu.memref_slice %arg7[%dma_wait3A_469] : memref<25600xf32, #tpu.memory_space<vmem>> -> memref<10416xf32, #tpu.memory_space<vmem>>
      %dma_wait3A_471 = tpu.memref_slice %arg3[%add3A_379] : memref<1048576xf32, #tpu.memory_space<hbm>> -> memref<10416xf32, #tpu.memory_space<hbm>>
      tpu.wait_dma2 semaphore(%run_scoped3A : memref<!tpu.dma_semaphore, #tpu.memory_space<semaphore_mem>>) src(%dma_wait3A_471 : memref<10416xf32, #tpu.memory_space<hbm>>) dst(%dma_wait3A_470 : memref<10416xf32, #tpu.memory_space<vmem>>)
      tpu.yield
    }) : () -> ()
    "tpu.region"() ({
      %run_scoped3A = tpu.sem_alloc : memref<!tpu.dma_semaphore, #tpu.memory_space<semaphore_mem>>
      %dma_start3A_460 = arith.constant 12800 : i32
      %dma_start3A_461 = tpu.memref_slice %arg7[%dma_start3A_460] : memref<25600xf32, #tpu.memory_space<vmem>> -> memref<10416xf32, #tpu.memory_space<vmem>>
      %dma_start3A_462 = tpu.memref_slice %arg4[%add3A_379] : memref<1048576xf32, #tpu.memory_space<hbm>> -> memref<10416xf32, #tpu.memory_space<hbm>>
      %dma_start3A_463 = arith.constant 12800 : i32
      %dma_start3A_464 = tpu.memref_slice %arg7[%dma_start3A_463] : memref<25600xf32, #tpu.memory_space<vmem>> -> memref<10416xf32, #tpu.memory_space<vmem>>
      %dma_start3A_465 = tpu.memref_slice %arg4[%add3A_379] : memref<1048576xf32, #tpu.memory_space<hbm>> -> memref<10416xf32, #tpu.memory_space<hbm>>
      tpu.enqueue_dma source(%dma_start3A_465 : memref<10416xf32, #tpu.memory_space<hbm>>) target(%dma_start3A_464 : memref<10416xf32, #tpu.memory_space<vmem>>) target_semaphore(%run_scoped3A : memref<!tpu.dma_semaphore, #tpu.memory_space<semaphore_mem>>)
      %dma_wait3A_466 = arith.constant 12800 : i32
      %dma_wait3A_467 = tpu.memref_slice %arg7[%dma_wait3A_466] : memref<25600xf32, #tpu.memory_space<vmem>> -> memref<10416xf32, #tpu.memory_space<vmem>>
      %dma_wait3A_468 = tpu.memref_slice %arg4[%add3A_379] : memref<1048576xf32, #tpu.memory_space<hbm>> -> memref<10416xf32, #tpu.memory_space<hbm>>
      %dma_wait3A_469 = arith.constant 12800 : i32
      %dma_wait3A_470 = tpu.memref_slice %arg7[%dma_wait3A_469] : memref<25600xf32, #tpu.memory_space<vmem>> -> memref<10416xf32, #tpu.memory_space<vmem>>
      %dma_wait3A_471 = tpu.memref_slice %arg4[%add3A_379] : memref<1048576xf32, #tpu.memory_space<hbm>> -> memref<10416xf32, #tpu.memory_space<hbm>>
      tpu.wait_dma2 semaphore(%run_scoped3A : memref<!tpu.dma_semaphore, #tpu.memory_space<semaphore_mem>>) src(%dma_wait3A_471 : memref<10416xf32, #tpu.memory_space<hbm>>) dst(%dma_wait3A_470 : memref<10416xf32, #tpu.memory_space<vmem>>)
      tpu.yield
    }) : () -> ()
    %scan3A_380 = arith.constant 0 : i32
    %scan3A_381 = arith.constant 0 : i32
    %scan3A_382 = arith.constant 648 : i32
    %scan3A_383 = arith.addi %scan3A_381, %scan3A_382 : i32
    %scan3A_384 = arith.constant 8 : i32
    %scan3A_385 = scf.for %scan3A_460 = %scan3A_381 to %scan3A_383 step %scan3A_384 iter_args(%scan3A_461 = %scan3A_380) -> (i32)  : i32 {
      %mul3A_462 = arith.constant 16 : i32
      %mul3A_463 = arith.muli %scan3A_460, %mul3A_462 : i32
      %get3A_464 = arith.constant 0 : i32
      %get3A_465 = tpu.memref_slice %arg7[%get3A_464] : memref<25600xf32, #tpu.memory_space<vmem>> -> memref<10416xf32, #tpu.memory_space<vmem>>
      %get3A_466 = arith.index_cast %mul3A_463 : i32 to index
      %get3A_467 = tpu.vector_load %get3A_465[%get3A_466] {strides = array<i32>} : memref<10416xf32, #tpu.memory_space<vmem>>, vector<16xf32>,
      %get3A_468 = vector.shape_cast %get3A_467 : vector<16xf32> to vector<16xf32>
      %get3A_469 = arith.constant 12800 : i32
      %get3A_470 = tpu.memref_slice %arg7[%get3A_469] : memref<25600xf32, #tpu.memory_space<vmem>> -> memref<10416xf32, #tpu.memory_space<vmem>>
      %get3A_471 = arith.index_cast %mul3A_463 : i32 to index
      %get3A_472 = tpu.vector_load %get3A_470[%get3A_471] {strides = array<i32>} : memref<10416xf32, #tpu.memory_space<vmem>>, vector<16xf32>,
      %get3A_473 = vector.shape_cast %get3A_472 : vector<16xf32> to vector<16xf32>
      %mul3A_474 = arith.mulf %get3A_468, %get3A_473 : vector<16xf32>
      %swap3A_475 = arith.constant 0 : i32
      %swap3A_476 = tpu.memref_slice %arg7[%swap3A_475] : memref<25600xf32, #tpu.memory_space<vmem>> -> memref<10416xf32, #tpu.memory_space<vmem>>
      %swap3A_477 = arith.index_cast %mul3A_463 : i32 to index
      %swap3A_478 = tpu.vector_load %swap3A_476[%swap3A_477] {strides = array<i32>} : memref<10416xf32, #tpu.memory_space<vmem>>, vector<16xf32>,
      %swap3A_479 = vector.shape_cast %swap3A_478 : vector<16xf32> to vector<16xf32>
      %swap3A_480 = vector.shape_cast %mul3A_474 : vector<16xf32> to vector<16xf32>
      tpu.vector_store %swap3A_476[%swap3A_477], %swap3A_480 {strides = array<i32>} : memref<10416xf32, #tpu.memory_space<vmem>>, vector<16xf32>,
      %scan3A_481 = arith.constant 0 : i32
      %scan3A_482 = arith.constant 1 : i32
      %scan3A_483 = arith.addi %scan3A_460, %scan3A_482 : i32
      %mul3A_484 = arith.constant 16 : i32
      %mul3A_485 = arith.muli %scan3A_483, %mul3A_484 : i32
      %get3A_486 = arith.constant 0 : i32
      %get3A_487 = tpu.memref_slice %arg7[%get3A_486] : memref<25600xf32, #tpu.memory_space<vmem>> -> memref<10416xf32, #tpu.memory_space<vmem>>
      %get3A_488 = arith.index_cast %mul3A_485 : i32 to index
      %get3A_489 = tpu.vector_load %get3A_487[%get3A_488] {strides = array<i32>} : memref<10416xf32, #tpu.memory_space<vmem>>, vector<16xf32>,
      %get3A_490 = vector.shape_cast %get3A_489 : vector<16xf32> to vector<16xf32>
      %get3A_491 = arith.constant 12800 : i32
      %get3A_492 = tpu.memref_slice %arg7[%get3A_491] : memref<25600xf32, #tpu.memory_space<vmem>> -> memref<10416xf32, #tpu.memory_space<vmem>>
      %get3A_493 = arith.index_cast %mul3A_485 : i32 to index
      %get3A_494 = tpu.vector_load %get3A_492[%get3A_493] {strides = array<i32>} : memref<10416xf32, #tpu.memory_space<vmem>>, vector<16xf32>,
      %get3A_495 = vector.shape_cast %get3A_494 : vector<16xf32> to vector<16xf32>
      %mul3A_496 = arith.mulf %get3A_490, %get3A_495 : vector<16xf32>
      %swap3A_497 = arith.constant 0 : i32
      %swap3A_498 = tpu.memref_slice %arg7[%swap3A_497] : memref<25600xf32, #tpu.memory_space<vmem>> -> memref<10416xf32, #tpu.memory_space<vmem>>
      %swap3A_499 = arith.index_cast %mul3A_485 : i32 to index
      %swap3A_500 = tpu.vector_load %swap3A_498[%swap3A_499] {strides = array<i32>} : memref<10416xf32, #tpu.memory_space<vmem>>, vector<16xf32>,
      %swap3A_501 = vector.shape_cast %swap3A_500 : vector<16xf32> to vector<16xf32>
      %swap3A_502 = vector.shape_cast %mul3A_496 : vector<16xf32> to vector<16xf32>
      tpu.vector_store %swap3A_498[%swap3A_499], %swap3A_502 {strides = array<i32>} : memref<10416xf32, #tpu.memory_space<vmem>>, vector<16xf32>,
      %scan3A_503 = arith.constant 0 : i32
      %scan3A_504 = arith.constant 2 : i32
      %scan3A_505 = arith.addi %scan3A_460, %scan3A_504 : i32
      %mul3A_506 = arith.constant 16 : i32
      %mul3A_507 = arith.muli %scan3A_505, %mul3A_506 : i32
      %get3A_508 = arith.constant 0 : i32
      %get3A_509 = tpu.memref_slice %arg7[%get3A_508] : memref<25600xf32, #tpu.memory_space<vmem>> -> memref<10416xf32, #tpu.memory_space<vmem>>
      %get3A_510 = arith.index_cast %mul3A_507 : i32 to index
      %get3A_511 = tpu.vector_load %get3A_509[%get3A_510] {strides = array<i32>} : memref<10416xf32, #tpu.memory_space<vmem>>, vector<16xf32>,
      %get3A_512 = vector.shape_cast %get3A_511 : vector<16xf32> to vector<16xf32>
      %get3A_513 = arith.constant 12800 : i32
      %get3A_514 = tpu.memref_slice %arg7[%get3A_513] : memref<25600xf32, #tpu.memory_space<vmem>> -> memref<10416xf32, #tpu.memory_space<vmem>>
      %get3A_515 = arith.index_cast %mul3A_507 : i32 to index
      %get3A_516 = tpu.vector_load %get3A_514[%get3A_515] {strides = array<i32>} : memref<10416xf32, #tpu.memory_space<vmem>>, vector<16xf32>,
      %get3A_517 = vector.shape_cast %get3A_516 : vector<16xf32> to vector<16xf32>
      %mul3A_518 = arith.mulf %get3A_512, %get3A_517 : vector<16xf32>
      %swap3A_519 = arith.constant 0 : i32
      %swap3A_520 = tpu.memref_slice %arg7[%swap3A_519] : memref<25600xf32, #tpu.memory_space<vmem>> -> memref<10416xf32, #tpu.memory_space<vmem>>
      %swap3A_521 = arith.index_cast %mul3A_507 : i32 to index
      %swap3A_522 = tpu.vector_load %swap3A_520[%swap3A_521] {strides = array<i32>} : memref<10416xf32, #tpu.memory_space<vmem>>, vector<16xf32>,
      %swap3A_523 = vector.shape_cast %swap3A_522 : vector<16xf32> to vector<16xf32>
      %swap3A_524 = vector.shape_cast %mul3A_518 : vector<16xf32> to vector<16xf32>
      tpu.vector_store %swap3A_520[%swap3A_521], %swap3A_524 {strides = array<i32>} : memref<10416xf32, #tpu.memory_space<vmem>>, vector<16xf32>,
      %scan3A_525 = arith.constant 0 : i32
      %scan3A_526 = arith.constant 3 : i32
      %scan3A_527 = arith.addi %scan3A_460, %scan3A_526 : i32
      %mul3A_528 = arith.constant 16 : i32
      %mul3A_529 = arith.muli %scan3A_527, %mul3A_528 : i32
      %get3A_530 = arith.constant 0 : i32
      %get3A_531 = tpu.memref_slice %arg7[%get3A_530] : memref<25600xf32, #tpu.memory_space<vmem>> -> memref<10416xf32, #tpu.memory_space<vmem>>
      %get3A_532 = arith.index_cast %mul3A_529 : i32 to index
      %get3A_533 = tpu.vector_load %get3A_531[%get3A_532] {strides = array<i32>} : memref<10416xf32, #tpu.memory_space<vmem>>, vector<16xf32>,
      %get3A_534 = vector.shape_cast %get3A_533 : vector<16xf32> to vector<16xf32>
      %get3A_535 = arith.constant 12800 : i32
      %get3A_536 = tpu.memref_slice %arg7[%get3A_535] : memref<25600xf32, #tpu.memory_space<vmem>> -> memref<10416xf32, #tpu.memory_space<vmem>>
      %get3A_537 = arith.index_cast %mul3A_529 : i32 to index
      %get3A_538 = tpu.vector_load %get3A_536[%get3A_537] {strides = array<i32>} : memref<10416xf32, #tpu.memory_space<vmem>>, vector<16xf32>,
      %get3A_539 = vector.shape_cast %get3A_538 : vector<16xf32> to vector<16xf32>
      %mul3A_540 = arith.mulf %get3A_534, %get3A_539 : vector<16xf32>
      %swap3A_541 = arith.constant 0 : i32
      %swap3A_542 = tpu.memref_slice %arg7[%swap3A_541] : memref<25600xf32, #tpu.memory_space<vmem>> -> memref<10416xf32, #tpu.memory_space<vmem>>
      %swap3A_543 = arith.index_cast %mul3A_529 : i32 to index
      %swap3A_544 = tpu.vector_load %swap3A_542[%swap3A_543] {strides = array<i32>} : memref<10416xf32, #tpu.memory_space<vmem>>, vector<16xf32>,
      %swap3A_545 = vector.shape_cast %swap3A_544 : vector<16xf32> to vector<16xf32>
      %swap3A_546 = vector.shape_cast %mul3A_540 : vector<16xf32> to vector<16xf32>
      tpu.vector_store %swap3A_542[%swap3A_543], %swap3A_546 {strides = array<i32>} : memref<10416xf32, #tpu.memory_space<vmem>>, vector<16xf32>,
      %scan3A_547 = arith.constant 0 : i32
      %scan3A_548 = arith.constant 4 : i32
      %scan3A_549 = arith.addi %scan3A_460, %scan3A_548 : i32
      %mul3A_550 = arith.constant 16 : i32
      %mul3A_551 = arith.muli %scan3A_549, %mul3A_550 : i32
      %get3A_552 = arith.constant 0 : i32
      %get3A_553 = tpu.memref_slice %arg7[%get3A_552] : memref<25600xf32, #tpu.memory_space<vmem>> -> memref<10416xf32, #tpu.memory_space<vmem>>
      %get3A_554 = arith.index_cast %mul3A_551 : i32 to index
      %get3A_555 = tpu.vector_load %get3A_553[%get3A_554] {strides = array<i32>} : memref<10416xf32, #tpu.memory_space<vmem>>, vector<16xf32>,
      %get3A_556 = vector.shape_cast %get3A_555 : vector<16xf32> to vector<16xf32>
      %get3A_557 = arith.constant 12800 : i32
      %get3A_558 = tpu.memref_slice %arg7[%get3A_557] : memref<25600xf32, #tpu.memory_space<vmem>> -> memref<10416xf32, #tpu.memory_space<vmem>>
      %get3A_559 = arith.index_cast %mul3A_551 : i32 to index
      %get3A_560 = tpu.vector_load %get3A_558[%get3A_559] {strides = array<i32>} : memref<10416xf32, #tpu.memory_space<vmem>>, vector<16xf32>,
      %get3A_561 = vector.shape_cast %get3A_560 : vector<16xf32> to vector<16xf32>
      %mul3A_562 = arith.mulf %get3A_556, %get3A_561 : vector<16xf32>
      %swap3A_563 = arith.constant 0 : i32
      %swap3A_564 = tpu.memref_slice %arg7[%swap3A_563] : memref<25600xf32, #tpu.memory_space<vmem>> -> memref<10416xf32, #tpu.memory_space<vmem>>
      %swap3A_565 = arith.index_cast %mul3A_551 : i32 to index
      %swap3A_566 = tpu.vector_load %swap3A_564[%swap3A_565] {strides = array<i32>} : memref<10416xf32, #tpu.memory_space<vmem>>, vector<16xf32>,
      %swap3A_567 = vector.shape_cast %swap3A_566 : vector<16xf32> to vector<16xf32>
      %swap3A_568 = vector.shape_cast %mul3A_562 : vector<16xf32> to vector<16xf32>
      tpu.vector_store %swap3A_564[%swap3A_565], %swap3A_568 {strides = array<i32>} : memref<10416xf32, #tpu.memory_space<vmem>>, vector<16xf32>,
      %scan3A_569 = arith.constant 0 : i32
      %scan3A_570 = arith.constant 5 : i32
      %scan3A_571 = arith.addi %scan3A_460, %scan3A_570 : i32
      %mul3A_572 = arith.constant 16 : i32
      %mul3A_573 = arith.muli %scan3A_571, %mul3A_572 : i32
      %get3A_574 = arith.constant 0 : i32
      %get3A_575 = tpu.memref_slice %arg7[%get3A_574] : memref<25600xf32, #tpu.memory_space<vmem>> -> memref<10416xf32, #tpu.memory_space<vmem>>
      %get3A_576 = arith.index_cast %mul3A_573 : i32 to index
      %get3A_577 = tpu.vector_load %get3A_575[%get3A_576] {strides = array<i32>} : memref<10416xf32, #tpu.memory_space<vmem>>, vector<16xf32>,
      %get3A_578 = vector.shape_cast %get3A_577 : vector<16xf32> to vector<16xf32>
      %get3A_579 = arith.constant 12800 : i32
      %get3A_580 = tpu.memref_slice %arg7[%get3A_579] : memref<25600xf32, #tpu.memory_space<vmem>> -> memref<10416xf32, #tpu.memory_space<vmem>>
      %get3A_581 = arith.index_cast %mul3A_573 : i32 to index
      %get3A_582 = tpu.vector_load %get3A_580[%get3A_581] {strides = array<i32>} : memref<10416xf32, #tpu.memory_space<vmem>>, vector<16xf32>,
      %get3A_583 = vector.shape_cast %get3A_582 : vector<16xf32> to vector<16xf32>
      %mul3A_584 = arith.mulf %get3A_578, %get3A_583 : vector<16xf32>
      %swap3A_585 = arith.constant 0 : i32
      %swap3A_586 = tpu.memref_slice %arg7[%swap3A_585] : memref<25600xf32, #tpu.memory_space<vmem>> -> memref<10416xf32, #tpu.memory_space<vmem>>
      %swap3A_587 = arith.index_cast %mul3A_573 : i32 to index
      %swap3A_588 = tpu.vector_load %swap3A_586[%swap3A_587] {strides = array<i32>} : memref<10416xf32, #tpu.memory_space<vmem>>, vector<16xf32>,
      %swap3A_589 = vector.shape_cast %swap3A_588 : vector<16xf32> to vector<16xf32>
      %swap3A_590 = vector.shape_cast %mul3A_584 : vector<16xf32> to vector<16xf32>
      tpu.vector_store %swap3A_586[%swap3A_587], %swap3A_590 {strides = array<i32>} : memref<10416xf32, #tpu.memory_space<vmem>>, vector<16xf32>,
      %scan3A_591 = arith.constant 0 : i32
      %scan3A_592 = arith.constant 6 : i32
      %scan3A_593 = arith.addi %scan3A_460, %scan3A_592 : i32
      %mul3A_594 = arith.constant 16 : i32
      %mul3A_595 = arith.muli %scan3A_593, %mul3A_594 : i32
      %get3A_596 = arith.constant 0 : i32
      %get3A_597 = tpu.memref_slice %arg7[%get3A_596] : memref<25600xf32, #tpu.memory_space<vmem>> -> memref<10416xf32, #tpu.memory_space<vmem>>
      %get3A_598 = arith.index_cast %mul3A_595 : i32 to index
      %get3A_599 = tpu.vector_load %get3A_597[%get3A_598] {strides = array<i32>} : memref<10416xf32, #tpu.memory_space<vmem>>, vector<16xf32>,
      %get3A_600 = vector.shape_cast %get3A_599 : vector<16xf32> to vector<16xf32>
      %get3A_601 = arith.constant 12800 : i32
      %get3A_602 = tpu.memref_slice %arg7[%get3A_601] : memref<25600xf32, #tpu.memory_space<vmem>> -> memref<10416xf32, #tpu.memory_space<vmem>>
      %get3A_603 = arith.index_cast %mul3A_595 : i32 to index
      %get3A_604 = tpu.vector_load %get3A_602[%get3A_603] {strides = array<i32>} : memref<10416xf32, #tpu.memory_space<vmem>>, vector<16xf32>,
      %get3A_605 = vector.shape_cast %get3A_604 : vector<16xf32> to vector<16xf32>
      %mul3A_606 = arith.mulf %get3A_600, %get3A_605 : vector<16xf32>
      %swap3A_607 = arith.constant 0 : i32
      %swap3A_608 = tpu.memref_slice %arg7[%swap3A_607] : memref<25600xf32, #tpu.memory_space<vmem>> -> memref<10416xf32, #tpu.memory_space<vmem>>
      %swap3A_609 = arith.index_cast %mul3A_595 : i32 to index
      %swap3A_610 = tpu.vector_load %swap3A_608[%swap3A_609] {strides = array<i32>} : memref<10416xf32, #tpu.memory_space<vmem>>, vector<16xf32>,
      %swap3A_611 = vector.shape_cast %swap3A_610 : vector<16xf32> to vector<16xf32>
      %swap3A_612 = vector.shape_cast %mul3A_606 : vector<16xf32> to vector<16xf32>
      tpu.vector_store %swap3A_608[%swap3A_609], %swap3A_612 {strides = array<i32>} : memref<10416xf32, #tpu.memory_space<vmem>>, vector<16xf32>,
      %scan3A_613 = arith.constant 0 : i32
      %scan3A_614 = arith.constant 7 : i32
      %scan3A_615 = arith.addi %scan3A_460, %scan3A_614 : i32
      %mul3A_616 = arith.constant 16 : i32
      %mul3A_617 = arith.muli %scan3A_615, %mul3A_616 : i32
      %get3A_618 = arith.constant 0 : i32
      %get3A_619 = tpu.memref_slice %arg7[%get3A_618] : memref<25600xf32, #tpu.memory_space<vmem>> -> memref<10416xf32, #tpu.memory_space<vmem>>
      %get3A_620 = arith.index_cast %mul3A_617 : i32 to index
      %get3A_621 = tpu.vector_load %get3A_619[%get3A_620] {strides = array<i32>} : memref<10416xf32, #tpu.memory_space<vmem>>, vector<16xf32>,
      %get3A_622 = vector.shape_cast %get3A_621 : vector<16xf32> to vector<16xf32>
      %get3A_623 = arith.constant 12800 : i32
      %get3A_624 = tpu.memref_slice %arg7[%get3A_623] : memref<25600xf32, #tpu.memory_space<vmem>> -> memref<10416xf32, #tpu.memory_space<vmem>>
      %get3A_625 = arith.index_cast %mul3A_617 : i32 to index
      %get3A_626 = tpu.vector_load %get3A_624[%get3A_625] {strides = array<i32>} : memref<10416xf32, #tpu.memory_space<vmem>>, vector<16xf32>,
      %get3A_627 = vector.shape_cast %get3A_626 : vector<16xf32> to vector<16xf32>
      %mul3A_628 = arith.mulf %get3A_622, %get3A_627 : vector<16xf32>
      %swap3A_629 = arith.constant 0 : i32
      %swap3A_630 = tpu.memref_slice %arg7[%swap3A_629] : memref<25600xf32, #tpu.memory_space<vmem>> -> memref<10416xf32, #tpu.memory_space<vmem>>
      %swap3A_631 = arith.index_cast %mul3A_617 : i32 to index
      %swap3A_632 = tpu.vector_load %swap3A_630[%swap3A_631] {strides = array<i32>} : memref<10416xf32, #tpu.memory_space<vmem>>, vector<16xf32>,
      %swap3A_633 = vector.shape_cast %swap3A_632 : vector<16xf32> to vector<16xf32>
      %swap3A_634 = vector.shape_cast %mul3A_628 : vector<16xf32> to vector<16xf32>
      tpu.vector_store %swap3A_630[%swap3A_631], %swap3A_634 {strides = array<i32>} : memref<10416xf32, #tpu.memory_space<vmem>>, vector<16xf32>,
      %scan3A_635 = arith.constant 0 : i32
      scf.yield %scan3A_635 : i32
    }
    %scan3A_386 = arith.constant 648 : i32
    %scan3A_387 = arith.addi %scan3A_381, %scan3A_386 : i32
    %mul3A_388 = arith.constant 16 : i32
    %mul3A_389 = arith.muli %scan3A_387, %mul3A_388 : i32
    %get3A_390 = arith.constant 0 : i32
    %get3A_391 = tpu.memref_slice %arg7[%get3A_390] : memref<25600xf32, #tpu.memory_space<vmem>> -> memref<10416xf32, #tpu.memory_space<vmem>>
    %get3A_392 = arith.index_cast %mul3A_389 : i32 to index
    %get3A_393 = tpu.vector_load %get3A_391[%get3A_392] {strides = array<i32>} : memref<10416xf32, #tpu.memory_space<vmem>>, vector<16xf32>,
    %get3A_394 = vector.shape_cast %get3A_393 : vector<16xf32> to vector<16xf32>
    %get3A_395 = arith.constant 12800 : i32
    %get3A_396 = tpu.memref_slice %arg7[%get3A_395] : memref<25600xf32, #tpu.memory_space<vmem>> -> memref<10416xf32, #tpu.memory_space<vmem>>
    %get3A_397 = arith.index_cast %mul3A_389 : i32 to index
    %get3A_398 = tpu.vector_load %get3A_396[%get3A_397] {strides = array<i32>} : memref<10416xf32, #tpu.memory_space<vmem>>, vector<16xf32>,
    %get3A_399 = vector.shape_cast %get3A_398 : vector<16xf32> to vector<16xf32>
    %mul3A_400 = arith.mulf %get3A_394, %get3A_399 : vector<16xf32>
    %swap3A_401 = arith.constant 0 : i32
    %swap3A_402 = tpu.memref_slice %arg7[%swap3A_401] : memref<25600xf32, #tpu.memory_space<vmem>> -> memref<10416xf32, #tpu.memory_space<vmem>>
    %swap3A_403 = arith.index_cast %mul3A_389 : i32 to index
    %swap3A_404 = tpu.vector_load %swap3A_402[%swap3A_403] {strides = array<i32>} : memref<10416xf32, #tpu.memory_space<vmem>>, vector<16xf32>,
    %swap3A_405 = vector.shape_cast %swap3A_404 : vector<16xf32> to vector<16xf32>
    %swap3A_406 = vector.shape_cast %mul3A_400 : vector<16xf32> to vector<16xf32>
    tpu.vector_store %swap3A_402[%swap3A_403], %swap3A_406 {strides = array<i32>} : memref<10416xf32, #tpu.memory_space<vmem>>, vector<16xf32>,
    %scan3A_407 = arith.constant 0 : i32
    %scan3A_408 = arith.constant 649 : i32
    %scan3A_409 = arith.addi %scan3A_381, %scan3A_408 : i32
    %mul3A_410 = arith.constant 16 : i32
    %mul3A_411 = arith.muli %scan3A_409, %mul3A_410 : i32
    %get3A_412 = arith.constant 0 : i32
    %get3A_413 = tpu.memref_slice %arg7[%get3A_412] : memref<25600xf32, #tpu.memory_space<vmem>> -> memref<10416xf32, #tpu.memory_space<vmem>>
    %get3A_414 = arith.index_cast %mul3A_411 : i32 to index
    %get3A_415 = tpu.vector_load %get3A_413[%get3A_414] {strides = array<i32>} : memref<10416xf32, #tpu.memory_space<vmem>>, vector<16xf32>,
    %get3A_416 = vector.shape_cast %get3A_415 : vector<16xf32> to vector<16xf32>
    %get3A_417 = arith.constant 12800 : i32
    %get3A_418 = tpu.memref_slice %arg7[%get3A_417] : memref<25600xf32, #tpu.memory_space<vmem>> -> memref<10416xf32, #tpu.memory_space<vmem>>
    %get3A_419 = arith.index_cast %mul3A_411 : i32 to index
    %get3A_420 = tpu.vector_load %get3A_418[%get3A_419] {strides = array<i32>} : memref<10416xf32, #tpu.memory_space<vmem>>, vector<16xf32>,
    %get3A_421 = vector.shape_cast %get3A_420 : vector<16xf32> to vector<16xf32>
    %mul3A_422 = arith.mulf %get3A_416, %get3A_421 : vector<16xf32>
    %swap3A_423 = arith.constant 0 : i32
    %swap3A_424 = tpu.memref_slice %arg7[%swap3A_423] : memref<25600xf32, #tpu.memory_space<vmem>> -> memref<10416xf32, #tpu.memory_space<vmem>>
    %swap3A_425 = arith.index_cast %mul3A_411 : i32 to index
    %swap3A_426 = tpu.vector_load %swap3A_424[%swap3A_425] {strides = array<i32>} : memref<10416xf32, #tpu.memory_space<vmem>>, vector<16xf32>,
    %swap3A_427 = vector.shape_cast %swap3A_426 : vector<16xf32> to vector<16xf32>
    %swap3A_428 = vector.shape_cast %mul3A_422 : vector<16xf32> to vector<16xf32>
    tpu.vector_store %swap3A_424[%swap3A_425], %swap3A_428 {strides = array<i32>} : memref<10416xf32, #tpu.memory_space<vmem>>, vector<16xf32>,
    %scan3A_429 = arith.constant 0 : i32
    %scan3A_430 = arith.constant 650 : i32
    %scan3A_431 = arith.addi %scan3A_381, %scan3A_430 : i32
    %mul3A_432 = arith.constant 16 : i32
    %mul3A_433 = arith.muli %scan3A_431, %mul3A_432 : i32
    %get3A_434 = arith.constant 0 : i32
    %get3A_435 = tpu.memref_slice %arg7[%get3A_434] : memref<25600xf32, #tpu.memory_space<vmem>> -> memref<10416xf32, #tpu.memory_space<vmem>>
    %get3A_436 = arith.index_cast %mul3A_433 : i32 to index
    %get3A_437 = tpu.vector_load %get3A_435[%get3A_436] {strides = array<i32>} : memref<10416xf32, #tpu.memory_space<vmem>>, vector<16xf32>,
    %get3A_438 = vector.shape_cast %get3A_437 : vector<16xf32> to vector<16xf32>
    %get3A_439 = arith.constant 12800 : i32
    %get3A_440 = tpu.memref_slice %arg7[%get3A_439] : memref<25600xf32, #tpu.memory_space<vmem>> -> memref<10416xf32, #tpu.memory_space<vmem>>
    %get3A_441 = arith.index_cast %mul3A_433 : i32 to index
    %get3A_442 = tpu.vector_load %get3A_440[%get3A_441] {strides = array<i32>} : memref<10416xf32, #tpu.memory_space<vmem>>, vector<16xf32>,
    %get3A_443 = vector.shape_cast %get3A_442 : vector<16xf32> to vector<16xf32>
    %mul3A_444 = arith.mulf %get3A_438, %get3A_443 : vector<16xf32>
    %swap3A_445 = arith.constant 0 : i32
    %swap3A_446 = tpu.memref_slice %arg7[%swap3A_445] : memref<25600xf32, #tpu.memory_space<vmem>> -> memref<10416xf32, #tpu.memory_space<vmem>>
    %swap3A_447 = arith.index_cast %mul3A_433 : i32 to index
    %swap3A_448 = tpu.vector_load %swap3A_446[%swap3A_447] {strides = array<i32>} : memref<10416xf32, #tpu.memory_space<vmem>>, vector<16xf32>,
    %swap3A_449 = vector.shape_cast %swap3A_448 : vector<16xf32> to vector<16xf32>
    %swap3A_450 = vector.shape_cast %mul3A_444 : vector<16xf32> to vector<16xf32>
    tpu.vector_store %swap3A_446[%swap3A_447], %swap3A_450 {strides = array<i32>} : memref<10416xf32, #tpu.memory_space<vmem>>, vector<16xf32>,
    %scan3A_451 = arith.constant 0 : i32
    %scan3A_452 = arith.constant 651 : i32
    "tpu.region"() ({
      %run_scoped3A = tpu.sem_alloc : memref<!tpu.dma_semaphore, #tpu.memory_space<semaphore_mem>>
      %dma_start3A_460 = arith.constant 0 : i32
      %dma_start3A_461 = tpu.memref_slice %arg7[%dma_start3A_460] : memref<25600xf32, #tpu.memory_space<vmem>> -> memref<10416xf32, #tpu.memory_space<vmem>>
      %dma_start3A_462 = tpu.memref_slice %arg8[%add3A_379] : memref<1000064xf32, #tpu.memory_space<vmem_shared>> -> memref<10416xf32, #tpu.memory_space<vmem_shared>>
      %dma_start3A_463 = tpu.memref_slice %arg8[%add3A_379] : memref<1000064xf32, #tpu.memory_space<vmem_shared>> -> memref<10416xf32, #tpu.memory_space<vmem_shared>>
      %dma_start3A_464 = arith.constant 0 : i32
      %dma_start3A_465 = tpu.memref_slice %arg7[%dma_start3A_464] : memref<25600xf32, #tpu.memory_space<vmem>> -> memref<10416xf32, #tpu.memory_space<vmem>>
      tpu.enqueue_dma source(%dma_start3A_465 : memref<10416xf32, #tpu.memory_space<vmem>>) target(%dma_start3A_463 : memref<10416xf32, #tpu.memory_space<vmem_shared>>) target_semaphore(%run_scoped3A : memref<!tpu.dma_semaphore, #tpu.memory_space<semaphore_mem>>)
      %dma_wait3A_466 = arith.constant 0 : i32
      %dma_wait3A_467 = tpu.memref_slice %arg7[%dma_wait3A_466] : memref<25600xf32, #tpu.memory_space<vmem>> -> memref<10416xf32, #tpu.memory_space<vmem>>
      %dma_wait3A_468 = tpu.memref_slice %arg8[%add3A_379] : memref<1000064xf32, #tpu.memory_space<vmem_shared>> -> memref<10416xf32, #tpu.memory_space<vmem_shared>>
      %dma_wait3A_469 = tpu.memref_slice %arg8[%add3A_379] : memref<1000064xf32, #tpu.memory_space<vmem_shared>> -> memref<10416xf32, #tpu.memory_space<vmem_shared>>
      %dma_wait3A_470 = arith.constant 0 : i32
      %dma_wait3A_471 = tpu.memref_slice %arg7[%dma_wait3A_470] : memref<25600xf32, #tpu.memory_space<vmem>> -> memref<10416xf32, #tpu.memory_space<vmem>>
      tpu.wait_dma2 semaphore(%run_scoped3A : memref<!tpu.dma_semaphore, #tpu.memory_space<semaphore_mem>>) src(%dma_wait3A_471 : memref<10416xf32, #tpu.memory_space<vmem>>) dst(%dma_wait3A_469 : memref<10416xf32, #tpu.memory_space<vmem_shared>>)
      tpu.yield
    }) : () -> ()
    %eq3A = arith.constant 15 : i32
    %eq3A_453 = arith.cmpi eq, %arg1, %eq3A : i32
    %convert_element_type3A = arith.extui %eq3A_453 : i1 to i32
    %cond3A = arith.constant 0 : i32
    %cond3A_454 = arith.cmpi ne, %convert_element_type3A, %cond3A : i32
    scf.if %cond3A_454 {
      "tpu.region"() ({
        %run_scoped3A = tpu.sem_alloc : memref<!tpu.dma_semaphore, #tpu.memory_space<semaphore_mem>>
        %dma_start3A_678 = arith.constant 0 : i32
        %dma_start3A_679 = tpu.memref_slice %arg7[%dma_start3A_678] : memref<25600xf32, #tpu.memory_space<vmem>> -> memref<10416xf32, #tpu.memory_space<vmem>>
        %dma_start3A_680 = arith.constant 0 : i32
        %dma_start3A_681 = tpu.memref_slice %dma_start3A_679[%dma_start3A_680] : memref<10416xf32, #tpu.memory_space<vmem>> -> memref<128xf32, #tpu.memory_space<vmem>>
        %dma_start3A_682 = arith.constant 999936 : i32
        %dma_start3A_683 = tpu.memref_slice %arg3[%dma_start3A_682] : memref<1048576xf32, #tpu.memory_space<hbm>> -> memref<128xf32, #tpu.memory_space<hbm>>
        %dma_start3A_684 = arith.constant 0 : i32
        %dma_start3A_685 = tpu.memref_slice %arg7[%dma_start3A_684] : memref<25600xf32, #tpu.memory_space<vmem>> -> memref<10416xf32, #tpu.memory_space<vmem>>
        %dma_start3A_686 = arith.constant 0 : i32
        %dma_start3A_687 = tpu.memref_slice %dma_start3A_685[%dma_start3A_686] : memref<10416xf32, #tpu.memory_space<vmem>> -> memref<128xf32, #tpu.memory_space<vmem>>
        %dma_start3A_688 = arith.constant 999936 : i32
        %dma_start3A_689 = tpu.memref_slice %arg3[%dma_start3A_688] : memref<1048576xf32, #tpu.memory_space<hbm>> -> memref<128xf32, #tpu.memory_space<hbm>>
        tpu.enqueue_dma source(%dma_start3A_689 : memref<128xf32, #tpu.memory_space<hbm>>) target(%dma_start3A_687 : memref<128xf32, #tpu.memory_space<vmem>>) target_semaphore(%run_scoped3A : memref<!tpu.dma_semaphore, #tpu.memory_space<semaphore_mem>>)
        %dma_wait3A_690 = arith.constant 0 : i32
        %dma_wait3A_691 = tpu.memref_slice %arg7[%dma_wait3A_690] : memref<25600xf32, #tpu.memory_space<vmem>> -> memref<10416xf32, #tpu.memory_space<vmem>>
        %dma_wait3A_692 = arith.constant 0 : i32
        %dma_wait3A_693 = tpu.memref_slice %dma_wait3A_691[%dma_wait3A_692] : memref<10416xf32, #tpu.memory_space<vmem>> -> memref<128xf32, #tpu.memory_space<vmem>>
        %dma_wait3A_694 = arith.constant 999936 : i32
        %dma_wait3A_695 = tpu.memref_slice %arg3[%dma_wait3A_694] : memref<1048576xf32, #tpu.memory_space<hbm>> -> memref<128xf32, #tpu.memory_space<hbm>>
        %dma_wait3A_696 = arith.constant 0 : i32
        %dma_wait3A_697 = tpu.memref_slice %arg7[%dma_wait3A_696] : memref<25600xf32, #tpu.memory_space<vmem>> -> memref<10416xf32, #tpu.memory_space<vmem>>
        %dma_wait3A_698 = arith.constant 0 : i32
        %dma_wait3A_699 = tpu.memref_slice %dma_wait3A_697[%dma_wait3A_698] : memref<10416xf32, #tpu.memory_space<vmem>> -> memref<128xf32, #tpu.memory_space<vmem>>
        %dma_wait3A_700 = arith.constant 999936 : i32
        %dma_wait3A_701 = tpu.memref_slice %arg3[%dma_wait3A_700] : memref<1048576xf32, #tpu.memory_space<hbm>> -> memref<128xf32, #tpu.memory_space<hbm>>
        tpu.wait_dma2 semaphore(%run_scoped3A : memref<!tpu.dma_semaphore, #tpu.memory_space<semaphore_mem>>) src(%dma_wait3A_701 : memref<128xf32, #tpu.memory_space<hbm>>) dst(%dma_wait3A_699 : memref<128xf32, #tpu.memory_space<vmem>>)
        tpu.yield
      }) : () -> ()
      "tpu.region"() ({
        %run_scoped3A = tpu.sem_alloc : memref<!tpu.dma_semaphore, #tpu.memory_space<semaphore_mem>>
        %dma_start3A_678 = arith.constant 12800 : i32
        %dma_start3A_679 = tpu.memref_slice %arg7[%dma_start3A_678] : memref<25600xf32, #tpu.memory_space<vmem>> -> memref<10416xf32, #tpu.memory_space<vmem>>
        %dma_start3A_680 = arith.constant 0 : i32
        %dma_start3A_681 = tpu.memref_slice %dma_start3A_679[%dma_start3A_680] : memref<10416xf32, #tpu.memory_space<vmem>> -> memref<128xf32, #tpu.memory_space<vmem>>
        %dma_start3A_682 = arith.constant 999936 : i32
        %dma_start3A_683 = tpu.memref_slice %arg4[%dma_start3A_682] : memref<1048576xf32, #tpu.memory_space<hbm>> -> memref<128xf32, #tpu.memory_space<hbm>>
        %dma_start3A_684 = arith.constant 12800 : i32
        %dma_start3A_685 = tpu.memref_slice %arg7[%dma_start3A_684] : memref<25600xf32, #tpu.memory_space<vmem>> -> memref<10416xf32, #tpu.memory_space<vmem>>
        %dma_start3A_686 = arith.constant 0 : i32
        %dma_start3A_687 = tpu.memref_slice %dma_start3A_685[%dma_start3A_686] : memref<10416xf32, #tpu.memory_space<vmem>> -> memref<128xf32, #tpu.memory_space<vmem>>
        %dma_start3A_688 = arith.constant 999936 : i32
        %dma_start3A_689 = tpu.memref_slice %arg4[%dma_start3A_688] : memref<1048576xf32, #tpu.memory_space<hbm>> -> memref<128xf32, #tpu.memory_space<hbm>>
        tpu.enqueue_dma source(%dma_start3A_689 : memref<128xf32, #tpu.memory_space<hbm>>) target(%dma_start3A_687 : memref<128xf32, #tpu.memory_space<vmem>>) target_semaphore(%run_scoped3A : memref<!tpu.dma_semaphore, #tpu.memory_space<semaphore_mem>>)
        %dma_wait3A_690 = arith.constant 12800 : i32
        %dma_wait3A_691 = tpu.memref_slice %arg7[%dma_wait3A_690] : memref<25600xf32, #tpu.memory_space<vmem>> -> memref<10416xf32, #tpu.memory_space<vmem>>
        %dma_wait3A_692 = arith.constant 0 : i32
        %dma_wait3A_693 = tpu.memref_slice %dma_wait3A_691[%dma_wait3A_692] : memref<10416xf32, #tpu.memory_space<vmem>> -> memref<128xf32, #tpu.memory_space<vmem>>
        %dma_wait3A_694 = arith.constant 999936 : i32
        %dma_wait3A_695 = tpu.memref_slice %arg4[%dma_wait3A_694] : memref<1048576xf32, #tpu.memory_space<hbm>> -> memref<128xf32, #tpu.memory_space<hbm>>
        %dma_wait3A_696 = arith.constant 12800 : i32
        %dma_wait3A_697 = tpu.memref_slice %arg7[%dma_wait3A_696] : memref<25600xf32, #tpu.memory_space<vmem>> -> memref<10416xf32, #tpu.memory_space<vmem>>
        %dma_wait3A_698 = arith.constant 0 : i32
        %dma_wait3A_699 = tpu.memref_slice %dma_wait3A_697[%dma_wait3A_698] : memref<10416xf32, #tpu.memory_space<vmem>> -> memref<128xf32, #tpu.memory_space<vmem>>
        %dma_wait3A_700 = arith.constant 999936 : i32
        %dma_wait3A_701 = tpu.memref_slice %arg4[%dma_wait3A_700] : memref<1048576xf32, #tpu.memory_space<hbm>> -> memref<128xf32, #tpu.memory_space<hbm>>
        tpu.wait_dma2 semaphore(%run_scoped3A : memref<!tpu.dma_semaphore, #tpu.memory_space<semaphore_mem>>) src(%dma_wait3A_701 : memref<128xf32, #tpu.memory_space<hbm>>) dst(%dma_wait3A_699 : memref<128xf32, #tpu.memory_space<vmem>>)
        tpu.yield
      }) : () -> ()
      %scan3A_460 = arith.constant 0 : i32
      %scan3A_461 = arith.constant 0 : i32
      %mul3A_462 = arith.constant 16 : i32
      %mul3A_463 = arith.muli %scan3A_461, %mul3A_462 : i32
      %get3A_464 = arith.constant 0 : i32
      %get3A_465 = tpu.memref_slice %arg7[%get3A_464] : memref<25600xf32, #tpu.memory_space<vmem>> -> memref<10416xf32, #tpu.memory_space<vmem>>
      %get3A_466 = arith.constant 0 : i32
      %get3A_467 = tpu.memref_slice %get3A_465[%get3A_466] : memref<10416xf32, #tpu.memory_space<vmem>> -> memref<128xf32, #tpu.memory_space<vmem>>
      %get3A_468 = arith.index_cast %mul3A_463 : i32 to index
      %get3A_469 = tpu.vector_load %get3A_467[%get3A_468] {strides = array<i32>} : memref<128xf32, #tpu.memory_space<vmem>>, vector<16xf32>,
      %get3A_470 = vector.shape_cast %get3A_469 : vector<16xf32> to vector<16xf32>
      %get3A_471 = arith.constant 12800 : i32
      %get3A_472 = tpu.memref_slice %arg7[%get3A_471] : memref<25600xf32, #tpu.memory_space<vmem>> -> memref<10416xf32, #tpu.memory_space<vmem>>
      %get3A_473 = arith.constant 0 : i32
      %get3A_474 = tpu.memref_slice %get3A_472[%get3A_473] : memref<10416xf32, #tpu.memory_space<vmem>> -> memref<128xf32, #tpu.memory_space<vmem>>
      %get3A_475 = arith.index_cast %mul3A_463 : i32 to index
      %get3A_476 = tpu.vector_load %get3A_474[%get3A_475] {strides = array<i32>} : memref<128xf32, #tpu.memory_space<vmem>>, vector<16xf32>,
      %get3A_477 = vector.shape_cast %get3A_476 : vector<16xf32> to vector<16xf32>
      %mul3A_478 = arith.mulf %get3A_470, %get3A_477 : vector<16xf32>
      %swap3A_479 = arith.constant 0 : i32
      %swap3A_480 = tpu.memref_slice %arg7[%swap3A_479] : memref<25600xf32, #tpu.memory_space<vmem>> -> memref<10416xf32, #tpu.memory_space<vmem>>
      %swap3A_481 = arith.constant 0 : i32
      %swap3A_482 = tpu.memref_slice %swap3A_480[%swap3A_481] : memref<10416xf32, #tpu.memory_space<vmem>> -> memref<128xf32, #tpu.memory_space<vmem>>
      %swap3A_483 = arith.index_cast %mul3A_463 : i32 to index
      %swap3A_484 = tpu.vector_load %swap3A_482[%swap3A_483] {strides = array<i32>} : memref<128xf32, #tpu.memory_space<vmem>>, vector<16xf32>,
      %swap3A_485 = vector.shape_cast %swap3A_484 : vector<16xf32> to vector<16xf32>
      %swap3A_486 = vector.shape_cast %mul3A_478 : vector<16xf32> to vector<16xf32>
      tpu.vector_store %swap3A_482[%swap3A_483], %swap3A_486 {strides = array<i32>} : memref<128xf32, #tpu.memory_space<vmem>>, vector<16xf32>,
      %scan3A_487 = arith.constant 0 : i32
      %scan3A_488 = arith.constant 1 : i32
      %mul3A_489 = arith.constant 16 : i32
      %mul3A_490 = arith.muli %scan3A_488, %mul3A_489 : i32
      %get3A_491 = arith.constant 0 : i32
      %get3A_492 = tpu.memref_slice %arg7[%get3A_491] : memref<25600xf32, #tpu.memory_space<vmem>> -> memref<10416xf32, #tpu.memory_space<vmem>>
      %get3A_493 = arith.constant 0 : i32
      %get3A_494 = tpu.memref_slice %get3A_492[%get3A_493] : memref<10416xf32, #tpu.memory_space<vmem>> -> memref<128xf32, #tpu.memory_space<vmem>>
      %get3A_495 = arith.index_cast %mul3A_490 : i32 to index
      %get3A_496 = tpu.vector_load %get3A_494[%get3A_495] {strides = array<i32>} : memref<128xf32, #tpu.memory_space<vmem>>, vector<16xf32>,
      %get3A_497 = vector.shape_cast %get3A_496 : vector<16xf32> to vector<16xf32>
      %get3A_498 = arith.constant 12800 : i32
      %get3A_499 = tpu.memref_slice %arg7[%get3A_498] : memref<25600xf32, #tpu.memory_space<vmem>> -> memref<10416xf32, #tpu.memory_space<vmem>>
      %get3A_500 = arith.constant 0 : i32
      %get3A_501 = tpu.memref_slice %get3A_499[%get3A_500] : memref<10416xf32, #tpu.memory_space<vmem>> -> memref<128xf32, #tpu.memory_space<vmem>>
      %get3A_502 = arith.index_cast %mul3A_490 : i32 to index
      %get3A_503 = tpu.vector_load %get3A_501[%get3A_502] {strides = array<i32>} : memref<128xf32, #tpu.memory_space<vmem>>, vector<16xf32>,
      %get3A_504 = vector.shape_cast %get3A_503 : vector<16xf32> to vector<16xf32>
      %mul3A_505 = arith.mulf %get3A_497, %get3A_504 : vector<16xf32>
      %swap3A_506 = arith.constant 0 : i32
      %swap3A_507 = tpu.memref_slice %arg7[%swap3A_506] : memref<25600xf32, #tpu.memory_space<vmem>> -> memref<10416xf32, #tpu.memory_space<vmem>>
      %swap3A_508 = arith.constant 0 : i32
      %swap3A_509 = tpu.memref_slice %swap3A_507[%swap3A_508] : memref<10416xf32, #tpu.memory_space<vmem>> -> memref<128xf32, #tpu.memory_space<vmem>>
      %swap3A_510 = arith.index_cast %mul3A_490 : i32 to index
      %swap3A_511 = tpu.vector_load %swap3A_509[%swap3A_510] {strides = array<i32>} : memref<128xf32, #tpu.memory_space<vmem>>, vector<16xf32>,
      %swap3A_512 = vector.shape_cast %swap3A_511 : vector<16xf32> to vector<16xf32>
      %swap3A_513 = vector.shape_cast %mul3A_505 : vector<16xf32> to vector<16xf32>
      tpu.vector_store %swap3A_509[%swap3A_510], %swap3A_513 {strides = array<i32>} : memref<128xf32, #tpu.memory_space<vmem>>, vector<16xf32>,
      %scan3A_514 = arith.constant 0 : i32
      %scan3A_515 = arith.constant 2 : i32
      %mul3A_516 = arith.constant 16 : i32
      %mul3A_517 = arith.muli %scan3A_515, %mul3A_516 : i32
      %get3A_518 = arith.constant 0 : i32
      %get3A_519 = tpu.memref_slice %arg7[%get3A_518] : memref<25600xf32, #tpu.memory_space<vmem>> -> memref<10416xf32, #tpu.memory_space<vmem>>
      %get3A_520 = arith.constant 0 : i32
      %get3A_521 = tpu.memref_slice %get3A_519[%get3A_520] : memref<10416xf32, #tpu.memory_space<vmem>> -> memref<128xf32, #tpu.memory_space<vmem>>
      %get3A_522 = arith.index_cast %mul3A_517 : i32 to index
      %get3A_523 = tpu.vector_load %get3A_521[%get3A_522] {strides = array<i32>} : memref<128xf32, #tpu.memory_space<vmem>>, vector<16xf32>,
      %get3A_524 = vector.shape_cast %get3A_523 : vector<16xf32> to vector<16xf32>
      %get3A_525 = arith.constant 12800 : i32
      %get3A_526 = tpu.memref_slice %arg7[%get3A_525] : memref<25600xf32, #tpu.memory_space<vmem>> -> memref<10416xf32, #tpu.memory_space<vmem>>
      %get3A_527 = arith.constant 0 : i32
      %get3A_528 = tpu.memref_slice %get3A_526[%get3A_527] : memref<10416xf32, #tpu.memory_space<vmem>> -> memref<128xf32, #tpu.memory_space<vmem>>
      %get3A_529 = arith.index_cast %mul3A_517 : i32 to index
      %get3A_530 = tpu.vector_load %get3A_528[%get3A_529] {strides = array<i32>} : memref<128xf32, #tpu.memory_space<vmem>>, vector<16xf32>,
      %get3A_531 = vector.shape_cast %get3A_530 : vector<16xf32> to vector<16xf32>
      %mul3A_532 = arith.mulf %get3A_524, %get3A_531 : vector<16xf32>
      %swap3A_533 = arith.constant 0 : i32
      %swap3A_534 = tpu.memref_slice %arg7[%swap3A_533] : memref<25600xf32, #tpu.memory_space<vmem>> -> memref<10416xf32, #tpu.memory_space<vmem>>
      %swap3A_535 = arith.constant 0 : i32
      %swap3A_536 = tpu.memref_slice %swap3A_534[%swap3A_535] : memref<10416xf32, #tpu.memory_space<vmem>> -> memref<128xf32, #tpu.memory_space<vmem>>
      %swap3A_537 = arith.index_cast %mul3A_517 : i32 to index
      %swap3A_538 = tpu.vector_load %swap3A_536[%swap3A_537] {strides = array<i32>} : memref<128xf32, #tpu.memory_space<vmem>>, vector<16xf32>,
      %swap3A_539 = vector.shape_cast %swap3A_538 : vector<16xf32> to vector<16xf32>
      %swap3A_540 = vector.shape_cast %mul3A_532 : vector<16xf32> to vector<16xf32>
      tpu.vector_store %swap3A_536[%swap3A_537], %swap3A_540 {strides = array<i32>} : memref<128xf32, #tpu.memory_space<vmem>>, vector<16xf32>,
      %scan3A_541 = arith.constant 0 : i32
      %scan3A_542 = arith.constant 3 : i32
      %mul3A_543 = arith.constant 16 : i32
      %mul3A_544 = arith.muli %scan3A_542, %mul3A_543 : i32
      %get3A_545 = arith.constant 0 : i32
      %get3A_546 = tpu.memref_slice %arg7[%get3A_545] : memref<25600xf32, #tpu.memory_space<vmem>> -> memref<10416xf32, #tpu.memory_space<vmem>>
      %get3A_547 = arith.constant 0 : i32
      %get3A_548 = tpu.memref_slice %get3A_546[%get3A_547] : memref<10416xf32, #tpu.memory_space<vmem>> -> memref<128xf32, #tpu.memory_space<vmem>>
      %get3A_549 = arith.index_cast %mul3A_544 : i32 to index
      %get3A_550 = tpu.vector_load %get3A_548[%get3A_549] {strides = array<i32>} : memref<128xf32, #tpu.memory_space<vmem>>, vector<16xf32>,
      %get3A_551 = vector.shape_cast %get3A_550 : vector<16xf32> to vector<16xf32>
      %get3A_552 = arith.constant 12800 : i32
      %get3A_553 = tpu.memref_slice %arg7[%get3A_552] : memref<25600xf32, #tpu.memory_space<vmem>> -> memref<10416xf32, #tpu.memory_space<vmem>>
      %get3A_554 = arith.constant 0 : i32
      %get3A_555 = tpu.memref_slice %get3A_553[%get3A_554] : memref<10416xf32, #tpu.memory_space<vmem>> -> memref<128xf32, #tpu.memory_space<vmem>>
      %get3A_556 = arith.index_cast %mul3A_544 : i32 to index
      %get3A_557 = tpu.vector_load %get3A_555[%get3A_556] {strides = array<i32>} : memref<128xf32, #tpu.memory_space<vmem>>, vector<16xf32>,
      %get3A_558 = vector.shape_cast %get3A_557 : vector<16xf32> to vector<16xf32>
      %mul3A_559 = arith.mulf %get3A_551, %get3A_558 : vector<16xf32>
      %swap3A_560 = arith.constant 0 : i32
      %swap3A_561 = tpu.memref_slice %arg7[%swap3A_560] : memref<25600xf32, #tpu.memory_space<vmem>> -> memref<10416xf32, #tpu.memory_space<vmem>>
      %swap3A_562 = arith.constant 0 : i32
      %swap3A_563 = tpu.memref_slice %swap3A_561[%swap3A_562] : memref<10416xf32, #tpu.memory_space<vmem>> -> memref<128xf32, #tpu.memory_space<vmem>>
      %swap3A_564 = arith.index_cast %mul3A_544 : i32 to index
      %swap3A_565 = tpu.vector_load %swap3A_563[%swap3A_564] {strides = array<i32>} : memref<128xf32, #tpu.memory_space<vmem>>, vector<16xf32>,
      %swap3A_566 = vector.shape_cast %swap3A_565 : vector<16xf32> to vector<16xf32>
      %swap3A_567 = vector.shape_cast %mul3A_559 : vector<16xf32> to vector<16xf32>
      tpu.vector_store %swap3A_563[%swap3A_564], %swap3A_567 {strides = array<i32>} : memref<128xf32, #tpu.memory_space<vmem>>, vector<16xf32>,
      %scan3A_568 = arith.constant 0 : i32
      %scan3A_569 = arith.constant 4 : i32
      %mul3A_570 = arith.constant 16 : i32
      %mul3A_571 = arith.muli %scan3A_569, %mul3A_570 : i32
      %get3A_572 = arith.constant 0 : i32
      %get3A_573 = tpu.memref_slice %arg7[%get3A_572] : memref<25600xf32, #tpu.memory_space<vmem>> -> memref<10416xf32, #tpu.memory_space<vmem>>
      %get3A_574 = arith.constant 0 : i32
      %get3A_575 = tpu.memref_slice %get3A_573[%get3A_574] : memref<10416xf32, #tpu.memory_space<vmem>> -> memref<128xf32, #tpu.memory_space<vmem>>
      %get3A_576 = arith.index_cast %mul3A_571 : i32 to index
      %get3A_577 = tpu.vector_load %get3A_575[%get3A_576] {strides = array<i32>} : memref<128xf32, #tpu.memory_space<vmem>>, vector<16xf32>,
      %get3A_578 = vector.shape_cast %get3A_577 : vector<16xf32> to vector<16xf32>
      %get3A_579 = arith.constant 12800 : i32
      %get3A_580 = tpu.memref_slice %arg7[%get3A_579] : memref<25600xf32, #tpu.memory_space<vmem>> -> memref<10416xf32, #tpu.memory_space<vmem>>
      %get3A_581 = arith.constant 0 : i32
      %get3A_582 = tpu.memref_slice %get3A_580[%get3A_581] : memref<10416xf32, #tpu.memory_space<vmem>> -> memref<128xf32, #tpu.memory_space<vmem>>
      %get3A_583 = arith.index_cast %mul3A_571 : i32 to index
      %get3A_584 = tpu.vector_load %get3A_582[%get3A_583] {strides = array<i32>} : memref<128xf32, #tpu.memory_space<vmem>>, vector<16xf32>,
      %get3A_585 = vector.shape_cast %get3A_584 : vector<16xf32> to vector<16xf32>
      %mul3A_586 = arith.mulf %get3A_578, %get3A_585 : vector<16xf32>
      %swap3A_587 = arith.constant 0 : i32
      %swap3A_588 = tpu.memref_slice %arg7[%swap3A_587] : memref<25600xf32, #tpu.memory_space<vmem>> -> memref<10416xf32, #tpu.memory_space<vmem>>
      %swap3A_589 = arith.constant 0 : i32
      %swap3A_590 = tpu.memref_slice %swap3A_588[%swap3A_589] : memref<10416xf32, #tpu.memory_space<vmem>> -> memref<128xf32, #tpu.memory_space<vmem>>
      %swap3A_591 = arith.index_cast %mul3A_571 : i32 to index
      %swap3A_592 = tpu.vector_load %swap3A_590[%swap3A_591] {strides = array<i32>} : memref<128xf32, #tpu.memory_space<vmem>>, vector<16xf32>,
      %swap3A_593 = vector.shape_cast %swap3A_592 : vector<16xf32> to vector<16xf32>
      %swap3A_594 = vector.shape_cast %mul3A_586 : vector<16xf32> to vector<16xf32>
      tpu.vector_store %swap3A_590[%swap3A_591], %swap3A_594 {strides = array<i32>} : memref<128xf32, #tpu.memory_space<vmem>>, vector<16xf32>,
      %scan3A_595 = arith.constant 0 : i32
      %scan3A_596 = arith.constant 5 : i32
      %mul3A_597 = arith.constant 16 : i32
      %mul3A_598 = arith.muli %scan3A_596, %mul3A_597 : i32
      %get3A_599 = arith.constant 0 : i32
      %get3A_600 = tpu.memref_slice %arg7[%get3A_599] : memref<25600xf32, #tpu.memory_space<vmem>> -> memref<10416xf32, #tpu.memory_space<vmem>>
      %get3A_601 = arith.constant 0 : i32
      %get3A_602 = tpu.memref_slice %get3A_600[%get3A_601] : memref<10416xf32, #tpu.memory_space<vmem>> -> memref<128xf32, #tpu.memory_space<vmem>>
      %get3A_603 = arith.index_cast %mul3A_598 : i32 to index
      %get3A_604 = tpu.vector_load %get3A_602[%get3A_603] {strides = array<i32>} : memref<128xf32, #tpu.memory_space<vmem>>, vector<16xf32>,
      %get3A_605 = vector.shape_cast %get3A_604 : vector<16xf32> to vector<16xf32>
      %get3A_606 = arith.constant 12800 : i32
      %get3A_607 = tpu.memref_slice %arg7[%get3A_606] : memref<25600xf32, #tpu.memory_space<vmem>> -> memref<10416xf32, #tpu.memory_space<vmem>>
      %get3A_608 = arith.constant 0 : i32
      %get3A_609 = tpu.memref_slice %get3A_607[%get3A_608] : memref<10416xf32, #tpu.memory_space<vmem>> -> memref<128xf32, #tpu.memory_space<vmem>>
      %get3A_610 = arith.index_cast %mul3A_598 : i32 to index
      %get3A_611 = tpu.vector_load %get3A_609[%get3A_610] {strides = array<i32>} : memref<128xf32, #tpu.memory_space<vmem>>, vector<16xf32>,
      %get3A_612 = vector.shape_cast %get3A_611 : vector<16xf32> to vector<16xf32>
      %mul3A_613 = arith.mulf %get3A_605, %get3A_612 : vector<16xf32>
      %swap3A_614 = arith.constant 0 : i32
      %swap3A_615 = tpu.memref_slice %arg7[%swap3A_614] : memref<25600xf32, #tpu.memory_space<vmem>> -> memref<10416xf32, #tpu.memory_space<vmem>>
      %swap3A_616 = arith.constant 0 : i32
      %swap3A_617 = tpu.memref_slice %swap3A_615[%swap3A_616] : memref<10416xf32, #tpu.memory_space<vmem>> -> memref<128xf32, #tpu.memory_space<vmem>>
      %swap3A_618 = arith.index_cast %mul3A_598 : i32 to index
      %swap3A_619 = tpu.vector_load %swap3A_617[%swap3A_618] {strides = array<i32>} : memref<128xf32, #tpu.memory_space<vmem>>, vector<16xf32>,
      %swap3A_620 = vector.shape_cast %swap3A_619 : vector<16xf32> to vector<16xf32>
      %swap3A_621 = vector.shape_cast %mul3A_613 : vector<16xf32> to vector<16xf32>
      tpu.vector_store %swap3A_617[%swap3A_618], %swap3A_621 {strides = array<i32>} : memref<128xf32, #tpu.memory_space<vmem>>, vector<16xf32>,
      %scan3A_622 = arith.constant 0 : i32
      %scan3A_623 = arith.constant 6 : i32
      %mul3A_624 = arith.constant 16 : i32
      %mul3A_625 = arith.muli %scan3A_623, %mul3A_624 : i32
      %get3A_626 = arith.constant 0 : i32
      %get3A_627 = tpu.memref_slice %arg7[%get3A_626] : memref<25600xf32, #tpu.memory_space<vmem>> -> memref<10416xf32, #tpu.memory_space<vmem>>
      %get3A_628 = arith.constant 0 : i32
      %get3A_629 = tpu.memref_slice %get3A_627[%get3A_628] : memref<10416xf32, #tpu.memory_space<vmem>> -> memref<128xf32, #tpu.memory_space<vmem>>
      %get3A_630 = arith.index_cast %mul3A_625 : i32 to index
      %get3A_631 = tpu.vector_load %get3A_629[%get3A_630] {strides = array<i32>} : memref<128xf32, #tpu.memory_space<vmem>>, vector<16xf32>,
      %get3A_632 = vector.shape_cast %get3A_631 : vector<16xf32> to vector<16xf32>
      %get3A_633 = arith.constant 12800 : i32
      %get3A_634 = tpu.memref_slice %arg7[%get3A_633] : memref<25600xf32, #tpu.memory_space<vmem>> -> memref<10416xf32, #tpu.memory_space<vmem>>
      %get3A_635 = arith.constant 0 : i32
      %get3A_636 = tpu.memref_slice %get3A_634[%get3A_635] : memref<10416xf32, #tpu.memory_space<vmem>> -> memref<128xf32, #tpu.memory_space<vmem>>
      %get3A_637 = arith.index_cast %mul3A_625 : i32 to index
      %get3A_638 = tpu.vector_load %get3A_636[%get3A_637] {strides = array<i32>} : memref<128xf32, #tpu.memory_space<vmem>>, vector<16xf32>,
      %get3A_639 = vector.shape_cast %get3A_638 : vector<16xf32> to vector<16xf32>
      %mul3A_640 = arith.mulf %get3A_632, %get3A_639 : vector<16xf32>
      %swap3A_641 = arith.constant 0 : i32
      %swap3A_642 = tpu.memref_slice %arg7[%swap3A_641] : memref<25600xf32, #tpu.memory_space<vmem>> -> memref<10416xf32, #tpu.memory_space<vmem>>
      %swap3A_643 = arith.constant 0 : i32
      %swap3A_644 = tpu.memref_slice %swap3A_642[%swap3A_643] : memref<10416xf32, #tpu.memory_space<vmem>> -> memref<128xf32, #tpu.memory_space<vmem>>
      %swap3A_645 = arith.index_cast %mul3A_625 : i32 to index
      %swap3A_646 = tpu.vector_load %swap3A_644[%swap3A_645] {strides = array<i32>} : memref<128xf32, #tpu.memory_space<vmem>>, vector<16xf32>,
      %swap3A_647 = vector.shape_cast %swap3A_646 : vector<16xf32> to vector<16xf32>
      %swap3A_648 = vector.shape_cast %mul3A_640 : vector<16xf32> to vector<16xf32>
      tpu.vector_store %swap3A_644[%swap3A_645], %swap3A_648 {strides = array<i32>} : memref<128xf32, #tpu.memory_space<vmem>>, vector<16xf32>,
      %scan3A_649 = arith.constant 0 : i32
      %scan3A_650 = arith.constant 7 : i32
      %mul3A_651 = arith.constant 16 : i32
      %mul3A_652 = arith.muli %scan3A_650, %mul3A_651 : i32
      %get3A_653 = arith.constant 0 : i32
      %get3A_654 = tpu.memref_slice %arg7[%get3A_653] : memref<25600xf32, #tpu.memory_space<vmem>> -> memref<10416xf32, #tpu.memory_space<vmem>>
      %get3A_655 = arith.constant 0 : i32
      %get3A_656 = tpu.memref_slice %get3A_654[%get3A_655] : memref<10416xf32, #tpu.memory_space<vmem>> -> memref<128xf32, #tpu.memory_space<vmem>>
      %get3A_657 = arith.index_cast %mul3A_652 : i32 to index
      %get3A_658 = tpu.vector_load %get3A_656[%get3A_657] {strides = array<i32>} : memref<128xf32, #tpu.memory_space<vmem>>, vector<16xf32>,
      %get3A_659 = vector.shape_cast %get3A_658 : vector<16xf32> to vector<16xf32>
      %get3A_660 = arith.constant 12800 : i32
      %get3A_661 = tpu.memref_slice %arg7[%get3A_660] : memref<25600xf32, #tpu.memory_space<vmem>> -> memref<10416xf32, #tpu.memory_space<vmem>>
      %get3A_662 = arith.constant 0 : i32
      %get3A_663 = tpu.memref_slice %get3A_661[%get3A_662] : memref<10416xf32, #tpu.memory_space<vmem>> -> memref<128xf32, #tpu.memory_space<vmem>>
      %get3A_664 = arith.index_cast %mul3A_652 : i32 to index
      %get3A_665 = tpu.vector_load %get3A_663[%get3A_664] {strides = array<i32>} : memref<128xf32, #tpu.memory_space<vmem>>, vector<16xf32>,
      %get3A_666 = vector.shape_cast %get3A_665 : vector<16xf32> to vector<16xf32>
      %mul3A_667 = arith.mulf %get3A_659, %get3A_666 : vector<16xf32>
      %swap3A_668 = arith.constant 0 : i32
      %swap3A_669 = tpu.memref_slice %arg7[%swap3A_668] : memref<25600xf32, #tpu.memory_space<vmem>> -> memref<10416xf32, #tpu.memory_space<vmem>>
      %swap3A_670 = arith.constant 0 : i32
      %swap3A_671 = tpu.memref_slice %swap3A_669[%swap3A_670] : memref<10416xf32, #tpu.memory_space<vmem>> -> memref<128xf32, #tpu.memory_space<vmem>>
      %swap3A_672 = arith.index_cast %mul3A_652 : i32 to index
      %swap3A_673 = tpu.vector_load %swap3A_671[%swap3A_672] {strides = array<i32>} : memref<128xf32, #tpu.memory_space<vmem>>, vector<16xf32>,
      %swap3A_674 = vector.shape_cast %swap3A_673 : vector<16xf32> to vector<16xf32>
      %swap3A_675 = vector.shape_cast %mul3A_667 : vector<16xf32> to vector<16xf32>
      tpu.vector_store %swap3A_671[%swap3A_672], %swap3A_675 {strides = array<i32>} : memref<128xf32, #tpu.memory_space<vmem>>, vector<16xf32>,
      %scan3A_676 = arith.constant 0 : i32
      %scan3A_677 = arith.constant 8 : i32
      "tpu.region"() ({
        %run_scoped3A = tpu.sem_alloc : memref<!tpu.dma_semaphore, #tpu.memory_space<semaphore_mem>>
        %dma_start3A_678 = arith.constant 0 : i32
        %dma_start3A_679 = tpu.memref_slice %arg7[%dma_start3A_678] : memref<25600xf32, #tpu.memory_space<vmem>> -> memref<10416xf32, #tpu.memory_space<vmem>>
        %dma_start3A_680 = arith.constant 0 : i32
        %dma_start3A_681 = tpu.memref_slice %dma_start3A_679[%dma_start3A_680] : memref<10416xf32, #tpu.memory_space<vmem>> -> memref<128xf32, #tpu.memory_space<vmem>>
        %dma_start3A_682 = arith.constant 999936 : i32
        %dma_start3A_683 = tpu.memref_slice %arg8[%dma_start3A_682] : memref<1000064xf32, #tpu.memory_space<vmem_shared>> -> memref<128xf32, #tpu.memory_space<vmem_shared>>
        %dma_start3A_684 = arith.constant 999936 : i32
        %dma_start3A_685 = tpu.memref_slice %arg8[%dma_start3A_684] : memref<1000064xf32, #tpu.memory_space<vmem_shared>> -> memref<128xf32, #tpu.memory_space<vmem_shared>>
        %dma_start3A_686 = arith.constant 0 : i32
        %dma_start3A_687 = tpu.memref_slice %arg7[%dma_start3A_686] : memref<25600xf32, #tpu.memory_space<vmem>> -> memref<10416xf32, #tpu.memory_space<vmem>>
        %dma_start3A_688 = arith.constant 0 : i32
        %dma_start3A_689 = tpu.memref_slice %dma_start3A_687[%dma_start3A_688] : memref<10416xf32, #tpu.memory_space<vmem>> -> memref<128xf32, #tpu.memory_space<vmem>>
        tpu.enqueue_dma source(%dma_start3A_689 : memref<128xf32, #tpu.memory_space<vmem>>) target(%dma_start3A_685 : memref<128xf32, #tpu.memory_space<vmem_shared>>) target_semaphore(%run_scoped3A : memref<!tpu.dma_semaphore, #tpu.memory_space<semaphore_mem>>)
        %dma_wait3A_690 = arith.constant 0 : i32
        %dma_wait3A_691 = tpu.memref_slice %arg7[%dma_wait3A_690] : memref<25600xf32, #tpu.memory_space<vmem>> -> memref<10416xf32, #tpu.memory_space<vmem>>
        %dma_wait3A_692 = arith.constant 0 : i32
        %dma_wait3A_693 = tpu.memref_slice %dma_wait3A_691[%dma_wait3A_692] : memref<10416xf32, #tpu.memory_space<vmem>> -> memref<128xf32, #tpu.memory_space<vmem>>
        %dma_wait3A_694 = arith.constant 999936 : i32
        %dma_wait3A_695 = tpu.memref_slice %arg8[%dma_wait3A_694] : memref<1000064xf32, #tpu.memory_space<vmem_shared>> -> memref<128xf32, #tpu.memory_space<vmem_shared>>
        %dma_wait3A_696 = arith.constant 999936 : i32
        %dma_wait3A_697 = tpu.memref_slice %arg8[%dma_wait3A_696] : memref<1000064xf32, #tpu.memory_space<vmem_shared>> -> memref<128xf32, #tpu.memory_space<vmem_shared>>
        %dma_wait3A_698 = arith.constant 0 : i32
        %dma_wait3A_699 = tpu.memref_slice %arg7[%dma_wait3A_698] : memref<25600xf32, #tpu.memory_space<vmem>> -> memref<10416xf32, #tpu.memory_space<vmem>>
        %dma_wait3A_700 = arith.constant 0 : i32
        %dma_wait3A_701 = tpu.memref_slice %dma_wait3A_699[%dma_wait3A_700] : memref<10416xf32, #tpu.memory_space<vmem>> -> memref<128xf32, #tpu.memory_space<vmem>>
        tpu.wait_dma2 semaphore(%run_scoped3A : memref<!tpu.dma_semaphore, #tpu.memory_space<semaphore_mem>>) src(%dma_wait3A_701 : memref<128xf32, #tpu.memory_space<vmem>>) dst(%dma_wait3A_697 : memref<128xf32, #tpu.memory_space<vmem_shared>>)
        tpu.yield
      }) : () -> ()
    } else {
    }
    %barrier3A = arith.constant 0 : index
    tpu.barrier barrier_id(%barrier3A)
    %dma_wait3A = tpu.memref_slice %arg2[%mul3A_2] : memref<819200xi32, #tpu.memory_space<hbm>> -> memref<25600xi32, #tpu.memory_space<hbm>>
    %dma_wait3A_455 = tpu.memref_slice %arg2[%mul3A_2] : memref<819200xi32, #tpu.memory_space<hbm>> -> memref<25600xi32, #tpu.memory_space<hbm>>
    tpu.wait_dma2 semaphore(%arg10 : memref<!tpu.dma_semaphore, #tpu.memory_space<semaphore_mem>>) src(%dma_wait3A_455 : memref<25600xi32, #tpu.memory_space<hbm>>) dst(%arg6 : memref<25600xi32, #tpu.memory_space<vmem>>)
    %dma_start3A_456 = arith.constant 0 : i32
    %dma_start3A_457 = tpu.memref_slice %arg8[%dma_start3A_456] : memref<1000064xf32, #tpu.memory_space<vmem_shared>> -> memref<1000064xf32, #tpu.memory_space<vmem_shared>>
    tpu.enqueue_indirect_dma source(%dma_start3A_457 : memref<1000064xf32, #tpu.memory_space<vmem_shared>>) target(%arg7 : memref<25600xf32, #tpu.memory_space<vmem>>) offsets(%arg6 : memref<25600xi32, #tpu.memory_space<vmem>>) semaphore(%arg9 : memref<!tpu.dma_semaphore, #tpu.memory_space<semaphore_mem>>)
    %dma_wait3A_458 = arith.constant 0 : i32
    %dma_wait3A_459 = tpu.memref_slice %arg8[%dma_wait3A_458] : memref<1000064xf32, #tpu.memory_space<vmem_shared>> -> memref<1000064xf32, #tpu.memory_space<vmem_shared>>
    tpu.wait_indirect_dma semaphore(%arg9 : memref<!tpu.dma_semaphore, #tpu.memory_space<semaphore_mem>>) src(%dma_wait3A_459 : memref<1000064xf32, #tpu.memory_space<vmem_shared>>) dst(%arg7 : memref<25600xf32, #tpu.memory_space<vmem>>)
    "tpu.region"() ({
      %run_scoped3A = tpu.sem_alloc : memref<!tpu.dma_semaphore, #tpu.memory_space<semaphore_mem>>
      %dma_start3A_460 = tpu.memref_slice %arg5[%mul3A_2] : memref<819200xf32, #tpu.memory_space<hbm>> -> memref<25600xf32, #tpu.memory_space<hbm>>
      %dma_start3A_461 = tpu.memref_slice %arg5[%mul3A_2] : memref<819200xf32, #tpu.memory_space<hbm>> -> memref<25600xf32, #tpu.memory_space<hbm>>
      tpu.enqueue_dma source(%arg7 : memref<25600xf32, #tpu.memory_space<vmem>>) target(%dma_start3A_461 : memref<25600xf32, #tpu.memory_space<hbm>>) target_semaphore(%run_scoped3A : memref<!tpu.dma_semaphore, #tpu.memory_space<semaphore_mem>>)
      %dma_wait3A_462 = tpu.memref_slice %arg5[%mul3A_2] : memref<819200xf32, #tpu.memory_space<hbm>> -> memref<25600xf32, #tpu.memory_space<hbm>>
      %dma_wait3A_463 = tpu.memref_slice %arg5[%mul3A_2] : memref<819200xf32, #tpu.memory_space<hbm>> -> memref<25600xf32, #tpu.memory_space<hbm>>
      tpu.wait_dma2 semaphore(%run_scoped3A : memref<!tpu.dma_semaphore, #tpu.memory_space<semaphore_mem>>) src(%arg7 : memref<25600xf32, #tpu.memory_space<vmem>>) dst(%dma_wait3A_463 : memref<25600xf32, #tpu.memory_space<hbm>>)
      tpu.yield
    }) : () -> ()
    return
  }
}

</mosaic_0001>

<sc_bundles>
// kernel: _tfidf.3.cloned.1.call-start
scs
__scs_entry_jumppad:
0x0: {  	(pc) =	sbr.rel $0x88, $3  }
0x1: {  	(tag) =	ssettag $0x0;
	lr =	simm.s32 $0x1  }
0x2: {  	[smem:$0x3F9E] =	sst lr;
	_ =	strace $0xD0000000  }
0x3: {  	_ = 	snop  }
0x4: {  	_ = 	snop  }
0x5: {  	_ = 	snop  }
0x6: {  	_ = 	snop  }
0x7: {  	_ = 	snop  }
__scs_overlays_trampoline_lowered:
0x8: {  	[smem:$0x3FAD] =	sst s0  }
0x9: {  	[smem:$0x3FAE] =	sst s1  }
0xa: {  	[smem:$0x3FAF] =	sst s2  }
0xb: {  	[smem:$0x3FB0] =	sst s3  }
0xc: {  	[smem:$0x3FB1] =	sst s4  }
0xd: {  	[smem:$0x3FB2] =	sst s5  }
0xe: {  	[smem:$0x3FB3] =	sst s6  }
0xf: {  	[smem:$0x3FB4] =	sst s7  }
0x10: {  	[smem:$0x3FB5] =	sst s8  }
0x11: {  	[smem:$0x3FB6] =	sst s9;
	s0 =	simm.s32 @!p0 $0x0  }
0x12: {  	s1 =	sld [smem:$0x3F9C];
	s0 =	simm.s32 @p0 $0x1  }
0x13: {  	[smem:$0x3FB7] =	sst s0;
	s0 =	simm.s32 @!p1 $0x0  }
0x14: {  	s2 =	sld [smem:$0x3F9B];
	s0 =	simm.s32 @p1 $0x1  }
0x15: {  	[smem:$0x3FB8] =	sst s0;
	s0 =	simm.s32 @!p2 $0x0  }
0x16: {  	s3 =	sld [smem:$0x3FDB];
	s0 =	simm.s32 @p2 $0x1  }
0x17: {  	s4 =	simm.s32 $0x1BF5;
	[smem:$0x3FBA] =	sst s0  }
0x18: {  	s0 =	sld [smem:$0x3F9D];
	_ =	swait.ge [sflag:s4], $0x0  }
0x19: {  	s7 =	sld [smem:$0x3F9E]  }
0x1a: {  	s8 =	sadd.s32 $0xFFFFE003, lr  }
0x1b: {  	s9 =	sadd.s32 $0xFFFFFEF7, lr;
	s5 =	simm.s32 $0xFFFFFFFF;
	p2 =	slt.u32 s8, $0xFFFFF086  }
0x1c: {  	p1 =	slt.u32 s9, $0xF7A;
	s5 =	simm.s32 @!p2 $0x0  }
0x1d: {  	s5 =	simm.s32 @p1 $0x1;
	p0 =	seq.s32 s7, s2  }
0x1e: {  	s7 =	smul.u32 @!p0 $0xF7A, s2;
	p2 =	seq.s32 @!p0 s5, $0x0  }
0x1f: {  	s9 =	smul.u32 $0xF7A, s1;
	s8 =	simm.s32 @!p0 $0x1BF5;
	p2 =	por !p2, p0  }
0x20: {  	[sflag:s8] =	ssyncset.s32 @!p0 $0xFFFFF086;
	s6 =	sadd.s32 @!p0 s3, s7;
	s7 =	simm.s32 @!p0 $0x108  }
0x21: {  	s3 =	sadd.s32 s3, s9;
	s6 =	sadd.s32 @!p0 $0x88, s6;
	s7 =	simm.s32 @p2 $0x1082  }
0x22: {  	[simem:s7], [sflag:s8] =	dma.local @!p0 [hbm:s6], $0xF7A  }
0x23: {  	s9 =	sor.u32 $0xD0000000, s2;
	s6 =	simm.s32 $0x108;
	_ =	swait.ge @!p0 [sflag:s8], $0x0  }
0x24: {  	s3 =	sadd.s32 $0x88, s3;
	s6 =	simm.s32 @!p1 $0x1082;
	[sflag:s4] =	ssyncset.s32 $0xFFFFF086  }
0x25: {  	[simem:s6], [sflag:s4] =	dma.local [hbm:s3], $0xF7A  }
0x26: {  	[smem:$0x3F9E] =	sst s1;
	(tag) =	ssettag s2;
	_ =	strace s9  }
0x27: {  	s1 =	sld [smem:$0x3FAE]  }
0x28: {  	s2 =	sld [smem:$0x3FAF]  }
0x29: {  	s4 =	sld [smem:$0x3FB1]  }
0x2a: {  	p0 =	seq.s32 s5, $0x0;
	s5 =	sld [smem:$0x3FB2]  }
0x2b: {  	s6 =	sld [smem:$0x3FB3]  }
0x2c: {  	s7 =	sld [smem:$0x3FB4]  }
0x2d: {  	s3 =	simm.s32 $0x108;
	s8 =	sld [smem:$0x3FB5]  }
0x2e: {  	s3 =	simm.s32 @!p0 $0x1082;
	s9 =	sld [smem:$0x3FB6]  }
0x2f: {  	lr =	sadd.s32 s0, s3;
	s0 =	sld [smem:$0x3FAD]  }
0x30: {  	s3 =	sld [smem:$0x3FB0]  }
0x31: {  	[smem:$0x3FB9] =	sst s10  }
0x32: {  	s10 =	sld [smem:$0x3FB7];
	_ =	sdelay $0x3  }
0x33: {  	p0 =	seq.s32 s10, $0x1;
	s10 =	sld [smem:$0x3FB9];
	_ =	sdelay $0x3  }
0x34: {  	[smem:$0x3FB9] =	sst s10  }
0x35: {  	s10 =	sld [smem:$0x3FB8];
	_ =	sdelay $0x3  }
0x36: {  	p1 =	seq.s32 s10, $0x1;
	s10 =	sld [smem:$0x3FB9];
	_ =	sdelay $0x3  }
0x37: {  	[smem:$0x3FB9] =	sst s10  }
0x38: {  	s10 =	sld [smem:$0x3FBA]  }
0x39: {  	_ = 	snop;
	(pc) =	sbr.ind lr, $3  }
0x3a: {  	_ = 	snop  }
0x3b: {  	_ = 	snop  }
0x3c: {  	p2 =	seq.s32 s10, $0x1;
	s10 =	sld [smem:$0x3FB9]  }
0x3d: {  	_ =	shalt  }
0x3e: {  	_ =	shalt  }
0x3f: {  	_ =	shalt  }
0x40: {  	_ =	shalt  }
0x41: {  	_ =	shalt  }
0x42: {  	_ =	shalt  }
0x43: {  	_ =	shalt  }
0x44: {  	_ =	shalt  }
0x45: {  	_ =	shalt  }
0x46: {  	_ =	shalt  }
0x47: {  	_ =	shalt  }
0x48: {  	_ =	shalt  }
0x49: {  	_ =	shalt  }
0x4a: {  	_ =	shalt  }
0x4b: {  	_ =	shalt  }
0x4c: {  	_ =	shalt  }
0x4d: {  	_ =	shalt  }
0x4e: {  	_ =	shalt  }
0x4f: {  	_ =	shalt  }
0x50: {  	_ =	shalt  }
0x51: {  	_ =	shalt  }
0x52: {  	_ =	shalt  }
0x53: {  	_ =	shalt  }
0x54: {  	_ =	shalt  }
0x55: {  	_ =	shalt  }
0x56: {  	_ =	shalt  }
0x57: {  	_ =	shalt  }
0x58: {  	_ =	shalt  }
0x59: {  	_ =	shalt  }
0x5a: {  	_ =	shalt  }
0x5b: {  	_ =	shalt  }
0x5c: {  	_ =	shalt  }
0x5d: {  	_ =	shalt  }
0x5e: {  	_ =	shalt  }
0x5f: {  	_ =	shalt  }
0x60: {  	_ =	shalt  }
0x61: {  	_ =	shalt  }
0x62: {  	_ =	shalt  }
0x63: {  	_ =	shalt  }
0x64: {  	_ =	shalt  }
0x65: {  	_ =	shalt  }
0x66: {  	_ =	shalt  }
0x67: {  	_ =	shalt  }
0x68: {  	_ =	shalt  }
0x69: {  	_ =	shalt  }
0x6a: {  	_ =	shalt  }
0x6b: {  	_ =	shalt  }
0x6c: {  	_ =	shalt  }
0x6d: {  	_ =	shalt  }
0x6e: {  	_ =	shalt  }
0x6f: {  	_ =	shalt  }
0x70: {  	_ =	shalt  }
0x71: {  	_ =	shalt  }
0x72: {  	_ =	shalt  }
0x73: {  	_ =	shalt  }
0x74: {  	_ =	shalt  }
0x75: {  	_ =	shalt  }
0x76: {  	_ =	shalt  }
0x77: {  	_ =	shalt  }
0x78: {  	_ =	shalt  }
0x79: {  	_ =	shalt  }
0x7a: {  	_ =	shalt  }
0x7b: {  	_ =	shalt  }
0x7c: {  	_ =	shalt  }
0x7d: {  	_ =	shalt  }
0x7e: {  	_ =	shalt  }
0x7f: {  	_ =	shalt  }
0x80: {  	_ =	shalt  }
0x81: {  	_ =	shalt  }
0x82: {  	_ =	shalt  }
0x83: {  	_ =	shalt  }
0x84: {  	_ =	shalt  }
0x85: {  	_ =	shalt  }
0x86: {  	_ =	shalt  }
0x87: {  	_ =	shalt  }
.Lfunc_end0:
.L_simem_size_0:
called_computation_lowered:
.L_overlay_start_0:
0x88: {  	s2 =	sld [smem:$0x3FD9]  }
0x89: {  	s3 =	sld [smem:$0x3FFE];
	_ =	sdelay $0x1  }
0x8a: {  	s1 =	srdreg.scid  }
0x8b: {  	s0 =	sand.u32 $0x1, s1  }
0x8c: {  	s18 =	sshll.u32 s0, $0xA;
	s2 =	sadd.s32 s3, s2  }
0x8d: {  	s2 =	sadd.s32 s2, s18  }
0x8e: {  	[smem:$0x3FC5] =	sst s2  }
0x8f: {  	_ = 	snop  }
0x90: {  	s2 =	sld [smem:$0x3FC9]  }
0x91: {  	s19 =	sld [smem:$0x3FC8]  }
0x92: {  	s4 =	sld [smem:$0x3FC7]  }
0x93: {  	s5 =	sld [smem:$0x3FD0];
	(tm) =	ssettm $0x1  }
0x94: {  	s6 =	sld [smem:$0x3FFB];
	_ =	sdelay $0x3  }
0x95: {  	_ =	strace s6  }
0x96: {  	s6 =	sld [smem:$0x3FFC];
	_ =	sdelay $0x3  }
0x97: {  	_ =	strace s6  }
0x98: {  	s6 =	sld [smem:$0x3FFD];
	_ =	sdelay $0x3  }
0x99: {  	_ =	strace s6  }
0x9a: {  	_ =	strace $0x8FFFFFFF  }
0x9b: {  	s20 =	sld [smem:$0x3FDB];
	_ =	sdelay $0x1  }
0x9c: {  	s7 =	simm.s32 $_scs_section_size  }
0x9d: {  	s8 =	simm.s32 $_size__tile_overlayer_lowered;
	s9 =	simm.s32 $_tile_overlayer_lowered  }
0x9e: {  	s23 =	simm.s32 $0x1BFF;
	s22 =	sshll.u32 s9, $0x1;
	s6 =	sadd.s32 s7, s20  }
0x9f: {  	s10 =	simm.s32 $0x0;
	s21 =	sshll.u32 s8, $0x1;
	s8 =	sadd.s32 s22, s6  }
0xa0: {  	[timem:s10], [sflag:s23] =	dma.local [hbm:s8], s21  }
0xa1: {  	_ =	swait.ge [sflag:s23], s21  }
0xa2: {  	s7 =	ssub.s32 $0x0, s21;
	[sflag:s23] =	ssyncset.done $0x0  }
0xa3: {  	[sflag:s23] =	ssyncadd.s32 s7;
	_ =	sdelay $0x1  }
0xa4: {  	s24 =	simm.s32 $0x1B8B  }
0xa5: {  	_ =	swait.ge [sflag:s24], $0x1  }
0xa6: {  	[sflag:s24] =	ssyncset.done $0x0  }
0xa7: {  	s25 =	simm.s32 $0x1B8E;
	[sflag:s24] =	ssyncadd.s32 $0xFFFFFFFF  }
0xa8: {  	s26 =	simm.s32 $execute0_lowered;
	[smem:$0x3FD2] =	sst s25  }
0xa9: {  	s7 =	sshll.u32 s26, $0x1;
	_ =	strace $0x80000046;
	[dreg:$0x1] =	wrdreg $0xFFFFFFFF  }
0xaa: {  	s28 =	simm.s32 $_size_execute0_lowered;
	s6 =	sadd.s32 s6, s7;
	[dreg:$0x0] =	wrdreg $0x0  }
0xab: {  	s7 =	sshll.u32 s28, $0x1;
	[dreg:$0x2] =	wrdreg s6  }
0xac: {  	[dreg:$0x3] =	wrdreg s7  }
0xad: {  	[dreg:$0x4] =	wrdreg $0xC0  }
0xae: {  	_ =	task [dreg:s10], $0x5FFFF  }
0xaf: {  	[dreg:$0x1] =	wrdreg $0xFFFFFFFF  }
0xb0: {  	[dreg:$0x0] =	wrdreg $0x60  }
0xb1: {  	[dreg:$0x2] =	wrdreg s2  }
0xb2: {  	[dreg:$0x3] =	wrdreg s19  }
0xb3: {  	[dreg:$0x4] =	wrdreg s4  }
0xb4: {  	[dreg:$0x5] =	wrdreg s5  }
0xb5: {  	[dreg:$0x6] =	wrdreg $0xC8000  }
0xb6: {  	[dreg:$0x7] =	wrdreg $0x9  }
0xb7: {  	_ =	task.clear_ibuf [dreg:s10], $0x8FFFF;
	_ =	strace $0x90000046  }
0xb8: {  	s29 =	simm.s32 $0x9;
	_ =	strace $0x80000048  }
0xb9: {  	_ =	swait.ge [sflag:s29], $0x1  }
0xba: {  	[sflag:s29] =	ssyncadd.s32 $0xFFFFFFFF  }
0xbb: {  	_ =	strace $0x90000048  }
0xbc: {  	_ =	sfence  }
0xbd: {  	s30 =	sld [smem:$0x0];
	_ =	sdelay $0x2  }
0xbe: {  	s31 =	sshll.u32 s1, $0xD;
	s1 =	sshrl.u32 s1, $0x2  }
0xbf: {  	s3 =	sand.u32 $0x4000, s31;
	s1 =	sadd.s32 s1, s30  }
0xc0: {  	s0 =	sor.u32 s3, s0;
	s1 =	sshll.u32 s1, $0x11  }
0xc1: {  	s0 =	sor.u32 s1, s0  }
0xc2: {  	s0 =	sadd.s32 $0x8F2B, s0  }
0xc3: {  	[sflag:s0] =	ssyncadd.remote.s32 $0x1  }
0xc4: {  	_ =	sfence.sel $0xFFFF  }
0xc5: {  	[dreg:$0x0] =	wrdreg $0xFFFFFFFF;
	(pc) =	sbr.abs _section_cstart, $3  }
0xc6: {  	[dreg:$0x1] =	wrdreg $0xFFFFFFFF  }
0xc7: {  	_ =	task.clear_ibuf [dreg:s10], $0x2FFFF;
	_ =	strace $0x9FFFFFFF  }
0xc8: {  	(tm) =	ssettm $0x7FFFFFFF  }
0xc9: {  	_ =	shalt  }
tec
execute0_lowered:
.L_overlay_start_1:
0x0: {  	(tag) =	ssettag $0x1  }
0x1: {  	s0 =	rddreg [dreg:$0x0]  }
0x2: {  	s1 =	rddreg [dreg:$0x1]  }
0x3: {  	s2 =	rddreg [dreg:$0x2]  }
0x4: {  	s4 =	rddreg [dreg:$0x3];
	s3 =	srdreg.scid  }
0x5: {  	s28 =	stileid.u32;
	s29 =	rddreg [dreg:$0x4]  }
0x6: {  	s30 =	simm.s32 $0x9600;
	s31 =	simm.s32 $0x6400;
	s5 =	sand.u32 $0x1, s3  }
0x7: {  	s18 =	sshll.u32 s28, $0x1;
	s3 =	simm.s32 $0x0;
	p0 =	sne.s32 s28, $0xF  }
0x8: {  	s6 =	sor.u32 s5, s18;
	s5 =	ssub.s32 $0x2, s5;
	[smem:$0x7FF] =	sst s3  }
0x9: {  	s18 =	smul.u32 $0xF420, s28;
	s28 =	sadd.s32 $0xF4200, s29;
	s7 =	sshrl.u32 s5, $0x1  }
0xa: {  	s6 =	smul.u32 $0xC80, s6;
	_ =	strace $0x80000047;
	s5 =	ssub.s32 s5, s7  }
0xb: {  	s19 =	sshrl.u32 s18, $0x3;
	s10 =	sadd.s32 $0x28B0, s18;
	s22 =	sadd.s32 s18, s29  }
0xc: {  	s13 =	sadd.s32 $0x5160, s18;
	s24 =	sadd.s32 $0x7A10, s18;
	s25 =	sadd.s32 $0xCB70, s18  }
0xd: {  	s0 =	sadd.s32 s0, s6;
	s20 =	sadd.s32 s1, s19;
	s21 =	sshrl.u32 s10, $0x3  }
0xe: {  	[dreg:$0x9] =	wrdreg s22;
	s10 =	sadd.s32 s10, s29;
	s23 =	sshrl.u32 s13, $0x3  }
0xf: {  	s13 =	sadd.s32 s13, s29;
	s15 =	sshrl.u32 s24, $0x3;
	s16 =	sadd.s32 s24, s29  }
0x10: {  	s26 =	sshrl.u32 s25, $0x3;
	s24 =	sadd.s32 $0x1E840, s1;
	[dreg:$0x6] =	wrdreg s0  }
0x11: {  	[dreg:$0x7] =	wrdreg s20;
	s0 =	sadd.s32 s2, s19;
	s8 =	sadd.s32 s1, s21  }
0x12: {  	s9 =	sadd.s32 s2, s21;
	s11 =	sadd.s32 s1, s23;
	s12 =	sadd.s32 s2, s23  }
0x13: {  	s20 =	sadd.s32 $0xA2C0, s18;
	s14 =	sadd.s32 s1, s15;
	s15 =	sadd.s32 s2, s15  }
0x14: {  	s21 =	sadd.s32 s1, s26;
	s22 =	sadd.s32 s2, s26;
	s23 =	sadd.s32 s25, s29  }
0x15: {  	s25 =	sadd.s32 $0x1E840, s2;
	s26 =	smax.u32 s5, $0x1;
	[dreg:$0x8] =	wrdreg s0  }
0x16: {  	s19 =	sshrl.u32 s20, $0x3;
	s20 =	sadd.s32 s20, s29;
	s29 =	simm.s32 $0x3  }
0x17: {  	s0 =	simm.s32 $0x1;
	s17 =	sadd.s32 s1, s19;
	s18 =	sadd.s32 s2, s19  }
0x18: {  	s19 =	sadd.s32 s4, s6;
	s1 =	simm.s32 $0x2;
	s2 =	simm.s32 $0x0  }
.LBB2_1:
0x19: {  	s4 =	rddreg [dreg:$0x6]  }
0x1a: {  	[tilespmem:s3], [sflag:$0x2] =	stream.linear.gather [hbm4b:s4+s3], $0x6400, $0x38;
	[tilespmem:$0x1BC28] =	vst v63  }
0x1b: {  	s6 =	rddreg [dreg:$0x7]  }
0x1c: {  	[tilespmem:s31], [sflag:$0x3] =	stream.linear.gather [hbm4b:s6+s3], $0x28B0, $0x38;
	[tilespmem:$0x1BC28] =	vst v63  }
0x1d: {  	_ =	swait.ge [sflag:s29], $0x28B0  }
0x1e: {  	[sflag:s29] =	ssyncset.done $0x0  }
0x1f: {  	s7 =	rddreg [dreg:$0x8];
	[sflag:s29] =	ssyncadd.s32 $0xFFFFD750  }
0x20: {  	[tilespmem:s30], [sflag:$0x3] =	stream.linear.gather [hbm4b:s7+s3], $0x28B0, $0x38;
	[tilespmem:$0x1BC28] =	vst v63  }
0x21: {  	_ =	swait.ge [sflag:s29], $0x28B0  }
0x22: {  	[sflag:s29] =	ssyncset.done $0x0  }
0x23: {  	[sflag:s29] =	ssyncadd.s32 $0xFFFFD750  }
0x24: {  	v0 =	vld [tilespmem:s31+$0x3200]  }
0x25: {  	v14 =	vld [tilespmem:s31+$0x3230]  }
0x26: {  	v1 =	vld [tilespmem:s31+$0x3240]  }
0x27: {  	v15 =	vld [tilespmem:s31+$0x30]  }
0x28: {  	v4 =	vld [tilespmem:s31+$0x3220]  }
0x29: {  	v2 =	vld [tilespmem:s31+$0x3250]  }
0x2a: {  	v5 =	vld [tilespmem:s31+$0x10]  }
0x2b: {  	v3 =	vld [tilespmem:s31+$0x3270]  }
0x2c: {  	v10 =	vld [tilespmem:s31+$0x3260]  }
0x2d: {  	v6 =	vld [tilespmem:s31+$0x70]  }
0x2e: {  	v7 =	vld [tilespmem:s31+$0x50]  }
0x2f: {  	v11 =	vld [tilespmem:s31+$0x60]  }
0x30: {  	v13 =	vld [tilespmem:s31+$0x20]  }
0x31: {  	v12 =	vld [tilespmem:s31+$0x3210]  }
0x32: {  	v8 =	vld [tilespmem:s31+$0x40]  }
0x33: {  	s5 =	simm.s32 $0x0;
	s4 =	simm.s32 $0x6400;
	s6 =	simm.s32 $0x6480;
	v9 =	vld [tilespmem:s31+$0x0];
	v14 =	vmul.f32 v14, v15  }
.LBB2_2:
0x34: {  	v15 =	vld [tilespmem:s6+$0x3200];
	s5 =	sadd.s32 $0x8, s5  }
0x35: {  	v16 =	vld [tilespmem:s6+$0x3230];
	p1 =	slt.u32 s5, $0x280;
	v13 =	vmul.f32 v4, v13;
	[tilespmem:s4+$0x30] =	vst v14;
	v4 =	vmul.f32 v10, v11  }
0x36: {  	v10 =	vld [tilespmem:s6+$0x3240];
	v5 =	vmul.f32 v12, v5  }
0x37: {  	v7 =	vmul.f32 v2, v7;
	v6 =	vmul.f32 v3, v6;
	v14 =	vld [tilespmem:s6+$0x30];
	[tilespmem:s4+$0x60] =	vst v4  }
0x38: {  	v8 =	vmul.f32 v1, v8;
	v4 =	vld [tilespmem:s6+$0x3220];
	[tilespmem:s4+$0x20] =	vst v13  }
0x39: {  	v2 =	vld [tilespmem:s6+$0x3250];
	[tilespmem:s4+$0x10] =	vst v5  }
0x3a: {  	v9 =	vmul.f32 v0, v9;
	v0 =	vmov v15;
	v5 =	vld [tilespmem:s6+$0x10];
	[tilespmem:s4+$0x50] =	vst v7  }
0x3b: {  	v3 =	vld [tilespmem:s6+$0x3270];
	[tilespmem:s4+$0x70] =	vst v6;
	v1 =	vmov v10  }
0x3c: {  	v10 =	vld [tilespmem:s6+$0x3260];
	[tilespmem:s4+$0x0] =	vst v9  }
0x3d: {  	v6 =	vld [tilespmem:s6+$0x70];
	[tilespmem:s4+$0x40] =	vst v8;
	s4 =	smov.u32 s6  }
0x3e: {  	v7 =	vld [tilespmem:s6+$0x50]  }
.Ltmp0:
0x3f: {  	v11 =	vld [tilespmem:s6+$0x60];
	(pc) =	sbr.rel @p1 .LBB2_2-.Ltmp0, $4  }
0x40: {  	v13 =	vld [tilespmem:s6+$0x20]  }
0x41: {  	v12 =	vld [tilespmem:s6+$0x3210]  }
0x42: {  	v8 =	vld [tilespmem:s6+$0x40]  }
0x43: {  	v14 =	vmul.f32 v16, v14;
	s6 =	sadd.s32 $0x80, s6;
	v9 =	vld [tilespmem:s4+$0x0]  }
0x44: {  	v10 =	vmul.f32 v10, v11  }
0x45: {  	v2 =	vmul.f32 v2, v7;
	[tilespmem:s4+$0x30] =	vst v14  }
0x46: {  	v3 =	vmul.f32 v3, v6;
	[tilespmem:s4+$0x60] =	vst v10  }
0x47: {  	v4 =	vmul.f32 v4, v13;
	[tilespmem:s4+$0x50] =	vst v2  }
0x48: {  	v5 =	vmul.f32 v12, v5;
	[tilespmem:s4+$0x70] =	vst v3  }
0x49: {  	[tilespmem:s4+$0x20] =	vst v4;
	v1 =	vmul.f32 v1, v8  }
0x4a: {  	[tilespmem:s4+$0x10] =	vst v5;
	v0 =	vmul.f32 v0, v9  }
0x4b: {  	[tilespmem:s4+$0x40] =	vst v1  }
0x4c: {  	[tilespmem:s4+$0x0] =	vst v0  }
0x4d: {  	v0 =	vld [tilespmem:$0x8C80]  }
0x4e: {  	v1 =	vld [tilespmem:$0xBE80]  }
0x4f: {  	v2 =	vld [tilespmem:$0x8C90]  }
0x50: {  	v3 =	vld [tilespmem:$0xBE90]  }
0x51: {  	v4 =	vld [tilespmem:$0x8CA0]  }
0x52: {  	v5 =	vld [tilespmem:$0xBEA0];
	_ =	sdelay $0x2  }
0x53: {  	v0 =	vmul.f32 v1, v0  }
0x54: {  	v1 =	vmul.f32 v3, v2  }
0x55: {  	[tilespmem:$0x8C80] =	vst v0;
	v0 =	vmul.f32 v5, v4  }
0x56: {  	[tilespmem:$0x8C90] =	vst v1  }
0x57: {  	s5 =	rddreg [dreg:$0x9];
	s4 =	simm.s32 $0x6400;
	[tilespmem:$0x8CA0] =	vst v0  }
0x58: {  	[spmem:s5] =	stream.linear.scatter [tilespmem:s4], [sflag:$0x3], $0x28B0, $0x38;
	[tilespmem:$0x1BC28] =	vst v63  }
0x59: {  	_ =	swait.ge [sflag:s29], $0x28B0  }
0x5a: {  	[sflag:s29] =	ssyncset.done $0x0  }
0x5b: {  	[sflag:s29] =	ssyncadd.s32 $0xFFFFD750  }
0x5c: {  	[tilespmem:s4], [sflag:$0x3] =	stream.linear.gather [hbm4b:s8+s3], $0x28B0, $0x38;
	[tilespmem:$0x1BC28] =	vst v63  }
0x5d: {  	_ =	swait.ge [sflag:s29], $0x28B0  }
0x5e: {  	[sflag:s29] =	ssyncset.done $0x0  }
0x5f: {  	[sflag:s29] =	ssyncadd.s32 $0xFFFFD750  }
0x60: {  	[tilespmem:s30], [sflag:$0x3] =	stream.linear.gather [hbm4b:s9+s3], $0x28B0, $0x38;
	[tilespmem:$0x1BC28] =	vst v63  }
0x61: {  	_ =	swait.ge [sflag:s29], $0x28B0  }
0x62: {  	[sflag:s29] =	ssyncset.done $0x0  }
0x63: {  	[sflag:s29] =	ssyncadd.s32 $0xFFFFD750  }
0x64: {  	v0 =	vld [tilespmem:s4+$0x3200]  }
0x65: {  	v14 =	vld [tilespmem:s4+$0x3230]  }
0x66: {  	v1 =	vld [tilespmem:s4+$0x3240]  }
0x67: {  	v15 =	vld [tilespmem:s4+$0x30]  }
0x68: {  	v4 =	vld [tilespmem:s4+$0x3220]  }
0x69: {  	v2 =	vld [tilespmem:s4+$0x3250]  }
0x6a: {  	v5 =	vld [tilespmem:s4+$0x10]  }
0x6b: {  	v3 =	vld [tilespmem:s4+$0x3270]  }
0x6c: {  	v10 =	vld [tilespmem:s4+$0x3260]  }
0x6d: {  	v6 =	vld [tilespmem:s4+$0x70]  }
0x6e: {  	v7 =	vld [tilespmem:s4+$0x50]  }
0x6f: {  	v11 =	vld [tilespmem:s4+$0x60]  }
0x70: {  	v13 =	vld [tilespmem:s4+$0x20]  }
0x71: {  	v12 =	vld [tilespmem:s4+$0x3210]  }
0x72: {  	v8 =	vld [tilespmem:s4+$0x40]  }
0x73: {  	s6 =	simm.s32 $0x6480;
	s5 =	simm.s32 $0x0;
	v9 =	vld [tilespmem:s4+$0x0];
	v14 =	vmul.f32 v14, v15  }
.LBB2_4:
0x74: {  	v15 =	vld [tilespmem:s6+$0x3200];
	s5 =	sadd.s32 $0x8, s5  }
0x75: {  	v16 =	vld [tilespmem:s6+$0x3230];
	p1 =	slt.u32 s5, $0x280;
	v13 =	vmul.f32 v4, v13;
	[tilespmem:s4+$0x30] =	vst v14;
	v4 =	vmul.f32 v10, v11  }
0x76: {  	v10 =	vld [tilespmem:s6+$0x3240];
	v5 =	vmul.f32 v12, v5  }
0x77: {  	v7 =	vmul.f32 v2, v7;
	v6 =	vmul.f32 v3, v6;
	v14 =	vld [tilespmem:s6+$0x30];
	[tilespmem:s4+$0x60] =	vst v4  }
0x78: {  	v8 =	vmul.f32 v1, v8;
	v4 =	vld [tilespmem:s6+$0x3220];
	[tilespmem:s4+$0x20] =	vst v13  }
0x79: {  	v2 =	vld [tilespmem:s6+$0x3250];
	[tilespmem:s4+$0x10] =	vst v5  }
0x7a: {  	v9 =	vmul.f32 v0, v9;
	v0 =	vmov v15;
	v5 =	vld [tilespmem:s6+$0x10];
	[tilespmem:s4+$0x50] =	vst v7  }
0x7b: {  	v3 =	vld [tilespmem:s6+$0x3270];
	[tilespmem:s4+$0x70] =	vst v6;
	v1 =	vmov v10  }
0x7c: {  	v10 =	vld [tilespmem:s6+$0x3260];
	[tilespmem:s4+$0x0] =	vst v9  }
0x7d: {  	v6 =	vld [tilespmem:s6+$0x70];
	[tilespmem:s4+$0x40] =	vst v8;
	s4 =	smov.u32 s6  }
0x7e: {  	v7 =	vld [tilespmem:s6+$0x50]  }
.Ltmp1:
0x7f: {  	v11 =	vld [tilespmem:s6+$0x60];
	(pc) =	sbr.rel @p1 .LBB2_4-.Ltmp1, $4  }
0x80: {  	v13 =	vld [tilespmem:s6+$0x20]  }
0x81: {  	v12 =	vld [tilespmem:s6+$0x3210]  }
0x82: {  	v8 =	vld [tilespmem:s6+$0x40]  }
0x83: {  	v14 =	vmul.f32 v16, v14;
	s6 =	sadd.s32 $0x80, s6;
	v9 =	vld [tilespmem:s4+$0x0]  }
0x84: {  	v10 =	vmul.f32 v10, v11  }
0x85: {  	v2 =	vmul.f32 v2, v7;
	[tilespmem:s4+$0x30] =	vst v14  }
0x86: {  	v3 =	vmul.f32 v3, v6;
	[tilespmem:s4+$0x60] =	vst v10  }
0x87: {  	v4 =	vmul.f32 v4, v13;
	[tilespmem:s4+$0x50] =	vst v2  }
0x88: {  	v5 =	vmul.f32 v12, v5;
	[tilespmem:s4+$0x70] =	vst v3  }
0x89: {  	[tilespmem:s4+$0x20] =	vst v4;
	v1 =	vmul.f32 v1, v8  }
0x8a: {  	[tilespmem:s4+$0x10] =	vst v5;
	v0 =	vmul.f32 v0, v9  }
0x8b: {  	[tilespmem:s4+$0x40] =	vst v1  }
0x8c: {  	[tilespmem:s4+$0x0] =	vst v0  }
0x8d: {  	v0 =	vld [tilespmem:$0x8C80]  }
0x8e: {  	v1 =	vld [tilespmem:$0xBE80]  }
0x8f: {  	v2 =	vld [tilespmem:$0x8C90]  }
0x90: {  	v3 =	vld [tilespmem:$0xBE90]  }
0x91: {  	v4 =	vld [tilespmem:$0x8CA0]  }
0x92: {  	v5 =	vld [tilespmem:$0xBEA0];
	_ =	sdelay $0x2  }
0x93: {  	v0 =	vmul.f32 v1, v0  }
0x94: {  	v1 =	vmul.f32 v3, v2  }
0x95: {  	[tilespmem:$0x8C80] =	vst v0;
	v0 =	vmul.f32 v5, v4  }
0x96: {  	[tilespmem:$0x8C90] =	vst v1  }
0x97: {  	s4 =	simm.s32 $0x6400;
	[tilespmem:$0x8CA0] =	vst v0  }
0x98: {  	[spmem:s10] =	stream.linear.scatter [tilespmem:s4], [sflag:$0x3], $0x28B0, $0x38;
	[tilespmem:$0x1BC28] =	vst v63  }
0x99: {  	_ =	swait.ge [sflag:s29], $0x28B0  }
0x9a: {  	[sflag:s29] =	ssyncset.done $0x0  }
0x9b: {  	[sflag:s29] =	ssyncadd.s32 $0xFFFFD750  }
0x9c: {  	[tilespmem:s4], [sflag:$0x3] =	stream.linear.gather [hbm4b:s11+s3], $0x28B0, $0x38;
	[tilespmem:$0x1BC28] =	vst v63  }
0x9d: {  	_ =	swait.ge [sflag:s29], $0x28B0  }
0x9e: {  	[sflag:s29] =	ssyncset.done $0x0  }
0x9f: {  	[sflag:s29] =	ssyncadd.s32 $0xFFFFD750  }
0xa0: {  	[tilespmem:s30], [sflag:$0x3] =	stream.linear.gather [hbm4b:s12+s3], $0x28B0, $0x38;
	[tilespmem:$0x1BC28] =	vst v63  }
0xa1: {  	_ =	swait.ge [sflag:s29], $0x28B0  }
0xa2: {  	[sflag:s29] =	ssyncset.done $0x0  }
0xa3: {  	[sflag:s29] =	ssyncadd.s32 $0xFFFFD750  }
0xa4: {  	v0 =	vld [tilespmem:s4+$0x3200]  }
0xa5: {  	v14 =	vld [tilespmem:s4+$0x3230]  }
0xa6: {  	v1 =	vld [tilespmem:s4+$0x3240]  }
0xa7: {  	v15 =	vld [tilespmem:s4+$0x30]  }
0xa8: {  	v4 =	vld [tilespmem:s4+$0x3220]  }
0xa9: {  	v2 =	vld [tilespmem:s4+$0x3250]  }
0xaa: {  	v5 =	vld [tilespmem:s4+$0x10]  }
0xab: {  	v3 =	vld [tilespmem:s4+$0x3270]  }
0xac: {  	v10 =	vld [tilespmem:s4+$0x3260]  }
0xad: {  	v6 =	vld [tilespmem:s4+$0x70]  }
0xae: {  	v7 =	vld [tilespmem:s4+$0x50]  }
0xaf: {  	v11 =	vld [tilespmem:s4+$0x60]  }
0xb0: {  	v13 =	vld [tilespmem:s4+$0x20]  }
0xb1: {  	v12 =	vld [tilespmem:s4+$0x3210]  }
0xb2: {  	v8 =	vld [tilespmem:s4+$0x40]  }
0xb3: {  	s5 =	simm.s32 $0x0;
	s6 =	simm.s32 $0x6480;
	v9 =	vld [tilespmem:s4+$0x0];
	v14 =	vmul.f32 v14, v15  }
.LBB2_6:
0xb4: {  	v15 =	vld [tilespmem:s6+$0x3200];
	s5 =	sadd.s32 $0x8, s5  }
0xb5: {  	v16 =	vld [tilespmem:s6+$0x3230];
	p1 =	slt.u32 s5, $0x280;
	v13 =	vmul.f32 v4, v13;
	[tilespmem:s4+$0x30] =	vst v14;
	v4 =	vmul.f32 v10, v11  }
0xb6: {  	v10 =	vld [tilespmem:s6+$0x3240];
	v5 =	vmul.f32 v12, v5  }
0xb7: {  	v7 =	vmul.f32 v2, v7;
	v6 =	vmul.f32 v3, v6;
	v14 =	vld [tilespmem:s6+$0x30];
	[tilespmem:s4+$0x60] =	vst v4  }
0xb8: {  	v8 =	vmul.f32 v1, v8;
	v4 =	vld [tilespmem:s6+$0x3220];
	[tilespmem:s4+$0x20] =	vst v13  }
0xb9: {  	v2 =	vld [tilespmem:s6+$0x3250];
	[tilespmem:s4+$0x10] =	vst v5  }
0xba: {  	v9 =	vmul.f32 v0, v9;
	v0 =	vmov v15;
	v5 =	vld [tilespmem:s6+$0x10];
	[tilespmem:s4+$0x50] =	vst v7  }
0xbb: {  	v3 =	vld [tilespmem:s6+$0x3270];
	[tilespmem:s4+$0x70] =	vst v6;
	v1 =	vmov v10  }
0xbc: {  	v10 =	vld [tilespmem:s6+$0x3260];
	[tilespmem:s4+$0x0] =	vst v9  }
0xbd: {  	v6 =	vld [tilespmem:s6+$0x70];
	[tilespmem:s4+$0x40] =	vst v8;
	s4 =	smov.u32 s6  }
0xbe: {  	v7 =	vld [tilespmem:s6+$0x50]  }
.Ltmp2:
0xbf: {  	v11 =	vld [tilespmem:s6+$0x60];
	(pc) =	sbr.rel @p1 .LBB2_6-.Ltmp2, $4  }
0xc0: {  	v13 =	vld [tilespmem:s6+$0x20]  }
0xc1: {  	v12 =	vld [tilespmem:s6+$0x3210]  }
0xc2: {  	v8 =	vld [tilespmem:s6+$0x40]  }
0xc3: {  	v14 =	vmul.f32 v16, v14;
	s6 =	sadd.s32 $0x80, s6;
	v9 =	vld [tilespmem:s4+$0x0]  }
0xc4: {  	v10 =	vmul.f32 v10, v11  }
0xc5: {  	v2 =	vmul.f32 v2, v7;
	[tilespmem:s4+$0x30] =	vst v14  }
0xc6: {  	v3 =	vmul.f32 v3, v6;
	[tilespmem:s4+$0x60] =	vst v10  }
0xc7: {  	v4 =	vmul.f32 v4, v13;
	[tilespmem:s4+$0x50] =	vst v2  }
0xc8: {  	v5 =	vmul.f32 v12, v5;
	[tilespmem:s4+$0x70] =	vst v3  }
0xc9: {  	[tilespmem:s4+$0x20] =	vst v4;
	v1 =	vmul.f32 v1, v8  }
0xca: {  	[tilespmem:s4+$0x10] =	vst v5;
	v0 =	vmul.f32 v0, v9  }
0xcb: {  	[tilespmem:s4+$0x40] =	vst v1  }
0xcc: {  	[tilespmem:s4+$0x0] =	vst v0  }
0xcd: {  	v0 =	vld [tilespmem:$0x8C80]  }
0xce: {  	v1 =	vld [tilespmem:$0xBE80]  }
0xcf: {  	v2 =	vld [tilespmem:$0x8C90]  }
0xd0: {  	v3 =	vld [tilespmem:$0xBE90]  }
0xd1: {  	v4 =	vld [tilespmem:$0x8CA0]  }
0xd2: {  	v5 =	vld [tilespmem:$0xBEA0];
	_ =	sdelay $0x2  }
0xd3: {  	v0 =	vmul.f32 v1, v0  }
0xd4: {  	v1 =	vmul.f32 v3, v2  }
0xd5: {  	[tilespmem:$0x8C80] =	vst v0;
	v0 =	vmul.f32 v5, v4  }
0xd6: {  	[tilespmem:$0x8C90] =	vst v1  }
0xd7: {  	s4 =	simm.s32 $0x6400;
	[tilespmem:$0x8CA0] =	vst v0  }
0xd8: {  	[spmem:s13] =	stream.linear.scatter [tilespmem:s4], [sflag:$0x3], $0x28B0, $0x38;
	[tilespmem:$0x1BC28] =	vst v63  }
0xd9: {  	_ =	swait.ge [sflag:s29], $0x28B0  }
0xda: {  	[sflag:s29] =	ssyncset.done $0x0  }
0xdb: {  	[sflag:s29] =	ssyncadd.s32 $0xFFFFD750  }
0xdc: {  	[tilespmem:s4], [sflag:$0x3] =	stream.linear.gather [hbm4b:s14+s3], $0x28B0, $0x38;
	[tilespmem:$0x1BC28] =	vst v63  }
0xdd: {  	_ =	swait.ge [sflag:s29], $0x28B0  }
0xde: {  	[sflag:s29] =	ssyncset.done $0x0  }
0xdf: {  	[sflag:s29] =	ssyncadd.s32 $0xFFFFD750  }
0xe0: {  	[tilespmem:s30], [sflag:$0x3] =	stream.linear.gather [hbm4b:s15+s3], $0x28B0, $0x38;
	[tilespmem:$0x1BC28] =	vst v63  }
0xe1: {  	_ =	swait.ge [sflag:s29], $0x28B0  }
0xe2: {  	[sflag:s29] =	ssyncset.done $0x0  }
0xe3: {  	[sflag:s29] =	ssyncadd.s32 $0xFFFFD750  }
0xe4: {  	v0 =	vld [tilespmem:s4+$0x3200]  }
0xe5: {  	v14 =	vld [tilespmem:s4+$0x3230]  }
0xe6: {  	v1 =	vld [tilespmem:s4+$0x3240]  }
0xe7: {  	v15 =	vld [tilespmem:s4+$0x30]  }
0xe8: {  	v4 =	vld [tilespmem:s4+$0x3220]  }
0xe9: {  	v2 =	vld [tilespmem:s4+$0x3250]  }
0xea: {  	v5 =	vld [tilespmem:s4+$0x10]  }
0xeb: {  	v3 =	vld [tilespmem:s4+$0x3270]  }
0xec: {  	v10 =	vld [tilespmem:s4+$0x3260]  }
0xed: {  	v6 =	vld [tilespmem:s4+$0x70]  }
0xee: {  	v7 =	vld [tilespmem:s4+$0x50]  }
0xef: {  	v11 =	vld [tilespmem:s4+$0x60]  }
0xf0: {  	v13 =	vld [tilespmem:s4+$0x20]  }
0xf1: {  	v12 =	vld [tilespmem:s4+$0x3210]  }
0xf2: {  	v8 =	vld [tilespmem:s4+$0x40]  }
0xf3: {  	s5 =	simm.s32 $0x0;
	s6 =	simm.s32 $0x6480;
	v9 =	vld [tilespmem:s4+$0x0];
	v14 =	vmul.f32 v14, v15  }
.LBB2_8:
0xf4: {  	v15 =	vld [tilespmem:s6+$0x3200];
	s5 =	sadd.s32 $0x8, s5  }
0xf5: {  	v16 =	vld [tilespmem:s6+$0x3230];
	p1 =	slt.u32 s5, $0x280;
	v13 =	vmul.f32 v4, v13;
	[tilespmem:s4+$0x30] =	vst v14;
	v4 =	vmul.f32 v10, v11  }
0xf6: {  	v10 =	vld [tilespmem:s6+$0x3240];
	v5 =	vmul.f32 v12, v5  }
0xf7: {  	v7 =	vmul.f32 v2, v7;
	v6 =	vmul.f32 v3, v6;
	v14 =	vld [tilespmem:s6+$0x30];
	[tilespmem:s4+$0x60] =	vst v4  }
0xf8: {  	v8 =	vmul.f32 v1, v8;
	v4 =	vld [tilespmem:s6+$0x3220];
	[tilespmem:s4+$0x20] =	vst v13  }
0xf9: {  	v2 =	vld [tilespmem:s6+$0x3250];
	[tilespmem:s4+$0x10] =	vst v5  }
0xfa: {  	v9 =	vmul.f32 v0, v9;
	v0 =	vmov v15;
	v5 =	vld [tilespmem:s6+$0x10];
	[tilespmem:s4+$0x50] =	vst v7  }
0xfb: {  	v3 =	vld [tilespmem:s6+$0x3270];
	[tilespmem:s4+$0x70] =	vst v6;
	v1 =	vmov v10  }
0xfc: {  	v10 =	vld [tilespmem:s6+$0x3260];
	[tilespmem:s4+$0x0] =	vst v9  }
0xfd: {  	v6 =	vld [tilespmem:s6+$0x70];
	[tilespmem:s4+$0x40] =	vst v8;
	s4 =	smov.u32 s6  }
0xfe: {  	v7 =	vld [tilespmem:s6+$0x50]  }
.Ltmp3:
0xff: {  	v11 =	vld [tilespmem:s6+$0x60];
	(pc) =	sbr.rel @p1 .LBB2_8-.Ltmp3, $4  }
0x100: {  	v13 =	vld [tilespmem:s6+$0x20]  }
0x101: {  	v12 =	vld [tilespmem:s6+$0x3210]  }
0x102: {  	v8 =	vld [tilespmem:s6+$0x40]  }
0x103: {  	v14 =	vmul.f32 v16, v14;
	s6 =	sadd.s32 $0x80, s6;
	v9 =	vld [tilespmem:s4+$0x0]  }
0x104: {  	v10 =	vmul.f32 v10, v11  }
0x105: {  	v2 =	vmul.f32 v2, v7;
	[tilespmem:s4+$0x30] =	vst v14  }
0x106: {  	v3 =	vmul.f32 v3, v6;
	[tilespmem:s4+$0x60] =	vst v10  }
0x107: {  	v4 =	vmul.f32 v4, v13;
	[tilespmem:s4+$0x50] =	vst v2  }
0x108: {  	v5 =	vmul.f32 v12, v5;
	[tilespmem:s4+$0x70] =	vst v3  }
0x109: {  	[tilespmem:s4+$0x20] =	vst v4;
	v1 =	vmul.f32 v1, v8  }
0x10a: {  	[tilespmem:s4+$0x10] =	vst v5;
	v0 =	vmul.f32 v0, v9  }
0x10b: {  	[tilespmem:s4+$0x40] =	vst v1  }
0x10c: {  	[tilespmem:s4+$0x0] =	vst v0  }
0x10d: {  	v0 =	vld [tilespmem:$0x8C80]  }
0x10e: {  	v1 =	vld [tilespmem:$0xBE80]  }
0x10f: {  	v2 =	vld [tilespmem:$0x8C90]  }
0x110: {  	v3 =	vld [tilespmem:$0xBE90]  }
0x111: {  	v4 =	vld [tilespmem:$0x8CA0]  }
0x112: {  	v5 =	vld [tilespmem:$0xBEA0];
	_ =	sdelay $0x2  }
0x113: {  	v0 =	vmul.f32 v1, v0  }
0x114: {  	v1 =	vmul.f32 v3, v2  }
0x115: {  	[tilespmem:$0x8C80] =	vst v0;
	v0 =	vmul.f32 v5, v4  }
0x116: {  	[tilespmem:$0x8C90] =	vst v1  }
0x117: {  	s4 =	simm.s32 $0x6400;
	[tilespmem:$0x8CA0] =	vst v0  }
0x118: {  	[spmem:s16] =	stream.linear.scatter [tilespmem:s4], [sflag:$0x3], $0x28B0, $0x38;
	[tilespmem:$0x1BC28] =	vst v63  }
0x119: {  	_ =	swait.ge [sflag:s29], $0x28B0  }
0x11a: {  	[sflag:s29] =	ssyncset.done $0x0  }
0x11b: {  	[sflag:s29] =	ssyncadd.s32 $0xFFFFD750  }
0x11c: {  	[tilespmem:s4], [sflag:$0x3] =	stream.linear.gather [hbm4b:s17+s3], $0x28B0, $0x38;
	[tilespmem:$0x1BC28] =	vst v63  }
0x11d: {  	_ =	swait.ge [sflag:s29], $0x28B0  }
0x11e: {  	[sflag:s29] =	ssyncset.done $0x0  }
0x11f: {  	[sflag:s29] =	ssyncadd.s32 $0xFFFFD750  }
0x120: {  	[tilespmem:s30], [sflag:$0x3] =	stream.linear.gather [hbm4b:s18+s3], $0x28B0, $0x38;
	[tilespmem:$0x1BC28] =	vst v63  }
0x121: {  	_ =	swait.ge [sflag:s29], $0x28B0  }
0x122: {  	[sflag:s29] =	ssyncset.done $0x0  }
0x123: {  	[sflag:s29] =	ssyncadd.s32 $0xFFFFD750  }
0x124: {  	v0 =	vld [tilespmem:s4+$0x3200]  }
0x125: {  	v14 =	vld [tilespmem:s4+$0x3230]  }
0x126: {  	v1 =	vld [tilespmem:s4+$0x3240]  }
0x127: {  	v15 =	vld [tilespmem:s4+$0x30]  }
0x128: {  	v4 =	vld [tilespmem:s4+$0x3220]  }
0x129: {  	v2 =	vld [tilespmem:s4+$0x3250]  }
0x12a: {  	v5 =	vld [tilespmem:s4+$0x10]  }
0x12b: {  	v3 =	vld [tilespmem:s4+$0x3270]  }
0x12c: {  	v10 =	vld [tilespmem:s4+$0x3260]  }
0x12d: {  	v6 =	vld [tilespmem:s4+$0x70]  }
0x12e: {  	v7 =	vld [tilespmem:s4+$0x50]  }
0x12f: {  	v11 =	vld [tilespmem:s4+$0x60]  }
0x130: {  	v13 =	vld [tilespmem:s4+$0x20]  }
0x131: {  	v12 =	vld [tilespmem:s4+$0x3210]  }
0x132: {  	v8 =	vld [tilespmem:s4+$0x40]  }
0x133: {  	s5 =	simm.s32 $0x0;
	s6 =	simm.s32 $0x6480;
	v9 =	vld [tilespmem:s4+$0x0];
	v14 =	vmul.f32 v14, v15  }
.LBB2_10:
0x134: {  	v15 =	vld [tilespmem:s6+$0x3200];
	s5 =	sadd.s32 $0x8, s5  }
0x135: {  	v16 =	vld [tilespmem:s6+$0x3230];
	p1 =	slt.u32 s5, $0x280;
	v13 =	vmul.f32 v4, v13;
	[tilespmem:s4+$0x30] =	vst v14;
	v4 =	vmul.f32 v10, v11  }
0x136: {  	v10 =	vld [tilespmem:s6+$0x3240];
	v5 =	vmul.f32 v12, v5  }
0x137: {  	v7 =	vmul.f32 v2, v7;
	v6 =	vmul.f32 v3, v6;
	v14 =	vld [tilespmem:s6+$0x30];
	[tilespmem:s4+$0x60] =	vst v4  }
0x138: {  	v8 =	vmul.f32 v1, v8;
	v4 =	vld [tilespmem:s6+$0x3220];
	[tilespmem:s4+$0x20] =	vst v13  }
0x139: {  	v2 =	vld [tilespmem:s6+$0x3250];
	[tilespmem:s4+$0x10] =	vst v5  }
0x13a: {  	v9 =	vmul.f32 v0, v9;
	v0 =	vmov v15;
	v5 =	vld [tilespmem:s6+$0x10];
	[tilespmem:s4+$0x50] =	vst v7  }
0x13b: {  	v3 =	vld [tilespmem:s6+$0x3270];
	[tilespmem:s4+$0x70] =	vst v6;
	v1 =	vmov v10  }
0x13c: {  	v10 =	vld [tilespmem:s6+$0x3260];
	[tilespmem:s4+$0x0] =	vst v9  }
0x13d: {  	v6 =	vld [tilespmem:s6+$0x70];
	[tilespmem:s4+$0x40] =	vst v8;
	s4 =	smov.u32 s6  }
0x13e: {  	v7 =	vld [tilespmem:s6+$0x50]  }
.Ltmp4:
0x13f: {  	v11 =	vld [tilespmem:s6+$0x60];
	(pc) =	sbr.rel @p1 .LBB2_10-.Ltmp4, $4  }
0x140: {  	v13 =	vld [tilespmem:s6+$0x20]  }
0x141: {  	v12 =	vld [tilespmem:s6+$0x3210]  }
0x142: {  	v8 =	vld [tilespmem:s6+$0x40]  }
0x143: {  	v14 =	vmul.f32 v16, v14;
	s6 =	sadd.s32 $0x80, s6;
	v9 =	vld [tilespmem:s4+$0x0]  }
0x144: {  	v10 =	vmul.f32 v10, v11  }
0x145: {  	v2 =	vmul.f32 v2, v7;
	[tilespmem:s4+$0x30] =	vst v14  }
0x146: {  	v3 =	vmul.f32 v3, v6;
	[tilespmem:s4+$0x60] =	vst v10  }
0x147: {  	v4 =	vmul.f32 v4, v13;
	[tilespmem:s4+$0x50] =	vst v2  }
0x148: {  	v5 =	vmul.f32 v12, v5;
	[tilespmem:s4+$0x70] =	vst v3  }
0x149: {  	[tilespmem:s4+$0x20] =	vst v4;
	v1 =	vmul.f32 v1, v8  }
0x14a: {  	[tilespmem:s4+$0x10] =	vst v5;
	v0 =	vmul.f32 v0, v9  }
0x14b: {  	[tilespmem:s4+$0x40] =	vst v1  }
0x14c: {  	[tilespmem:s4+$0x0] =	vst v0  }
0x14d: {  	v0 =	vld [tilespmem:$0x8C80]  }
0x14e: {  	v1 =	vld [tilespmem:$0xBE80]  }
0x14f: {  	v2 =	vld [tilespmem:$0x8C90]  }
0x150: {  	v3 =	vld [tilespmem:$0xBE90]  }
0x151: {  	v4 =	vld [tilespmem:$0x8CA0]  }
0x152: {  	v5 =	vld [tilespmem:$0xBEA0];
	_ =	sdelay $0x2  }
0x153: {  	v0 =	vmul.f32 v1, v0  }
0x154: {  	v1 =	vmul.f32 v3, v2  }
0x155: {  	[tilespmem:$0x8C80] =	vst v0;
	v0 =	vmul.f32 v5, v4  }
0x156: {  	[tilespmem:$0x8C90] =	vst v1  }
0x157: {  	s4 =	simm.s32 $0x6400;
	[tilespmem:$0x8CA0] =	vst v0  }
0x158: {  	[spmem:s20] =	stream.linear.scatter [tilespmem:s4], [sflag:$0x3], $0x28B0, $0x38;
	[tilespmem:$0x1BC28] =	vst v63  }
0x159: {  	_ =	swait.ge [sflag:s29], $0x28B0  }
0x15a: {  	[sflag:s29] =	ssyncset.done $0x0  }
0x15b: {  	[sflag:s29] =	ssyncadd.s32 $0xFFFFD750  }
0x15c: {  	[tilespmem:s4], [sflag:$0x3] =	stream.linear.gather [hbm4b:s21+s3], $0x28B0, $0x38;
	[tilespmem:$0x1BC28] =	vst v63  }
0x15d: {  	_ =	swait.ge [sflag:s29], $0x28B0  }
0x15e: {  	[sflag:s29] =	ssyncset.done $0x0  }
0x15f: {  	[sflag:s29] =	ssyncadd.s32 $0xFFFFD750  }
0x160: {  	[tilespmem:s30], [sflag:$0x3] =	stream.linear.gather [hbm4b:s22+s3], $0x28B0, $0x38;
	[tilespmem:$0x1BC28] =	vst v63  }
0x161: {  	_ =	swait.ge [sflag:s29], $0x28B0  }
0x162: {  	[sflag:s29] =	ssyncset.done $0x0  }
0x163: {  	[sflag:s29] =	ssyncadd.s32 $0xFFFFD750  }
0x164: {  	v0 =	vld [tilespmem:s4+$0x3200]  }
0x165: {  	v14 =	vld [tilespmem:s4+$0x3230]  }
0x166: {  	v1 =	vld [tilespmem:s4+$0x3240]  }
0x167: {  	v15 =	vld [tilespmem:s4+$0x30]  }
0x168: {  	v4 =	vld [tilespmem:s4+$0x3220]  }
0x169: {  	v2 =	vld [tilespmem:s4+$0x3250]  }
0x16a: {  	v5 =	vld [tilespmem:s4+$0x10]  }
0x16b: {  	v3 =	vld [tilespmem:s4+$0x3270]  }
0x16c: {  	v10 =	vld [tilespmem:s4+$0x3260]  }
0x16d: {  	v6 =	vld [tilespmem:s4+$0x70]  }
0x16e: {  	v7 =	vld [tilespmem:s4+$0x50]  }
0x16f: {  	v11 =	vld [tilespmem:s4+$0x60]  }
0x170: {  	v13 =	vld [tilespmem:s4+$0x20]  }
0x171: {  	v12 =	vld [tilespmem:s4+$0x3210]  }
0x172: {  	v8 =	vld [tilespmem:s4+$0x40]  }
0x173: {  	s5 =	simm.s32 $0x0;
	s6 =	simm.s32 $0x6480;
	v9 =	vld [tilespmem:s4+$0x0];
	v14 =	vmul.f32 v14, v15  }
.LBB2_12:
0x174: {  	v15 =	vld [tilespmem:s6+$0x3200];
	s5 =	sadd.s32 $0x8, s5  }
0x175: {  	v16 =	vld [tilespmem:s6+$0x3230];
	p1 =	slt.u32 s5, $0x280;
	v13 =	vmul.f32 v4, v13;
	[tilespmem:s4+$0x30] =	vst v14;
	v4 =	vmul.f32 v10, v11  }
0x176: {  	v10 =	vld [tilespmem:s6+$0x3240];
	v5 =	vmul.f32 v12, v5  }
0x177: {  	v7 =	vmul.f32 v2, v7;
	v6 =	vmul.f32 v3, v6;
	v14 =	vld [tilespmem:s6+$0x30];
	[tilespmem:s4+$0x60] =	vst v4  }
0x178: {  	v8 =	vmul.f32 v1, v8;
	v4 =	vld [tilespmem:s6+$0x3220];
	[tilespmem:s4+$0x20] =	vst v13  }
0x179: {  	v2 =	vld [tilespmem:s6+$0x3250];
	[tilespmem:s4+$0x10] =	vst v5  }
0x17a: {  	v9 =	vmul.f32 v0, v9;
	v0 =	vmov v15;
	v5 =	vld [tilespmem:s6+$0x10];
	[tilespmem:s4+$0x50] =	vst v7  }
0x17b: {  	v3 =	vld [tilespmem:s6+$0x3270];
	[tilespmem:s4+$0x70] =	vst v6;
	v1 =	vmov v10  }
0x17c: {  	v10 =	vld [tilespmem:s6+$0x3260];
	[tilespmem:s4+$0x0] =	vst v9  }
0x17d: {  	v6 =	vld [tilespmem:s6+$0x70];
	[tilespmem:s4+$0x40] =	vst v8;
	s4 =	smov.u32 s6  }
0x17e: {  	v7 =	vld [tilespmem:s6+$0x50]  }
.Ltmp5:
0x17f: {  	v11 =	vld [tilespmem:s6+$0x60];
	(pc) =	sbr.rel @p1 .LBB2_12-.Ltmp5, $4  }
0x180: {  	v13 =	vld [tilespmem:s6+$0x20]  }
0x181: {  	v12 =	vld [tilespmem:s6+$0x3210]  }
0x182: {  	v8 =	vld [tilespmem:s6+$0x40]  }
0x183: {  	v14 =	vmul.f32 v16, v14;
	s6 =	sadd.s32 $0x80, s6;
	v9 =	vld [tilespmem:s4+$0x0]  }
0x184: {  	v10 =	vmul.f32 v10, v11  }
0x185: {  	v2 =	vmul.f32 v2, v7;
	[tilespmem:s4+$0x30] =	vst v14  }
0x186: {  	v3 =	vmul.f32 v3, v6;
	[tilespmem:s4+$0x60] =	vst v10  }
0x187: {  	v4 =	vmul.f32 v4, v13;
	[tilespmem:s4+$0x50] =	vst v2  }
0x188: {  	v5 =	vmul.f32 v12, v5;
	[tilespmem:s4+$0x70] =	vst v3  }
0x189: {  	[tilespmem:s4+$0x20] =	vst v4;
	v1 =	vmul.f32 v1, v8  }
0x18a: {  	[tilespmem:s4+$0x10] =	vst v5;
	v0 =	vmul.f32 v0, v9  }
0x18b: {  	[tilespmem:s4+$0x40] =	vst v1  }
0x18c: {  	[tilespmem:s4+$0x0] =	vst v0  }
0x18d: {  	v0 =	vld [tilespmem:$0x8C80]  }
0x18e: {  	v1 =	vld [tilespmem:$0xBE80]  }
0x18f: {  	v2 =	vld [tilespmem:$0x8C90]  }
0x190: {  	v3 =	vld [tilespmem:$0xBE90]  }
0x191: {  	v4 =	vld [tilespmem:$0x8CA0]  }
0x192: {  	v5 =	vld [tilespmem:$0xBEA0];
	_ =	sdelay $0x2  }
0x193: {  	v0 =	vmul.f32 v1, v0  }
0x194: {  	v62 =	vmul.f32 v3, v2  }
0x195: {  	v63 =	vmul.f32 v5, v4;
	[tilespmem:$0x8C80] =	vst v0  }
0x196: {  	[tilespmem:$0x8C90] =	vst v62  }
0x197: {  	[tilespmem:$0x8CA0] =	vst v63  }
0x198: {  	[spmem:s23] =	stream.linear.scatter [tilespmem:s31], [sflag:$0x3], $0x28B0, $0x38;
	[tilespmem:$0x1BC28] =	vst v63  }
0x199: {  	_ =	swait.ge [sflag:s29], $0x28B0  }
0x19a: {  	s5 =	simm.s32 @!p0 $0x6400;
	[sflag:s29] =	ssyncset.done $0x0  }
0x19b: {  	s6 =	simm.s32 @!p0 $0x3;
	s4 =	simm.s32 @!p0 $0x0;
	[sflag:s29] =	ssyncadd.s32 $0xFFFFD750  }
0x19c: {  	[tilespmem:s5], [sflag:$0x3] =	stream.linear.gather @!p0 [hbm4b:s24+s4], $0x80, $0x38;
	[tilespmem:$0x1BC28] =	vst v63  }
0x19d: {  	_ =	swait.ge @!p0 [sflag:s6], $0x80  }
0x19e: {  	[sflag:s6] =	ssyncset.done @!p0 $0x0  }
0x19f: {  	s7 =	simm.s32 @!p0 $0x9600;
	[sflag:s6] =	ssyncadd.s32 @!p0 $0xFFFFFF80  }
0x1a0: {  	[tilespmem:s7], [sflag:$0x3] =	stream.linear.gather @!p0 [hbm4b:s25+s4], $0x80, $0x38;
	[tilespmem:$0x1BC28] =	vst v63  }
0x1a1: {  	_ =	swait.ge @!p0 [sflag:s6], $0x80  }
0x1a2: {  	[sflag:s6] =	ssyncset.done @!p0 $0x0  }
0x1a3: {  	[sflag:s6] =	ssyncadd.s32 @!p0 $0xFFFFFF80  }
0x1a4: {  	v0 =	vld @!p0 [tilespmem:$0x6400]  }
0x1a5: {  	v1 =	vld @!p0 [tilespmem:$0x9600]  }
0x1a6: {  	v2 =	vld @!p0 [tilespmem:$0x6410]  }
0x1a7: {  	v3 =	vld @!p0 [tilespmem:$0x9610]  }
0x1a8: {  	v4 =	vld @!p0 [tilespmem:$0x6420]  }
0x1a9: {  	v5 =	vld @!p0 [tilespmem:$0x9620]  }
0x1aa: {  	v6 =	vld @!p0 [tilespmem:$0x6430]  }
0x1ab: {  	v7 =	vld @!p0 [tilespmem:$0x9630]  }
0x1ac: {  	v8 =	vld @!p0 [tilespmem:$0x6440]  }
0x1ad: {  	v9 =	vld @!p0 [tilespmem:$0x9640]  }
0x1ae: {  	v10 =	vld @!p0 [tilespmem:$0x6450]  }
0x1af: {  	v11 =	vld @!p0 [tilespmem:$0x9650]  }
0x1b0: {  	v12 =	vld @!p0 [tilespmem:$0x6460]  }
0x1b1: {  	v0 =	vmul.f32 @!p0 v1, v0;
	v1 =	vld @!p0 [tilespmem:$0x9660]  }
0x1b2: {  	v2 =	vmul.f32 @!p0 v3, v2;
	v3 =	vld @!p0 [tilespmem:$0x6470]  }
0x1b3: {  	[tilespmem:$0x6400] =	vst @!p0 v0;
	v0 =	vmul.f32 @!p0 v5, v4;
	v4 =	vld @!p0 [tilespmem:$0x9670]  }
0x1b4: {  	[tilespmem:$0x6410] =	vst @!p0 v2;
	v2 =	vmul.f32 @!p0 v7, v6  }
0x1b5: {  	[tilespmem:$0x6420] =	vst @!p0 v0;
	v0 =	vmul.f32 @!p0 v9, v8  }
0x1b6: {  	[tilespmem:$0x6430] =	vst @!p0 v2;
	v2 =	vmul.f32 @!p0 v11, v10  }
0x1b7: {  	[tilespmem:$0x6440] =	vst @!p0 v0;
	v0 =	vmul.f32 @!p0 v1, v12  }
0x1b8: {  	[tilespmem:$0x6450] =	vst @!p0 v2;
	v1 =	vmul.f32 @!p0 v4, v3  }
0x1b9: {  	[tilespmem:$0x6460] =	vst @!p0 v0  }
0x1ba: {  	[tilespmem:$0x6470] =	vst @!p0 v1  }
0x1bb: {  	[spmem:s28] =	stream.linear.scatter @!p0 [tilespmem:s5], [sflag:$0x3], $0x80, $0x38;
	[tilespmem:$0x1BC28] =	vst v63  }
0x1bc: {  	_ =	swait.ge @!p0 [sflag:s6], $0x80  }
0x1bd: {  	[sflag:s6] =	ssyncset.done @!p0 $0x0  }
0x1be: {  	[sflag:s6] =	ssyncadd.s32 @!p0 $0xFFFFFF80  }
0x1bf: {  	[bflag:$0x0] =	sbarrier.arrive $0xFFFF  }
0x1c0: {  	_ =	swait.ge [sflag:s1], $0x6400  }
0x1c1: {  	[sflag:s1] =	ssyncset.done $0x0  }
0x1c2: {  	[sflag:s1] =	ssyncadd.s32 $0xFFFF9C00  }
0x1c3: {  	s7 =	rddreg [dreg:$0x4]  }
0x1c4: {  	[tilespmem:s31], [sflag:$0x1] =	stream.indirect.gather [spmem:s7], $0x1, s3, s31, $0xb8;
	[tilespmem:$0x1BC28] =	vst v63  }
0x1c5: {  	s2 =	sadd.s32 $0x1, s2;
	_ =	swait.ge [sflag:s0], $0x6400  }
0x1c6: {  	p1 =	sne.s32 s2, s26;
	[sflag:s0] =	ssyncset.done $0x0  }
.Ltmp6:
0x1c7: {  	[sflag:s0] =	ssyncadd.s32 $0xFFFF9C00;
	(pc) =	sbr.rel @p1 .LBB2_1-.Ltmp6, $4  }
0x1c8: {  	[hbm4b:s19+s3] =	stream.linear.scatter [tilespmem:s31], [sflag:$0x3], $0x6400, $0x38;
	[tilespmem:$0x1BC28] =	vst v63  }
0x1c9: {  	_ =	swait.ge [sflag:s29], $0x6400  }
0x1ca: {  	[sflag:s29] =	ssyncset.done $0x0  }
0x1cb: {  	[sflag:s29] =	ssyncadd.s32 $0xFFFF9C00  }
0x1cc: {  	_ =	sfence.sel $0x180000  }
0x1cd: {  	[bflag:$0x0] =	sbarrier.arrive $0xFFFF  }
0x1ce: {  	_ =	strace $0x90000047  }
0x1cf: {  	s0 =	stileid.u32;
	[bflag:$0x2] =	sbarrier.arrive $0xFFFF  }
0x1d0: {  	p0 =	sne.s32 s0, $0x0;
	s0 =	rddreg [dreg:$0x5]  }
0x1d1: {  	s0 =	sadd.s32 @!p0 $0x100000, s0  }
0x1d2: {  	[sflag:s0] =	ssyncadd.tile.s32 @!p0 $0x1;
	_ =	shalt  }
.Lfunc_end2:
_tile_overlayer_lowered:
.L_overlay_start_2:
0x1d3: {  	(tag) =	ssettag $0x2  }
0x1d4: {  	s0 =	rddreg [dreg:$0x0];
	s2 =	stileid.u32  }
0x1d5: {  	s1 =	rddreg [dreg:$0x1];
	p0 =	sne.s32 s2, $0x0  }
0x1d6: {  	s3 =	rddreg [dreg:$0x2];
	[bflag:$0x3] =	sbarrier.arrive $0xFFFF;
	s2 =	simm.s32 @!p0 $0x1C03  }
0x1d7: {  	[timem:s3], [sflag:s2] =	dma.local @!p0 [hbm:s0], s1  }
0x1d8: {  	s0 =	simm.s32 @!p0 $0x3  }
0x1d9: {  	_ =	swait.ge @!p0 [sflag:s0], s1  }
0x1da: {  	s1 =	ssub.s32 @!p0 $0x0, s1;
	[sflag:s0] =	ssyncset.done @!p0 $0x0  }
0x1db: {  	[sflag:s0] =	ssyncadd.s32 @!p0 s1  }
0x1dc: {  	[bflag:$0x3] =	sbarrier.arrive $0xFFFF  }
0x1dd: {  	_ =	shalt  }

</sc_bundles>
